<compile_context>
chip_gen: v7x
topology: tpu7x:2x2x1
jax: 0.10.2.dev20260603
libtpu: 0.0.44.dev20260713+nightly
codegen_flags: <defaults>
</compile_context>

<pallas_src>
import functools

import jax
import jax.numpy as jnp
from jax import lax
from jax.experimental import pallas as pl
from jax.experimental.pallas import tpu as pltpu
from jax.experimental.pallas import tpu_sc as plsc

N = 10000
M = 128
H = 1280
E = 160000
CH = H // M

NC = 2
NS = 16
NW = NC * NS

PN = 10112
B = 96
NB0 = 88
NB1 = 18
E0 = NS * NB0 * B
E1 = NS * NB1 * B
EP = E0 + E1


def _make_seg_sum(nch, tbl_rows):
    mesh = plsc.VectorSubcoreMesh(
        core_axis_name="c", subcore_axis_name="s",
        num_cores=NC, num_subcores=NS)

    @functools.partial(
        pl.kernel,
        out_type=jax.ShapeDtypeStruct((NC, nch, PN, M), jnp.float32),
        mesh=mesh,
        scratch_types=(
            [pltpu.VMEM_SHARED((PN, M), jnp.float32)]
            + [pltpu.VMEM((NB0, B), jnp.int32)] * 2
            + [pltpu.VMEM((B, M), jnp.float32)] * 2
            + [pltpu.SemaphoreType.DMA] * 2
        ),
    )
    def k(tbl, s0, d0, s1, d1, out, acc, isrc, idst, *rest):
        rows = rest[:2]
        gs = rest[2:4]
        cid = lax.axis_index("c")
        sid = lax.axis_index("s")

        @pl.when(cid == 0)
        def _():
            pltpu.sync_copy(s0.at[sid], isrc)
            pltpu.sync_copy(d0.at[sid], idst)

        @pl.when(cid == 1)
        def _():
            pltpu.sync_copy(s1.at[sid], isrc.at[pl.ds(0, NB1)])
            pltpu.sync_copy(d1.at[sid], idst.at[pl.ds(0, NB1)])

        nbw = lax.select(cid == 0, NB0, NB1)
        rps = PN // NS
        zbase = sid * rps

        zer = jnp.zeros((16,), jnp.float32)

        def chunk_body(c, carry):
            def zrow(r, carry2):
                for j in range(M // 16):
                    rows[0][r, pl.ds(j * 16, 16)] = zer
                return carry2

            lax.fori_loop(0, B, zrow, 0)
            for i in range(rps // B):
                pltpu.sync_copy(rows[0],
                                acc.at[pl.ds(zbase + i * B, B)])
            rem = rps % B
            if rem:
                pltpu.sync_copy(rows[0].at[pl.ds(0, rem)],
                                acc.at[pl.ds(zbase + (rps // B) * B, rem)])
            plsc.subcore_barrier()
            for kk in range(2):
                pltpu.async_copy(tbl.at[c].at[isrc.at[kk]], rows[kk], gs[kk])

            def group(g, carry2):
                for kk in range(2):
                    b = g * 2 + kk
                    pltpu.make_async_copy(
                        tbl.at[c].at[isrc.at[b]], rows[kk], gs[kk]).wait()
                    pltpu.sync_copy(rows[kk], acc.at[idst.at[b]], add=True)
                    nb = b + 2

                    @pl.when(nb < nbw)
                    def _():
                        pltpu.async_copy(
                            tbl.at[c].at[isrc.at[nb]], rows[kk], gs[kk])
                return carry2

            lax.fori_loop(0, nbw // 2, group, 0)
            plsc.subcore_barrier()
            pltpu.sync_copy(acc.at[pl.ds(zbase, rps)],
                            out.at[cid, c, pl.ds(zbase, rps)])
            plsc.subcore_barrier()
            return carry

        lax.fori_loop(0, nch, chunk_body, 0)

    return k


TR0 = 632
TR1 = 400


def _mlp0_body(p_ref, w0_ref, b0_ref, w1_ref, b1_ref, w2_ref, b2_ref, out_ref):
    agg = p_ref[0, 0] + p_ref[1, 0]
    t = jnp.dot(agg, w0_ref[...], preferred_element_type=jnp.float32)
    t = jnp.maximum(t + b0_ref[...], 0.0)
    t = jnp.dot(t, w1_ref[...], preferred_element_type=jnp.float32)
    t = jnp.maximum(t + b1_ref[...], 0.0)
    t = jnp.dot(t, w2_ref[...], preferred_element_type=jnp.float32)
    t = jnp.maximum(t + b2_ref[...], 0.0)
    for c in range(CH):
        out_ref[c] = t[:, c * M:(c + 1) * M]


def _mlp0(p0, W0, b0, W1, b1, W2, b2):
    return pl.pallas_call(
        _mlp0_body,
        grid=(PN // TR0,),
        in_specs=[
            pl.BlockSpec((NC, 1, TR0, M), lambda r: (0, 0, r, 0)),
            pl.BlockSpec((M, H), lambda r: (0, 0)),
            pl.BlockSpec((1, H), lambda r: (0, 0)),
            pl.BlockSpec((H, H), lambda r: (0, 0)),
            pl.BlockSpec((1, H), lambda r: (0, 0)),
            pl.BlockSpec((H, H), lambda r: (0, 0)),
            pl.BlockSpec((1, H), lambda r: (0, 0)),
        ],
        out_specs=pl.BlockSpec((CH, TR0, M), lambda r: (0, r, 0)),
        out_shape=jax.ShapeDtypeStruct((CH, PN, M), jnp.float32),
    )(p0, W0, b0, W1, b1, W2, b2)


def _mlp1_body(p_ref, w0_ref, b0_ref, w1_ref, b1_ref, w2_ref, b2_ref, out_ref):
    agg = jnp.concatenate(
        [p_ref[0, c] + p_ref[1, c] for c in range(CH)], axis=1)
    t = jnp.dot(agg, w0_ref[...], preferred_element_type=jnp.float32)
    t = jnp.maximum(t + b0_ref[...], 0.0)
    t = jnp.dot(t, w1_ref[...], preferred_element_type=jnp.float32)
    t = jnp.maximum(t + b1_ref[...], 0.0)
    t = jnp.dot(t, w2_ref[...], preferred_element_type=jnp.float32)
    t = t + b2_ref[...]
    m = jnp.max(t, axis=1, keepdims=True)
    ex = jnp.exp(t - m)
    s = jnp.sum(ex, axis=1, keepdims=True)
    out_ref[...] = t - m - jnp.log(s)


def _mlp1(p1, W0, b0, W1, b1, W2, b2):
    return pl.pallas_call(
        _mlp1_body,
        grid=(N // TR1,),
        in_specs=[
            pl.BlockSpec((NC, CH, TR1, M), lambda r: (0, 0, r, 0)),
            pl.BlockSpec((H, H), lambda r: (0, 0)),
            pl.BlockSpec((1, H), lambda r: (0, 0)),
            pl.BlockSpec((H, H), lambda r: (0, 0)),
            pl.BlockSpec((1, H), lambda r: (0, 0)),
            pl.BlockSpec((H, H), lambda r: (0, 0)),
            pl.BlockSpec((1, H), lambda r: (0, 0)),
        ],
        out_specs=pl.BlockSpec((TR1, H), lambda r: (r, 0)),
        out_shape=jax.ShapeDtypeStruct((N, H), jnp.float32),
    )(p1, W0, b0, W1, b1, W2, b2)


def kernel(x, edge_index, W0_0, b0_0, W0_1, b0_1, W0_2, b0_2,
           W1_0, b1_0, W1_1, b1_1, W1_2, b1_2):
    src = edge_index[0]
    dst = edge_index[1]
    pad = EP - E
    trash = N + jnp.arange(pad, dtype=jnp.int32) % (PN - N)
    srcp = jnp.concatenate([src, jnp.zeros((pad,), jnp.int32)])
    dstp = jnp.concatenate([dst, trash])
    s0 = srcp[:E0].reshape(NS, NB0, B)
    d0 = dstp[:E0].reshape(NS, NB0, B)
    s1 = srcp[E0:].reshape(NS, NB1, B)
    d1 = dstp[E0:].reshape(NS, NB1, B)

    p0 = _make_seg_sum(1, N)(x.reshape(1, N, M), s0, d0, s1, d1)
    h1 = _mlp0(p0, W0_0, b0_0.reshape(1, H), W0_1, b0_1.reshape(1, H),
               W0_2, b0_2.reshape(1, H))
    p1 = _make_seg_sum(CH, PN)(h1, s0, d0, s1, d1)
    return _mlp1(p1, W1_0, b1_0.reshape(1, H), W1_1, b1_1.reshape(1, H),
                 W1_2, b1_2.reshape(1, H))

# --- scband reference (transcript-rebuilt; emitter-appended) ---
"""Pipeline reference for scband-gnn-22668837388505 (READ-ONLY COPY).

The authoritative reference and input builder live on the scoring server;
editing this copy changes nothing except your own understanding.
"""

import jax, jax.numpy as jnp
import numpy as np

N = 10000
E = 160000
M = 128
H = M * 10  # 1280
EPS = -1.0


def _linear_init(key, fan_in, fan_out):
    kw, kb = jax.random.split(key)
    bound = 1.0 / np.sqrt(fan_in)
    W = jax.random.uniform(kw, (fan_in, fan_out), minval=-bound, maxval=bound, dtype=jnp.float32)
    b = jax.random.uniform(kb, (fan_out,), minval=-bound, maxval=bound, dtype=jnp.float32)
    return W, b


def setup_inputs(seed: int = 0) -> dict:
    key = jax.random.key(seed)
    ks = jax.random.split(key, 8)
    inp = {}
    inp["x"] = jax.random.normal(ks[0], (N, M), dtype=jnp.float32)
    inp["edge_index"] = jax.random.randint(ks[1], (2, E), 0, N, dtype=jnp.int32)
    # conv0 MLP: M -> H -> H -> H
    inp["W0_0"], inp["b0_0"] = _linear_init(ks[2], M, H)
    inp["W0_1"], inp["b0_1"] = _linear_init(ks[3], H, H)
    inp["W0_2"], inp["b0_2"] = _linear_init(ks[4], H, H)
    # conv1 MLP: H -> H -> H -> H
    inp["W1_0"], inp["b1_0"] = _linear_init(ks[5], H, H)
    inp["W1_1"], inp["b1_1"] = _linear_init(ks[6], H, H)
    inp["W1_2"], inp["b1_2"] = _linear_init(ks[7], H, H)
    return inp


def _mlp(h, W0, b0, W1, b1, W2, b2):
    h = jax.nn.relu(h @ W0 + b0)
    h = jax.nn.relu(h @ W1 + b1)
    return h @ W2 + b2


def _gin_conv(x, edge_index, W0, b0, W1, b1, W2, b2):
    src = edge_index[0]
    dst = edge_index[1]
    msgs = jnp.take(x, src, axis=0)                      # gather x_j
    aggr = jax.ops.segment_sum(msgs, dst, num_segments=N)  # scatter-add at dst
    h = (1.0 + EPS) * x + aggr                           # eps = -1.0 -> pure neighbor sum
    return _mlp(h, W0, b0, W1, b1, W2, b2)


def reference(x, edge_index, W0_0, b0_0, W0_1, b0_1, W0_2, b0_2, W1_0, b1_0, W1_1, b1_1, W1_2, b1_2):
    # d = 2: loop runs convs[0] + relu, then convs[1]; final C-output conv is unused (bug preserved)
    h = _gin_conv(x, edge_index, W0_0, b0_0, W0_1, b0_1, W0_2, b0_2)
    h = jax.nn.relu(h)
    h = _gin_conv(h, edge_index, W1_0, b1_0, W1_1, b1_1, W1_2, b1_2)
    return jax.nn.log_softmax(h, axis=1)

if __name__ == "__main__":
    import jax
    _d = setup_inputs()
    print(jax.jit(kernel)(*tuple(_d.values())))

</pallas_src>

<mosaic_0001>
#map = affine_map<(d0, d1) -> (0, 0, 0)>
#map1 = affine_map<(d0, d1) -> (0, 0, 0, 0)>
module attributes {stable_mosaic.version = 14 : i64} {
  func.func @k(%arg0: i32, %arg1: i32, %arg2: memref<1x10000x128xf32, #tpu.memory_space<hbm>>, %arg3: memref<16x88x96xi32, #tpu.memory_space<hbm>>, %arg4: memref<16x88x96xi32, #tpu.memory_space<hbm>>, %arg5: memref<16x18x96xi32, #tpu.memory_space<hbm>>, %arg6: memref<16x18x96xi32, #tpu.memory_space<hbm>>, %arg7: memref<2x1x10112x128xf32, #tpu.memory_space<hbm>>, %arg8: memref<10112x128xf32, #tpu.memory_space<vmem_shared>>, %arg9: memref<88x96xi32, #tpu.memory_space<vmem>>, %arg10: memref<88x96xi32, #tpu.memory_space<vmem>>, %arg11: memref<96x128xf32, #tpu.memory_space<vmem>>, %arg12: memref<96x128xf32, #tpu.memory_space<vmem>>, %arg13: memref<!tpu.dma_semaphore, #tpu.memory_space<semaphore_mem>>, %arg14: memref<!tpu.dma_semaphore, #tpu.memory_space<semaphore_mem>>) attributes {dimension_semantics = [#tpu.dimension_semantics<core_parallel>, #tpu.dimension_semantics<subcore_parallel>], iteration_bounds = array<i64: 2, 16>, scalar_prefetch = 0 : i64, scratch_operands = 7 : i64, tpu.core_type = #tpu.core_type<sc_vector_subcore>, window_params = [{transform_indices = #map}, {transform_indices = #map}, {transform_indices = #map}, {transform_indices = #map}, {transform_indices = #map}, {transform_indices = #map1}]} {
    %eq3A = arith.constant 0 : i32
    %eq3A_0 = arith.cmpi eq, %arg0, %eq3A : i32
    %convert_element_type3A = arith.extui %eq3A_0 : i1 to i32
    %cond3A = arith.constant 0 : i32
    %cond3A_1 = arith.cmpi ne, %convert_element_type3A, %cond3A : i32
    scf.if %cond3A_1 {
      "tpu.region"() ({
        %run_scoped3A = tpu.sem_alloc : memref<!tpu.dma_semaphore, #tpu.memory_space<semaphore_mem>>
        %dma_start3A_83 = arith.constant 0 : i32
        %dma_start3A_84 = arith.constant 0 : i32
        %dma_start3A_85 = tpu.memref_slice %arg3[%arg1, %dma_start3A_83, %dma_start3A_84] : memref<16x88x96xi32, #tpu.memory_space<hbm>> -> memref<1x88x96xi32, #tpu.memory_space<hbm>>
        %dma_start3A_86 = tpu.memref_squeeze %dma_start3A_85 : memref<1x88x96xi32, #tpu.memory_space<hbm>> -> memref<88x96xi32, #tpu.memory_space<hbm>>
        %dma_start3A_87 = arith.constant 0 : i32
        %dma_start3A_88 = arith.constant 0 : i32
        %dma_start3A_89 = tpu.memref_slice %arg3[%arg1, %dma_start3A_87, %dma_start3A_88] : memref<16x88x96xi32, #tpu.memory_space<hbm>> -> memref<1x88x96xi32, #tpu.memory_space<hbm>>
        %dma_start3A_90 = tpu.memref_squeeze %dma_start3A_89 : memref<1x88x96xi32, #tpu.memory_space<hbm>> -> memref<88x96xi32, #tpu.memory_space<hbm>>
        tpu.enqueue_dma source(%dma_start3A_90 : memref<88x96xi32, #tpu.memory_space<hbm>>) target(%arg9 : memref<88x96xi32, #tpu.memory_space<vmem>>) target_semaphore(%run_scoped3A : memref<!tpu.dma_semaphore, #tpu.memory_space<semaphore_mem>>)
        %dma_wait3A = arith.constant 0 : i32
        %dma_wait3A_91 = arith.constant 0 : i32
        %dma_wait3A_92 = tpu.memref_slice %arg3[%arg1, %dma_wait3A, %dma_wait3A_91] : memref<16x88x96xi32, #tpu.memory_space<hbm>> -> memref<1x88x96xi32, #tpu.memory_space<hbm>>
        %dma_wait3A_93 = tpu.memref_squeeze %dma_wait3A_92 : memref<1x88x96xi32, #tpu.memory_space<hbm>> -> memref<88x96xi32, #tpu.memory_space<hbm>>
        %dma_wait3A_94 = arith.constant 0 : i32
        %dma_wait3A_95 = arith.constant 0 : i32
        %dma_wait3A_96 = tpu.memref_slice %arg3[%arg1, %dma_wait3A_94, %dma_wait3A_95] : memref<16x88x96xi32, #tpu.memory_space<hbm>> -> memref<1x88x96xi32, #tpu.memory_space<hbm>>
        %dma_wait3A_97 = tpu.memref_squeeze %dma_wait3A_96 : memref<1x88x96xi32, #tpu.memory_space<hbm>> -> memref<88x96xi32, #tpu.memory_space<hbm>>
        tpu.wait_dma2 semaphore(%run_scoped3A : memref<!tpu.dma_semaphore, #tpu.memory_space<semaphore_mem>>) src(%dma_wait3A_97 : memref<88x96xi32, #tpu.memory_space<hbm>>) dst(%arg9 : memref<88x96xi32, #tpu.memory_space<vmem>>)
        tpu.yield
      }) : () -> ()
      "tpu.region"() ({
        %run_scoped3A = tpu.sem_alloc : memref<!tpu.dma_semaphore, #tpu.memory_space<semaphore_mem>>
        %dma_start3A_83 = arith.constant 0 : i32
        %dma_start3A_84 = arith.constant 0 : i32
        %dma_start3A_85 = tpu.memref_slice %arg4[%arg1, %dma_start3A_83, %dma_start3A_84] : memref<16x88x96xi32, #tpu.memory_space<hbm>> -> memref<1x88x96xi32, #tpu.memory_space<hbm>>
        %dma_start3A_86 = tpu.memref_squeeze %dma_start3A_85 : memref<1x88x96xi32, #tpu.memory_space<hbm>> -> memref<88x96xi32, #tpu.memory_space<hbm>>
        %dma_start3A_87 = arith.constant 0 : i32
        %dma_start3A_88 = arith.constant 0 : i32
        %dma_start3A_89 = tpu.memref_slice %arg4[%arg1, %dma_start3A_87, %dma_start3A_88] : memref<16x88x96xi32, #tpu.memory_space<hbm>> -> memref<1x88x96xi32, #tpu.memory_space<hbm>>
        %dma_start3A_90 = tpu.memref_squeeze %dma_start3A_89 : memref<1x88x96xi32, #tpu.memory_space<hbm>> -> memref<88x96xi32, #tpu.memory_space<hbm>>
        tpu.enqueue_dma source(%dma_start3A_90 : memref<88x96xi32, #tpu.memory_space<hbm>>) target(%arg10 : memref<88x96xi32, #tpu.memory_space<vmem>>) target_semaphore(%run_scoped3A : memref<!tpu.dma_semaphore, #tpu.memory_space<semaphore_mem>>)
        %dma_wait3A = arith.constant 0 : i32
        %dma_wait3A_91 = arith.constant 0 : i32
        %dma_wait3A_92 = tpu.memref_slice %arg4[%arg1, %dma_wait3A, %dma_wait3A_91] : memref<16x88x96xi32, #tpu.memory_space<hbm>> -> memref<1x88x96xi32, #tpu.memory_space<hbm>>
        %dma_wait3A_93 = tpu.memref_squeeze %dma_wait3A_92 : memref<1x88x96xi32, #tpu.memory_space<hbm>> -> memref<88x96xi32, #tpu.memory_space<hbm>>
        %dma_wait3A_94 = arith.constant 0 : i32
        %dma_wait3A_95 = arith.constant 0 : i32
        %dma_wait3A_96 = tpu.memref_slice %arg4[%arg1, %dma_wait3A_94, %dma_wait3A_95] : memref<16x88x96xi32, #tpu.memory_space<hbm>> -> memref<1x88x96xi32, #tpu.memory_space<hbm>>
        %dma_wait3A_97 = tpu.memref_squeeze %dma_wait3A_96 : memref<1x88x96xi32, #tpu.memory_space<hbm>> -> memref<88x96xi32, #tpu.memory_space<hbm>>
        tpu.wait_dma2 semaphore(%run_scoped3A : memref<!tpu.dma_semaphore, #tpu.memory_space<semaphore_mem>>) src(%dma_wait3A_97 : memref<88x96xi32, #tpu.memory_space<hbm>>) dst(%arg10 : memref<88x96xi32, #tpu.memory_space<vmem>>)
        tpu.yield
      }) : () -> ()
    } else {
    }
    %eq3A_2 = arith.constant 1 : i32
    %eq3A_3 = arith.cmpi eq, %arg0, %eq3A_2 : i32
    %convert_element_type3A_4 = arith.extui %eq3A_3 : i1 to i32
    %cond3A_5 = arith.constant 0 : i32
    %cond3A_6 = arith.cmpi ne, %convert_element_type3A_4, %cond3A_5 : i32
    scf.if %cond3A_6 {
      "tpu.region"() ({
        %run_scoped3A = tpu.sem_alloc : memref<!tpu.dma_semaphore, #tpu.memory_space<semaphore_mem>>
        %dma_start3A_83 = arith.constant 0 : i32
        %dma_start3A_84 = arith.constant 0 : i32
        %dma_start3A_85 = tpu.memref_slice %arg9[%dma_start3A_83, %dma_start3A_84] : memref<88x96xi32, #tpu.memory_space<vmem>> -> memref<18x96xi32, #tpu.memory_space<vmem>>
        %dma_start3A_86 = arith.constant 0 : i32
        %dma_start3A_87 = arith.constant 0 : i32
        %dma_start3A_88 = tpu.memref_slice %arg5[%arg1, %dma_start3A_86, %dma_start3A_87] : memref<16x18x96xi32, #tpu.memory_space<hbm>> -> memref<1x18x96xi32, #tpu.memory_space<hbm>>
        %dma_start3A_89 = tpu.memref_squeeze %dma_start3A_88 : memref<1x18x96xi32, #tpu.memory_space<hbm>> -> memref<18x96xi32, #tpu.memory_space<hbm>>
        %dma_start3A_90 = arith.constant 0 : i32
        %dma_start3A_91 = arith.constant 0 : i32
        %dma_start3A_92 = tpu.memref_slice %arg9[%dma_start3A_90, %dma_start3A_91] : memref<88x96xi32, #tpu.memory_space<vmem>> -> memref<18x96xi32, #tpu.memory_space<vmem>>
        %dma_start3A_93 = arith.constant 0 : i32
        %dma_start3A_94 = arith.constant 0 : i32
        %dma_start3A_95 = tpu.memref_slice %arg5[%arg1, %dma_start3A_93, %dma_start3A_94] : memref<16x18x96xi32, #tpu.memory_space<hbm>> -> memref<1x18x96xi32, #tpu.memory_space<hbm>>
        %dma_start3A_96 = tpu.memref_squeeze %dma_start3A_95 : memref<1x18x96xi32, #tpu.memory_space<hbm>> -> memref<18x96xi32, #tpu.memory_space<hbm>>
        tpu.enqueue_dma source(%dma_start3A_96 : memref<18x96xi32, #tpu.memory_space<hbm>>) target(%dma_start3A_92 : memref<18x96xi32, #tpu.memory_space<vmem>>) target_semaphore(%run_scoped3A : memref<!tpu.dma_semaphore, #tpu.memory_space<semaphore_mem>>)
        %dma_wait3A = arith.constant 0 : i32
        %dma_wait3A_97 = arith.constant 0 : i32
        %dma_wait3A_98 = tpu.memref_slice %arg9[%dma_wait3A, %dma_wait3A_97] : memref<88x96xi32, #tpu.memory_space<vmem>> -> memref<18x96xi32, #tpu.memory_space<vmem>>
        %dma_wait3A_99 = arith.constant 0 : i32
        %dma_wait3A_100 = arith.constant 0 : i32
        %dma_wait3A_101 = tpu.memref_slice %arg5[%arg1, %dma_wait3A_99, %dma_wait3A_100] : memref<16x18x96xi32, #tpu.memory_space<hbm>> -> memref<1x18x96xi32, #tpu.memory_space<hbm>>
        %dma_wait3A_102 = tpu.memref_squeeze %dma_wait3A_101 : memref<1x18x96xi32, #tpu.memory_space<hbm>> -> memref<18x96xi32, #tpu.memory_space<hbm>>
        %dma_wait3A_103 = arith.constant 0 : i32
        %dma_wait3A_104 = arith.constant 0 : i32
        %dma_wait3A_105 = tpu.memref_slice %arg9[%dma_wait3A_103, %dma_wait3A_104] : memref<88x96xi32, #tpu.memory_space<vmem>> -> memref<18x96xi32, #tpu.memory_space<vmem>>
        %dma_wait3A_106 = arith.constant 0 : i32
        %dma_wait3A_107 = arith.constant 0 : i32
        %dma_wait3A_108 = tpu.memref_slice %arg5[%arg1, %dma_wait3A_106, %dma_wait3A_107] : memref<16x18x96xi32, #tpu.memory_space<hbm>> -> memref<1x18x96xi32, #tpu.memory_space<hbm>>
        %dma_wait3A_109 = tpu.memref_squeeze %dma_wait3A_108 : memref<1x18x96xi32, #tpu.memory_space<hbm>> -> memref<18x96xi32, #tpu.memory_space<hbm>>
        tpu.wait_dma2 semaphore(%run_scoped3A : memref<!tpu.dma_semaphore, #tpu.memory_space<semaphore_mem>>) src(%dma_wait3A_109 : memref<18x96xi32, #tpu.memory_space<hbm>>) dst(%dma_wait3A_105 : memref<18x96xi32, #tpu.memory_space<vmem>>)
        tpu.yield
      }) : () -> ()
      "tpu.region"() ({
        %run_scoped3A = tpu.sem_alloc : memref<!tpu.dma_semaphore, #tpu.memory_space<semaphore_mem>>
        %dma_start3A_83 = arith.constant 0 : i32
        %dma_start3A_84 = arith.constant 0 : i32
        %dma_start3A_85 = tpu.memref_slice %arg10[%dma_start3A_83, %dma_start3A_84] : memref<88x96xi32, #tpu.memory_space<vmem>> -> memref<18x96xi32, #tpu.memory_space<vmem>>
        %dma_start3A_86 = arith.constant 0 : i32
        %dma_start3A_87 = arith.constant 0 : i32
        %dma_start3A_88 = tpu.memref_slice %arg6[%arg1, %dma_start3A_86, %dma_start3A_87] : memref<16x18x96xi32, #tpu.memory_space<hbm>> -> memref<1x18x96xi32, #tpu.memory_space<hbm>>
        %dma_start3A_89 = tpu.memref_squeeze %dma_start3A_88 : memref<1x18x96xi32, #tpu.memory_space<hbm>> -> memref<18x96xi32, #tpu.memory_space<hbm>>
        %dma_start3A_90 = arith.constant 0 : i32
        %dma_start3A_91 = arith.constant 0 : i32
        %dma_start3A_92 = tpu.memref_slice %arg10[%dma_start3A_90, %dma_start3A_91] : memref<88x96xi32, #tpu.memory_space<vmem>> -> memref<18x96xi32, #tpu.memory_space<vmem>>
        %dma_start3A_93 = arith.constant 0 : i32
        %dma_start3A_94 = arith.constant 0 : i32
        %dma_start3A_95 = tpu.memref_slice %arg6[%arg1, %dma_start3A_93, %dma_start3A_94] : memref<16x18x96xi32, #tpu.memory_space<hbm>> -> memref<1x18x96xi32, #tpu.memory_space<hbm>>
        %dma_start3A_96 = tpu.memref_squeeze %dma_start3A_95 : memref<1x18x96xi32, #tpu.memory_space<hbm>> -> memref<18x96xi32, #tpu.memory_space<hbm>>
        tpu.enqueue_dma source(%dma_start3A_96 : memref<18x96xi32, #tpu.memory_space<hbm>>) target(%dma_start3A_92 : memref<18x96xi32, #tpu.memory_space<vmem>>) target_semaphore(%run_scoped3A : memref<!tpu.dma_semaphore, #tpu.memory_space<semaphore_mem>>)
        %dma_wait3A = arith.constant 0 : i32
        %dma_wait3A_97 = arith.constant 0 : i32
        %dma_wait3A_98 = tpu.memref_slice %arg10[%dma_wait3A, %dma_wait3A_97] : memref<88x96xi32, #tpu.memory_space<vmem>> -> memref<18x96xi32, #tpu.memory_space<vmem>>
        %dma_wait3A_99 = arith.constant 0 : i32
        %dma_wait3A_100 = arith.constant 0 : i32
        %dma_wait3A_101 = tpu.memref_slice %arg6[%arg1, %dma_wait3A_99, %dma_wait3A_100] : memref<16x18x96xi32, #tpu.memory_space<hbm>> -> memref<1x18x96xi32, #tpu.memory_space<hbm>>
        %dma_wait3A_102 = tpu.memref_squeeze %dma_wait3A_101 : memref<1x18x96xi32, #tpu.memory_space<hbm>> -> memref<18x96xi32, #tpu.memory_space<hbm>>
        %dma_wait3A_103 = arith.constant 0 : i32
        %dma_wait3A_104 = arith.constant 0 : i32
        %dma_wait3A_105 = tpu.memref_slice %arg10[%dma_wait3A_103, %dma_wait3A_104] : memref<88x96xi32, #tpu.memory_space<vmem>> -> memref<18x96xi32, #tpu.memory_space<vmem>>
        %dma_wait3A_106 = arith.constant 0 : i32
        %dma_wait3A_107 = arith.constant 0 : i32
        %dma_wait3A_108 = tpu.memref_slice %arg6[%arg1, %dma_wait3A_106, %dma_wait3A_107] : memref<16x18x96xi32, #tpu.memory_space<hbm>> -> memref<1x18x96xi32, #tpu.memory_space<hbm>>
        %dma_wait3A_109 = tpu.memref_squeeze %dma_wait3A_108 : memref<1x18x96xi32, #tpu.memory_space<hbm>> -> memref<18x96xi32, #tpu.memory_space<hbm>>
        tpu.wait_dma2 semaphore(%run_scoped3A : memref<!tpu.dma_semaphore, #tpu.memory_space<semaphore_mem>>) src(%dma_wait3A_109 : memref<18x96xi32, #tpu.memory_space<hbm>>) dst(%dma_wait3A_105 : memref<18x96xi32, #tpu.memory_space<vmem>>)
        tpu.yield
      }) : () -> ()
    } else {
    }
    %eq3A_7 = arith.constant 0 : i32
    %eq3A_8 = arith.cmpi eq, %arg0, %eq3A_7 : i32
    %select_n3A = arith.constant 18 : i32
    %select_n3A_9 = arith.constant 88 : i32
    %select_n3A_10 = arith.select %eq3A_8, %select_n3A_9, %select_n3A : i32
    %mul3A = arith.constant 632 : i32
    %mul3A_11 = arith.muli %arg1, %mul3A : i32
    %broadcast_in_dim3A = arith.constant 0.000000e+00 : f32
    %broadcast_in_dim3A_12 = vector.broadcast %broadcast_in_dim3A : f32 to vector<16xf32>
    %scan3A = arith.constant 0 : i32
    %scan3A_13 = arith.constant 0 : i32
    %scan3A_14 = arith.constant 0 : i32
    %scan3A_15 = arith.constant 0 : i32
    %scan3A_16 = arith.constant 96 : i32
    %scan3A_17 = arith.addi %scan3A_15, %scan3A_16 : i32
    %scan3A_18 = arith.constant 1 : i32
    scf.for %scan3A_83 = %scan3A_15 to %scan3A_17 step %scan3A_18  : i32 {
      %swap3A = arith.index_cast %scan3A_83 : i32 to index
      %swap3A_84 = arith.constant 0 : index
      %swap3A_85 = tpu.vector_load %arg11[%swap3A, %swap3A_84] {strides = array<i32>} : memref<96x128xf32, #tpu.memory_space<vmem>>, vector<1x16xf32>,
      %swap3A_86 = vector.shape_cast %swap3A_85 : vector<1x16xf32> to vector<16xf32>
      %swap3A_87 = vector.shape_cast %broadcast_in_dim3A_12 : vector<16xf32> to vector<1x16xf32>
      tpu.vector_store %arg11[%swap3A, %swap3A_84], %swap3A_87 {strides = array<i32>} : memref<96x128xf32, #tpu.memory_space<vmem>>, vector<1x16xf32>,
      %swap3A_88 = arith.index_cast %scan3A_83 : i32 to index
      %swap3A_89 = arith.constant 16 : index
      %swap3A_90 = tpu.vector_load %arg11[%swap3A_88, %swap3A_89] {strides = array<i32>} : memref<96x128xf32, #tpu.memory_space<vmem>>, vector<1x16xf32>,
      %swap3A_91 = vector.shape_cast %swap3A_90 : vector<1x16xf32> to vector<16xf32>
      %swap3A_92 = vector.shape_cast %broadcast_in_dim3A_12 : vector<16xf32> to vector<1x16xf32>
      tpu.vector_store %arg11[%swap3A_88, %swap3A_89], %swap3A_92 {strides = array<i32>} : memref<96x128xf32, #tpu.memory_space<vmem>>, vector<1x16xf32>,
      %swap3A_93 = arith.index_cast %scan3A_83 : i32 to index
      %swap3A_94 = arith.constant 32 : index
      %swap3A_95 = tpu.vector_load %arg11[%swap3A_93, %swap3A_94] {strides = array<i32>} : memref<96x128xf32, #tpu.memory_space<vmem>>, vector<1x16xf32>,
      %swap3A_96 = vector.shape_cast %swap3A_95 : vector<1x16xf32> to vector<16xf32>
      %swap3A_97 = vector.shape_cast %broadcast_in_dim3A_12 : vector<16xf32> to vector<1x16xf32>
      tpu.vector_store %arg11[%swap3A_93, %swap3A_94], %swap3A_97 {strides = array<i32>} : memref<96x128xf32, #tpu.memory_space<vmem>>, vector<1x16xf32>,
      %swap3A_98 = arith.index_cast %scan3A_83 : i32 to index
      %swap3A_99 = arith.constant 48 : index
      %swap3A_100 = tpu.vector_load %arg11[%swap3A_98, %swap3A_99] {strides = array<i32>} : memref<96x128xf32, #tpu.memory_space<vmem>>, vector<1x16xf32>,
      %swap3A_101 = vector.shape_cast %swap3A_100 : vector<1x16xf32> to vector<16xf32>
      %swap3A_102 = vector.shape_cast %broadcast_in_dim3A_12 : vector<16xf32> to vector<1x16xf32>
      tpu.vector_store %arg11[%swap3A_98, %swap3A_99], %swap3A_102 {strides = array<i32>} : memref<96x128xf32, #tpu.memory_space<vmem>>, vector<1x16xf32>,
      %swap3A_103 = arith.index_cast %scan3A_83 : i32 to index
      %swap3A_104 = arith.constant 64 : index
      %swap3A_105 = tpu.vector_load %arg11[%swap3A_103, %swap3A_104] {strides = array<i32>} : memref<96x128xf32, #tpu.memory_space<vmem>>, vector<1x16xf32>,
      %swap3A_106 = vector.shape_cast %swap3A_105 : vector<1x16xf32> to vector<16xf32>
      %swap3A_107 = vector.shape_cast %broadcast_in_dim3A_12 : vector<16xf32> to vector<1x16xf32>
      tpu.vector_store %arg11[%swap3A_103, %swap3A_104], %swap3A_107 {strides = array<i32>} : memref<96x128xf32, #tpu.memory_space<vmem>>, vector<1x16xf32>,
      %swap3A_108 = arith.index_cast %scan3A_83 : i32 to index
      %swap3A_109 = arith.constant 80 : index
      %swap3A_110 = tpu.vector_load %arg11[%swap3A_108, %swap3A_109] {strides = array<i32>} : memref<96x128xf32, #tpu.memory_space<vmem>>, vector<1x16xf32>,
      %swap3A_111 = vector.shape_cast %swap3A_110 : vector<1x16xf32> to vector<16xf32>
      %swap3A_112 = vector.shape_cast %broadcast_in_dim3A_12 : vector<16xf32> to vector<1x16xf32>
      tpu.vector_store %arg11[%swap3A_108, %swap3A_109], %swap3A_112 {strides = array<i32>} : memref<96x128xf32, #tpu.memory_space<vmem>>, vector<1x16xf32>,
      %swap3A_113 = arith.index_cast %scan3A_83 : i32 to index
      %swap3A_114 = arith.constant 96 : index
      %swap3A_115 = tpu.vector_load %arg11[%swap3A_113, %swap3A_114] {strides = array<i32>} : memref<96x128xf32, #tpu.memory_space<vmem>>, vector<1x16xf32>,
      %swap3A_116 = vector.shape_cast %swap3A_115 : vector<1x16xf32> to vector<16xf32>
      %swap3A_117 = vector.shape_cast %broadcast_in_dim3A_12 : vector<16xf32> to vector<1x16xf32>
      tpu.vector_store %arg11[%swap3A_113, %swap3A_114], %swap3A_117 {strides = array<i32>} : memref<96x128xf32, #tpu.memory_space<vmem>>, vector<1x16xf32>,
      %swap3A_118 = arith.index_cast %scan3A_83 : i32 to index
      %swap3A_119 = arith.constant 112 : index
      %swap3A_120 = tpu.vector_load %arg11[%swap3A_118, %swap3A_119] {strides = array<i32>} : memref<96x128xf32, #tpu.memory_space<vmem>>, vector<1x16xf32>,
      %swap3A_121 = vector.shape_cast %swap3A_120 : vector<1x16xf32> to vector<16xf32>
      %swap3A_122 = vector.shape_cast %broadcast_in_dim3A_12 : vector<16xf32> to vector<1x16xf32>
      tpu.vector_store %arg11[%swap3A_118, %swap3A_119], %swap3A_122 {strides = array<i32>} : memref<96x128xf32, #tpu.memory_space<vmem>>, vector<1x16xf32>,
    }
    %scan3A_19 = arith.constant 96 : i32
    %add3A = arith.constant 0 : i32
    %add3A_20 = arith.addi %mul3A_11, %add3A : i32
    "tpu.region"() ({
      %run_scoped3A = tpu.sem_alloc : memref<!tpu.dma_semaphore, #tpu.memory_space<semaphore_mem>>
      %dma_start3A_83 = arith.constant 0 : i32
      %dma_start3A_84 = tpu.memref_slice %arg8[%add3A_20, %dma_start3A_83] : memref<10112x128xf32, #tpu.memory_space<vmem_shared>> -> memref<96x128xf32, #tpu.memory_space<vmem_shared>>
      %dma_start3A_85 = arith.constant 0 : i32
      %dma_start3A_86 = tpu.memref_slice %arg8[%add3A_20, %dma_start3A_85] : memref<10112x128xf32, #tpu.memory_space<vmem_shared>> -> memref<96x128xf32, #tpu.memory_space<vmem_shared>>
      tpu.enqueue_dma source(%arg11 : memref<96x128xf32, #tpu.memory_space<vmem>>) target(%dma_start3A_86 : memref<96x128xf32, #tpu.memory_space<vmem_shared>>) target_semaphore(%run_scoped3A : memref<!tpu.dma_semaphore, #tpu.memory_space<semaphore_mem>>)
      %dma_wait3A = arith.constant 0 : i32
      %dma_wait3A_87 = tpu.memref_slice %arg8[%add3A_20, %dma_wait3A] : memref<10112x128xf32, #tpu.memory_space<vmem_shared>> -> memref<96x128xf32, #tpu.memory_space<vmem_shared>>
      %dma_wait3A_88 = arith.constant 0 : i32
      %dma_wait3A_89 = tpu.memref_slice %arg8[%add3A_20, %dma_wait3A_88] : memref<10112x128xf32, #tpu.memory_space<vmem_shared>> -> memref<96x128xf32, #tpu.memory_space<vmem_shared>>
      tpu.wait_dma2 semaphore(%run_scoped3A : memref<!tpu.dma_semaphore, #tpu.memory_space<semaphore_mem>>) src(%arg11 : memref<96x128xf32, #tpu.memory_space<vmem>>) dst(%dma_wait3A_89 : memref<96x128xf32, #tpu.memory_space<vmem_shared>>)
      tpu.yield
    }) : () -> ()
    %add3A_21 = arith.constant 96 : i32
    %add3A_22 = arith.addi %mul3A_11, %add3A_21 : i32
    "tpu.region"() ({
      %run_scoped3A = tpu.sem_alloc : memref<!tpu.dma_semaphore, #tpu.memory_space<semaphore_mem>>
      %dma_start3A_83 = arith.constant 0 : i32
      %dma_start3A_84 = tpu.memref_slice %arg8[%add3A_22, %dma_start3A_83] : memref<10112x128xf32, #tpu.memory_space<vmem_shared>> -> memref<96x128xf32, #tpu.memory_space<vmem_shared>>
      %dma_start3A_85 = arith.constant 0 : i32
      %dma_start3A_86 = tpu.memref_slice %arg8[%add3A_22, %dma_start3A_85] : memref<10112x128xf32, #tpu.memory_space<vmem_shared>> -> memref<96x128xf32, #tpu.memory_space<vmem_shared>>
      tpu.enqueue_dma source(%arg11 : memref<96x128xf32, #tpu.memory_space<vmem>>) target(%dma_start3A_86 : memref<96x128xf32, #tpu.memory_space<vmem_shared>>) target_semaphore(%run_scoped3A : memref<!tpu.dma_semaphore, #tpu.memory_space<semaphore_mem>>)
      %dma_wait3A = arith.constant 0 : i32
      %dma_wait3A_87 = tpu.memref_slice %arg8[%add3A_22, %dma_wait3A] : memref<10112x128xf32, #tpu.memory_space<vmem_shared>> -> memref<96x128xf32, #tpu.memory_space<vmem_shared>>
      %dma_wait3A_88 = arith.constant 0 : i32
      %dma_wait3A_89 = tpu.memref_slice %arg8[%add3A_22, %dma_wait3A_88] : memref<10112x128xf32, #tpu.memory_space<vmem_shared>> -> memref<96x128xf32, #tpu.memory_space<vmem_shared>>
      tpu.wait_dma2 semaphore(%run_scoped3A : memref<!tpu.dma_semaphore, #tpu.memory_space<semaphore_mem>>) src(%arg11 : memref<96x128xf32, #tpu.memory_space<vmem>>) dst(%dma_wait3A_89 : memref<96x128xf32, #tpu.memory_space<vmem_shared>>)
      tpu.yield
    }) : () -> ()
    %add3A_23 = arith.constant 192 : i32
    %add3A_24 = arith.addi %mul3A_11, %add3A_23 : i32
    "tpu.region"() ({
      %run_scoped3A = tpu.sem_alloc : memref<!tpu.dma_semaphore, #tpu.memory_space<semaphore_mem>>
      %dma_start3A_83 = arith.constant 0 : i32
      %dma_start3A_84 = tpu.memref_slice %arg8[%add3A_24, %dma_start3A_83] : memref<10112x128xf32, #tpu.memory_space<vmem_shared>> -> memref<96x128xf32, #tpu.memory_space<vmem_shared>>
      %dma_start3A_85 = arith.constant 0 : i32
      %dma_start3A_86 = tpu.memref_slice %arg8[%add3A_24, %dma_start3A_85] : memref<10112x128xf32, #tpu.memory_space<vmem_shared>> -> memref<96x128xf32, #tpu.memory_space<vmem_shared>>
      tpu.enqueue_dma source(%arg11 : memref<96x128xf32, #tpu.memory_space<vmem>>) target(%dma_start3A_86 : memref<96x128xf32, #tpu.memory_space<vmem_shared>>) target_semaphore(%run_scoped3A : memref<!tpu.dma_semaphore, #tpu.memory_space<semaphore_mem>>)
      %dma_wait3A = arith.constant 0 : i32
      %dma_wait3A_87 = tpu.memref_slice %arg8[%add3A_24, %dma_wait3A] : memref<10112x128xf32, #tpu.memory_space<vmem_shared>> -> memref<96x128xf32, #tpu.memory_space<vmem_shared>>
      %dma_wait3A_88 = arith.constant 0 : i32
      %dma_wait3A_89 = tpu.memref_slice %arg8[%add3A_24, %dma_wait3A_88] : memref<10112x128xf32, #tpu.memory_space<vmem_shared>> -> memref<96x128xf32, #tpu.memory_space<vmem_shared>>
      tpu.wait_dma2 semaphore(%run_scoped3A : memref<!tpu.dma_semaphore, #tpu.memory_space<semaphore_mem>>) src(%arg11 : memref<96x128xf32, #tpu.memory_space<vmem>>) dst(%dma_wait3A_89 : memref<96x128xf32, #tpu.memory_space<vmem_shared>>)
      tpu.yield
    }) : () -> ()
    %add3A_25 = arith.constant 288 : i32
    %add3A_26 = arith.addi %mul3A_11, %add3A_25 : i32
    "tpu.region"() ({
      %run_scoped3A = tpu.sem_alloc : memref<!tpu.dma_semaphore, #tpu.memory_space<semaphore_mem>>
      %dma_start3A_83 = arith.constant 0 : i32
      %dma_start3A_84 = tpu.memref_slice %arg8[%add3A_26, %dma_start3A_83] : memref<10112x128xf32, #tpu.memory_space<vmem_shared>> -> memref<96x128xf32, #tpu.memory_space<vmem_shared>>
      %dma_start3A_85 = arith.constant 0 : i32
      %dma_start3A_86 = tpu.memref_slice %arg8[%add3A_26, %dma_start3A_85] : memref<10112x128xf32, #tpu.memory_space<vmem_shared>> -> memref<96x128xf32, #tpu.memory_space<vmem_shared>>
      tpu.enqueue_dma source(%arg11 : memref<96x128xf32, #tpu.memory_space<vmem>>) target(%dma_start3A_86 : memref<96x128xf32, #tpu.memory_space<vmem_shared>>) target_semaphore(%run_scoped3A : memref<!tpu.dma_semaphore, #tpu.memory_space<semaphore_mem>>)
      %dma_wait3A = arith.constant 0 : i32
      %dma_wait3A_87 = tpu.memref_slice %arg8[%add3A_26, %dma_wait3A] : memref<10112x128xf32, #tpu.memory_space<vmem_shared>> -> memref<96x128xf32, #tpu.memory_space<vmem_shared>>
      %dma_wait3A_88 = arith.constant 0 : i32
      %dma_wait3A_89 = tpu.memref_slice %arg8[%add3A_26, %dma_wait3A_88] : memref<10112x128xf32, #tpu.memory_space<vmem_shared>> -> memref<96x128xf32, #tpu.memory_space<vmem_shared>>
      tpu.wait_dma2 semaphore(%run_scoped3A : memref<!tpu.dma_semaphore, #tpu.memory_space<semaphore_mem>>) src(%arg11 : memref<96x128xf32, #tpu.memory_space<vmem>>) dst(%dma_wait3A_89 : memref<96x128xf32, #tpu.memory_space<vmem_shared>>)
      tpu.yield
    }) : () -> ()
    %add3A_27 = arith.constant 384 : i32
    %add3A_28 = arith.addi %mul3A_11, %add3A_27 : i32
    "tpu.region"() ({
      %run_scoped3A = tpu.sem_alloc : memref<!tpu.dma_semaphore, #tpu.memory_space<semaphore_mem>>
      %dma_start3A_83 = arith.constant 0 : i32
      %dma_start3A_84 = tpu.memref_slice %arg8[%add3A_28, %dma_start3A_83] : memref<10112x128xf32, #tpu.memory_space<vmem_shared>> -> memref<96x128xf32, #tpu.memory_space<vmem_shared>>
      %dma_start3A_85 = arith.constant 0 : i32
      %dma_start3A_86 = tpu.memref_slice %arg8[%add3A_28, %dma_start3A_85] : memref<10112x128xf32, #tpu.memory_space<vmem_shared>> -> memref<96x128xf32, #tpu.memory_space<vmem_shared>>
      tpu.enqueue_dma source(%arg11 : memref<96x128xf32, #tpu.memory_space<vmem>>) target(%dma_start3A_86 : memref<96x128xf32, #tpu.memory_space<vmem_shared>>) target_semaphore(%run_scoped3A : memref<!tpu.dma_semaphore, #tpu.memory_space<semaphore_mem>>)
      %dma_wait3A = arith.constant 0 : i32
      %dma_wait3A_87 = tpu.memref_slice %arg8[%add3A_28, %dma_wait3A] : memref<10112x128xf32, #tpu.memory_space<vmem_shared>> -> memref<96x128xf32, #tpu.memory_space<vmem_shared>>
      %dma_wait3A_88 = arith.constant 0 : i32
      %dma_wait3A_89 = tpu.memref_slice %arg8[%add3A_28, %dma_wait3A_88] : memref<10112x128xf32, #tpu.memory_space<vmem_shared>> -> memref<96x128xf32, #tpu.memory_space<vmem_shared>>
      tpu.wait_dma2 semaphore(%run_scoped3A : memref<!tpu.dma_semaphore, #tpu.memory_space<semaphore_mem>>) src(%arg11 : memref<96x128xf32, #tpu.memory_space<vmem>>) dst(%dma_wait3A_89 : memref<96x128xf32, #tpu.memory_space<vmem_shared>>)
      tpu.yield
    }) : () -> ()
    %add3A_29 = arith.constant 480 : i32
    %add3A_30 = arith.addi %mul3A_11, %add3A_29 : i32
    "tpu.region"() ({
      %run_scoped3A = tpu.sem_alloc : memref<!tpu.dma_semaphore, #tpu.memory_space<semaphore_mem>>
      %dma_start3A_83 = arith.constant 0 : i32
      %dma_start3A_84 = tpu.memref_slice %arg8[%add3A_30, %dma_start3A_83] : memref<10112x128xf32, #tpu.memory_space<vmem_shared>> -> memref<96x128xf32, #tpu.memory_space<vmem_shared>>
      %dma_start3A_85 = arith.constant 0 : i32
      %dma_start3A_86 = tpu.memref_slice %arg8[%add3A_30, %dma_start3A_85] : memref<10112x128xf32, #tpu.memory_space<vmem_shared>> -> memref<96x128xf32, #tpu.memory_space<vmem_shared>>
      tpu.enqueue_dma source(%arg11 : memref<96x128xf32, #tpu.memory_space<vmem>>) target(%dma_start3A_86 : memref<96x128xf32, #tpu.memory_space<vmem_shared>>) target_semaphore(%run_scoped3A : memref<!tpu.dma_semaphore, #tpu.memory_space<semaphore_mem>>)
      %dma_wait3A = arith.constant 0 : i32
      %dma_wait3A_87 = tpu.memref_slice %arg8[%add3A_30, %dma_wait3A] : memref<10112x128xf32, #tpu.memory_space<vmem_shared>> -> memref<96x128xf32, #tpu.memory_space<vmem_shared>>
      %dma_wait3A_88 = arith.constant 0 : i32
      %dma_wait3A_89 = tpu.memref_slice %arg8[%add3A_30, %dma_wait3A_88] : memref<10112x128xf32, #tpu.memory_space<vmem_shared>> -> memref<96x128xf32, #tpu.memory_space<vmem_shared>>
      tpu.wait_dma2 semaphore(%run_scoped3A : memref<!tpu.dma_semaphore, #tpu.memory_space<semaphore_mem>>) src(%arg11 : memref<96x128xf32, #tpu.memory_space<vmem>>) dst(%dma_wait3A_89 : memref<96x128xf32, #tpu.memory_space<vmem_shared>>)
      tpu.yield
    }) : () -> ()
    %add3A_31 = arith.constant 576 : i32
    %add3A_32 = arith.addi %mul3A_11, %add3A_31 : i32
    "tpu.region"() ({
      %run_scoped3A = tpu.sem_alloc : memref<!tpu.dma_semaphore, #tpu.memory_space<semaphore_mem>>
      %dma_start3A_83 = arith.constant 0 : i32
      %dma_start3A_84 = arith.constant 0 : i32
      %dma_start3A_85 = tpu.memref_slice %arg11[%dma_start3A_83, %dma_start3A_84] : memref<96x128xf32, #tpu.memory_space<vmem>> -> memref<56x128xf32, #tpu.memory_space<vmem>>
      %dma_start3A_86 = arith.constant 0 : i32
      %dma_start3A_87 = tpu.memref_slice %arg8[%add3A_32, %dma_start3A_86] : memref<10112x128xf32, #tpu.memory_space<vmem_shared>> -> memref<56x128xf32, #tpu.memory_space<vmem_shared>>
      %dma_start3A_88 = arith.constant 0 : i32
      %dma_start3A_89 = tpu.memref_slice %arg8[%add3A_32, %dma_start3A_88] : memref<10112x128xf32, #tpu.memory_space<vmem_shared>> -> memref<56x128xf32, #tpu.memory_space<vmem_shared>>
      %dma_start3A_90 = arith.constant 0 : i32
      %dma_start3A_91 = arith.constant 0 : i32
      %dma_start3A_92 = tpu.memref_slice %arg11[%dma_start3A_90, %dma_start3A_91] : memref<96x128xf32, #tpu.memory_space<vmem>> -> memref<56x128xf32, #tpu.memory_space<vmem>>
      tpu.enqueue_dma source(%dma_start3A_92 : memref<56x128xf32, #tpu.memory_space<vmem>>) target(%dma_start3A_89 : memref<56x128xf32, #tpu.memory_space<vmem_shared>>) target_semaphore(%run_scoped3A : memref<!tpu.dma_semaphore, #tpu.memory_space<semaphore_mem>>)
      %dma_wait3A = arith.constant 0 : i32
      %dma_wait3A_93 = arith.constant 0 : i32
      %dma_wait3A_94 = tpu.memref_slice %arg11[%dma_wait3A, %dma_wait3A_93] : memref<96x128xf32, #tpu.memory_space<vmem>> -> memref<56x128xf32, #tpu.memory_space<vmem>>
      %dma_wait3A_95 = arith.constant 0 : i32
      %dma_wait3A_96 = tpu.memref_slice %arg8[%add3A_32, %dma_wait3A_95] : memref<10112x128xf32, #tpu.memory_space<vmem_shared>> -> memref<56x128xf32, #tpu.memory_space<vmem_shared>>
      %dma_wait3A_97 = arith.constant 0 : i32
      %dma_wait3A_98 = tpu.memref_slice %arg8[%add3A_32, %dma_wait3A_97] : memref<10112x128xf32, #tpu.memory_space<vmem_shared>> -> memref<56x128xf32, #tpu.memory_space<vmem_shared>>
      %dma_wait3A_99 = arith.constant 0 : i32
      %dma_wait3A_100 = arith.constant 0 : i32
      %dma_wait3A_101 = tpu.memref_slice %arg11[%dma_wait3A_99, %dma_wait3A_100] : memref<96x128xf32, #tpu.memory_space<vmem>> -> memref<56x128xf32, #tpu.memory_space<vmem>>
      tpu.wait_dma2 semaphore(%run_scoped3A : memref<!tpu.dma_semaphore, #tpu.memory_space<semaphore_mem>>) src(%dma_wait3A_101 : memref<56x128xf32, #tpu.memory_space<vmem>>) dst(%dma_wait3A_98 : memref<56x128xf32, #tpu.memory_space<vmem_shared>>)
      tpu.yield
    }) : () -> ()
    %barrier3A = arith.constant 0 : index
    tpu.barrier barrier_id(%barrier3A)
    %dma_start3A = arith.constant 0 : i32
    %dma_start3A_33 = arith.constant 0 : i32
    %dma_start3A_34 = tpu.memref_slice %arg9[%dma_start3A, %dma_start3A_33] : memref<88x96xi32, #tpu.memory_space<vmem>> -> memref<1x96xi32, #tpu.memory_space<vmem>>
    %dma_start3A_35 = tpu.memref_squeeze %dma_start3A_34 : memref<1x96xi32, #tpu.memory_space<vmem>> -> memref<96xi32, #tpu.memory_space<vmem>>
    %dma_start3A_36 = arith.constant 0 : i32
    %dma_start3A_37 = arith.constant 0 : i32
    %dma_start3A_38 = tpu.memref_slice %arg2[%scan3A_13, %dma_start3A_36, %dma_start3A_37] : memref<1x10000x128xf32, #tpu.memory_space<hbm>> -> memref<1x10000x128xf32, #tpu.memory_space<hbm>>
    %dma_start3A_39 = tpu.memref_squeeze %dma_start3A_38 : memref<1x10000x128xf32, #tpu.memory_space<hbm>> -> memref<10000x128xf32, #tpu.memory_space<hbm>>
    %dma_start3A_40 = arith.constant 0 : i32
    %dma_start3A_41 = arith.constant 0 : i32
    %dma_start3A_42 = tpu.memref_slice %dma_start3A_39[%dma_start3A_40, %dma_start3A_41] : memref<10000x128xf32, #tpu.memory_space<hbm>> -> memref<10000x128xf32, #tpu.memory_space<hbm>>
    tpu.enqueue_indirect_dma source(%dma_start3A_42 : memref<10000x128xf32, #tpu.memory_space<hbm>>) target(%arg11 : memref<96x128xf32, #tpu.memory_space<vmem>>) offsets(%dma_start3A_35 : memref<96xi32, #tpu.memory_space<vmem>>) semaphore(%arg13 : memref<!tpu.dma_semaphore, #tpu.memory_space<semaphore_mem>>)
    %dma_start3A_43 = arith.constant 1 : i32
    %dma_start3A_44 = arith.constant 0 : i32
    %dma_start3A_45 = tpu.memref_slice %arg9[%dma_start3A_43, %dma_start3A_44] : memref<88x96xi32, #tpu.memory_space<vmem>> -> memref<1x96xi32, #tpu.memory_space<vmem>>
    %dma_start3A_46 = tpu.memref_squeeze %dma_start3A_45 : memref<1x96xi32, #tpu.memory_space<vmem>> -> memref<96xi32, #tpu.memory_space<vmem>>
    %dma_start3A_47 = arith.constant 0 : i32
    %dma_start3A_48 = arith.constant 0 : i32
    %dma_start3A_49 = tpu.memref_slice %arg2[%scan3A_13, %dma_start3A_47, %dma_start3A_48] : memref<1x10000x128xf32, #tpu.memory_space<hbm>> -> memref<1x10000x128xf32, #tpu.memory_space<hbm>>
    %dma_start3A_50 = tpu.memref_squeeze %dma_start3A_49 : memref<1x10000x128xf32, #tpu.memory_space<hbm>> -> memref<10000x128xf32, #tpu.memory_space<hbm>>
    %dma_start3A_51 = arith.constant 0 : i32
    %dma_start3A_52 = arith.constant 0 : i32
    %dma_start3A_53 = tpu.memref_slice %dma_start3A_50[%dma_start3A_51, %dma_start3A_52] : memref<10000x128xf32, #tpu.memory_space<hbm>> -> memref<10000x128xf32, #tpu.memory_space<hbm>>
    tpu.enqueue_indirect_dma source(%dma_start3A_53 : memref<10000x128xf32, #tpu.memory_space<hbm>>) target(%arg12 : memref<96x128xf32, #tpu.memory_space<vmem>>) offsets(%dma_start3A_46 : memref<96xi32, #tpu.memory_space<vmem>>) semaphore(%arg14 : memref<!tpu.dma_semaphore, #tpu.memory_space<semaphore_mem>>)
    %jit3A = arith.constant 2 : i32
    %div3A = arith.divsi %select_n3A_10, %jit3A : i32
    %sign3A = arith.constant 0 : i32
    %sign3A_54 = arith.cmpi sgt, %select_n3A_10, %sign3A : i32
    %sign3A_55 = arith.extui %sign3A_54 : i1 to i32
    %sign3A_56 = arith.constant 0 : i32
    %sign3A_57 = arith.cmpi slt, %select_n3A_10, %sign3A_56 : i32
    %sign3A_58 = arith.extui %sign3A_57 : i1 to i32
    %sign3A_59 = arith.subi %sign3A_55, %sign3A_58 : i32
    %sign3A_60 = arith.constant 0 : i32
    %sign3A_61 = arith.cmpi sgt, %jit3A, %sign3A_60 : i32
    %sign3A_62 = arith.extui %sign3A_61 : i1 to i32
    %sign3A_63 = arith.constant 0 : i32
    %sign3A_64 = arith.cmpi slt, %jit3A, %sign3A_63 : i32
    %sign3A_65 = arith.extui %sign3A_64 : i1 to i32
    %sign3A_66 = arith.subi %sign3A_62, %sign3A_65 : i32
    %ne3A = arith.cmpi ne, %sign3A_59, %sign3A_66 : i32
    %rem3A = arith.remsi %select_n3A_10, %jit3A : i32
    %ne3A_67 = arith.constant 0 : i32
    %ne3A_68 = arith.cmpi ne, %rem3A, %ne3A_67 : i32
    %and3A = arith.andi %ne3A, %ne3A_68 : i1
    %sub3A = arith.constant 1 : i32
    %sub3A_69 = arith.subi %div3A, %sub3A : i32
    %select_n3A_70 = arith.select %and3A, %sub3A_69, %div3A : i32
    %while3A = arith.constant 0 : i32
    %while3A_71 = arith.constant 0 : i32
    %while3A_72 = arith.subi %select_n3A_70, %while3A_71 : i32
    %while3A_73 = arith.addi %while3A_71, %while3A_72 : i32
    %while3A_74 = arith.constant 1 : i32
    %while3A_75 = arith.divsi %while3A_72, %while3A_74 : i32
    %while3A_76 = arith.muli %while3A_75, %while3A_74 : i32
    %while3A_77 = arith.addi %while3A_71, %while3A_76 : i32
    %while3A_78 = arith.constant 1 : i32
    scf.for %while3A_83 = %while3A_71 to %while3A_77 step %while3A_78  : i32 {
      %mul3A_84 = arith.constant 2 : i32
      %mul3A_85 = arith.muli %while3A_83, %mul3A_84 : i32
      %add3A_86 = arith.constant 0 : i32
      %add3A_87 = arith.addi %mul3A_85, %add3A_86 : i32
      %dma_wait3A = arith.constant 0 : i32
      %dma_wait3A_88 = tpu.memref_slice %arg9[%add3A_87, %dma_wait3A] : memref<88x96xi32, #tpu.memory_space<vmem>> -> memref<1x96xi32, #tpu.memory_space<vmem>>
      %dma_wait3A_89 = tpu.memref_squeeze %dma_wait3A_88 : memref<1x96xi32, #tpu.memory_space<vmem>> -> memref<96xi32, #tpu.memory_space<vmem>>
      %dma_wait3A_90 = arith.constant 0 : i32
      %dma_wait3A_91 = arith.constant 0 : i32
      %dma_wait3A_92 = tpu.memref_slice %arg2[%scan3A_13, %dma_wait3A_90, %dma_wait3A_91] : memref<1x10000x128xf32, #tpu.memory_space<hbm>> -> memref<1x10000x128xf32, #tpu.memory_space<hbm>>
      %dma_wait3A_93 = tpu.memref_squeeze %dma_wait3A_92 : memref<1x10000x128xf32, #tpu.memory_space<hbm>> -> memref<10000x128xf32, #tpu.memory_space<hbm>>
      %dma_wait3A_94 = arith.constant 0 : i32
      %dma_wait3A_95 = arith.constant 0 : i32
      %dma_wait3A_96 = tpu.memref_slice %dma_wait3A_93[%dma_wait3A_94, %dma_wait3A_95] : memref<10000x128xf32, #tpu.memory_space<hbm>> -> memref<10000x128xf32, #tpu.memory_space<hbm>>
      tpu.wait_indirect_dma semaphore(%arg13 : memref<!tpu.dma_semaphore, #tpu.memory_space<semaphore_mem>>) src(%dma_wait3A_96 : memref<10000x128xf32, #tpu.memory_space<hbm>>) dst(%arg11 : memref<96x128xf32, #tpu.memory_space<vmem>>)
      "tpu.region"() ({
        %run_scoped3A = tpu.sem_alloc : memref<!tpu.dma_semaphore, #tpu.memory_space<semaphore_mem>>
        %dma_start3A_122 = arith.constant 0 : i32
        %dma_start3A_123 = tpu.memref_slice %arg10[%add3A_87, %dma_start3A_122] : memref<88x96xi32, #tpu.memory_space<vmem>> -> memref<1x96xi32, #tpu.memory_space<vmem>>
        %dma_start3A_124 = tpu.memref_squeeze %dma_start3A_123 : memref<1x96xi32, #tpu.memory_space<vmem>> -> memref<96xi32, #tpu.memory_space<vmem>>
        %dma_start3A_125 = arith.constant 0 : i32
        %dma_start3A_126 = arith.constant 0 : i32
        %dma_start3A_127 = tpu.memref_slice %arg8[%dma_start3A_125, %dma_start3A_126] : memref<10112x128xf32, #tpu.memory_space<vmem_shared>> -> memref<10112x128xf32, #tpu.memory_space<vmem_shared>>
        tpu.enqueue_indirect_dma source(%arg11 : memref<96x128xf32, #tpu.memory_space<vmem>>) target(%dma_start3A_127 : memref<10112x128xf32, #tpu.memory_space<vmem_shared>>) offsets(%dma_start3A_124 : memref<96xi32, #tpu.memory_space<vmem>>) semaphore(%run_scoped3A : memref<!tpu.dma_semaphore, #tpu.memory_space<semaphore_mem>>) {add = true}
        %dma_wait3A_128 = arith.constant 0 : i32
        %dma_wait3A_129 = tpu.memref_slice %arg10[%add3A_87, %dma_wait3A_128] : memref<88x96xi32, #tpu.memory_space<vmem>> -> memref<1x96xi32, #tpu.memory_space<vmem>>
        %dma_wait3A_130 = tpu.memref_squeeze %dma_wait3A_129 : memref<1x96xi32, #tpu.memory_space<vmem>> -> memref<96xi32, #tpu.memory_space<vmem>>
        %dma_wait3A_131 = arith.constant 0 : i32
        %dma_wait3A_132 = arith.constant 0 : i32
        %dma_wait3A_133 = tpu.memref_slice %arg8[%dma_wait3A_131, %dma_wait3A_132] : memref<10112x128xf32, #tpu.memory_space<vmem_shared>> -> memref<10112x128xf32, #tpu.memory_space<vmem_shared>>
        tpu.wait_indirect_dma semaphore(%run_scoped3A : memref<!tpu.dma_semaphore, #tpu.memory_space<semaphore_mem>>) src(%arg11 : memref<96x128xf32, #tpu.memory_space<vmem>>) dst(%dma_wait3A_133 : memref<10112x128xf32, #tpu.memory_space<vmem_shared>>)
        tpu.yield
      }) : () -> ()
      %add3A_97 = arith.constant 2 : i32
      %add3A_98 = arith.addi %add3A_87, %add3A_97 : i32
      %lt3A = arith.cmpi slt, %add3A_98, %select_n3A_10 : i32
      %convert_element_type3A_99 = arith.extui %lt3A : i1 to i32
      %cond3A_100 = arith.constant 0 : i32
      %cond3A_101 = arith.cmpi ne, %convert_element_type3A_99, %cond3A_100 : i32
      scf.if %cond3A_101 {
        %dma_start3A_122 = arith.constant 0 : i32
        %dma_start3A_123 = tpu.memref_slice %arg9[%add3A_98, %dma_start3A_122] : memref<88x96xi32, #tpu.memory_space<vmem>> -> memref<1x96xi32, #tpu.memory_space<vmem>>
        %dma_start3A_124 = tpu.memref_squeeze %dma_start3A_123 : memref<1x96xi32, #tpu.memory_space<vmem>> -> memref<96xi32, #tpu.memory_space<vmem>>
        %dma_start3A_125 = arith.constant 0 : i32
        %dma_start3A_126 = arith.constant 0 : i32
        %dma_start3A_127 = tpu.memref_slice %arg2[%scan3A_13, %dma_start3A_125, %dma_start3A_126] : memref<1x10000x128xf32, #tpu.memory_space<hbm>> -> memref<1x10000x128xf32, #tpu.memory_space<hbm>>
        %dma_start3A_128 = tpu.memref_squeeze %dma_start3A_127 : memref<1x10000x128xf32, #tpu.memory_space<hbm>> -> memref<10000x128xf32, #tpu.memory_space<hbm>>
        %dma_start3A_129 = arith.constant 0 : i32
        %dma_start3A_130 = arith.constant 0 : i32
        %dma_start3A_131 = tpu.memref_slice %dma_start3A_128[%dma_start3A_129, %dma_start3A_130] : memref<10000x128xf32, #tpu.memory_space<hbm>> -> memref<10000x128xf32, #tpu.memory_space<hbm>>
        tpu.enqueue_indirect_dma source(%dma_start3A_131 : memref<10000x128xf32, #tpu.memory_space<hbm>>) target(%arg11 : memref<96x128xf32, #tpu.memory_space<vmem>>) offsets(%dma_start3A_124 : memref<96xi32, #tpu.memory_space<vmem>>) semaphore(%arg13 : memref<!tpu.dma_semaphore, #tpu.memory_space<semaphore_mem>>)
      } else {
      }
      %mul3A_102 = arith.constant 2 : i32
      %mul3A_103 = arith.muli %while3A_83, %mul3A_102 : i32
      %add3A_104 = arith.constant 1 : i32
      %add3A_105 = arith.addi %mul3A_103, %add3A_104 : i32
      %dma_wait3A_106 = arith.constant 0 : i32
      %dma_wait3A_107 = tpu.memref_slice %arg9[%add3A_105, %dma_wait3A_106] : memref<88x96xi32, #tpu.memory_space<vmem>> -> memref<1x96xi32, #tpu.memory_space<vmem>>
      %dma_wait3A_108 = tpu.memref_squeeze %dma_wait3A_107 : memref<1x96xi32, #tpu.memory_space<vmem>> -> memref<96xi32, #tpu.memory_space<vmem>>
      %dma_wait3A_109 = arith.constant 0 : i32
      %dma_wait3A_110 = arith.constant 0 : i32
      %dma_wait3A_111 = tpu.memref_slice %arg2[%scan3A_13, %dma_wait3A_109, %dma_wait3A_110] : memref<1x10000x128xf32, #tpu.memory_space<hbm>> -> memref<1x10000x128xf32, #tpu.memory_space<hbm>>
      %dma_wait3A_112 = tpu.memref_squeeze %dma_wait3A_111 : memref<1x10000x128xf32, #tpu.memory_space<hbm>> -> memref<10000x128xf32, #tpu.memory_space<hbm>>
      %dma_wait3A_113 = arith.constant 0 : i32
      %dma_wait3A_114 = arith.constant 0 : i32
      %dma_wait3A_115 = tpu.memref_slice %dma_wait3A_112[%dma_wait3A_113, %dma_wait3A_114] : memref<10000x128xf32, #tpu.memory_space<hbm>> -> memref<10000x128xf32, #tpu.memory_space<hbm>>
      tpu.wait_indirect_dma semaphore(%arg14 : memref<!tpu.dma_semaphore, #tpu.memory_space<semaphore_mem>>) src(%dma_wait3A_115 : memref<10000x128xf32, #tpu.memory_space<hbm>>) dst(%arg12 : memref<96x128xf32, #tpu.memory_space<vmem>>)
      "tpu.region"() ({
        %run_scoped3A = tpu.sem_alloc : memref<!tpu.dma_semaphore, #tpu.memory_space<semaphore_mem>>
        %dma_start3A_122 = arith.constant 0 : i32
        %dma_start3A_123 = tpu.memref_slice %arg10[%add3A_105, %dma_start3A_122] : memref<88x96xi32, #tpu.memory_space<vmem>> -> memref<1x96xi32, #tpu.memory_space<vmem>>
        %dma_start3A_124 = tpu.memref_squeeze %dma_start3A_123 : memref<1x96xi32, #tpu.memory_space<vmem>> -> memref<96xi32, #tpu.memory_space<vmem>>
        %dma_start3A_125 = arith.constant 0 : i32
        %dma_start3A_126 = arith.constant 0 : i32
        %dma_start3A_127 = tpu.memref_slice %arg8[%dma_start3A_125, %dma_start3A_126] : memref<10112x128xf32, #tpu.memory_space<vmem_shared>> -> memref<10112x128xf32, #tpu.memory_space<vmem_shared>>
        tpu.enqueue_indirect_dma source(%arg12 : memref<96x128xf32, #tpu.memory_space<vmem>>) target(%dma_start3A_127 : memref<10112x128xf32, #tpu.memory_space<vmem_shared>>) offsets(%dma_start3A_124 : memref<96xi32, #tpu.memory_space<vmem>>) semaphore(%run_scoped3A : memref<!tpu.dma_semaphore, #tpu.memory_space<semaphore_mem>>) {add = true}
        %dma_wait3A_128 = arith.constant 0 : i32
        %dma_wait3A_129 = tpu.memref_slice %arg10[%add3A_105, %dma_wait3A_128] : memref<88x96xi32, #tpu.memory_space<vmem>> -> memref<1x96xi32, #tpu.memory_space<vmem>>
        %dma_wait3A_130 = tpu.memref_squeeze %dma_wait3A_129 : memref<1x96xi32, #tpu.memory_space<vmem>> -> memref<96xi32, #tpu.memory_space<vmem>>
        %dma_wait3A_131 = arith.constant 0 : i32
        %dma_wait3A_132 = arith.constant 0 : i32
        %dma_wait3A_133 = tpu.memref_slice %arg8[%dma_wait3A_131, %dma_wait3A_132] : memref<10112x128xf32, #tpu.memory_space<vmem_shared>> -> memref<10112x128xf32, #tpu.memory_space<vmem_shared>>
        tpu.wait_indirect_dma semaphore(%run_scoped3A : memref<!tpu.dma_semaphore, #tpu.memory_space<semaphore_mem>>) src(%arg12 : memref<96x128xf32, #tpu.memory_space<vmem>>) dst(%dma_wait3A_133 : memref<10112x128xf32, #tpu.memory_space<vmem_shared>>)
        tpu.yield
      }) : () -> ()
      %add3A_116 = arith.constant 2 : i32
      %add3A_117 = arith.addi %add3A_105, %add3A_116 : i32
      %lt3A_118 = arith.cmpi slt, %add3A_117, %select_n3A_10 : i32
      %convert_element_type3A_119 = arith.extui %lt3A_118 : i1 to i32
      %cond3A_120 = arith.constant 0 : i32
      %cond3A_121 = arith.cmpi ne, %convert_element_type3A_119, %cond3A_120 : i32
      scf.if %cond3A_121 {
        %dma_start3A_122 = arith.constant 0 : i32
        %dma_start3A_123 = tpu.memref_slice %arg9[%add3A_117, %dma_start3A_122] : memref<88x96xi32, #tpu.memory_space<vmem>> -> memref<1x96xi32, #tpu.memory_space<vmem>>
        %dma_start3A_124 = tpu.memref_squeeze %dma_start3A_123 : memref<1x96xi32, #tpu.memory_space<vmem>> -> memref<96xi32, #tpu.memory_space<vmem>>
        %dma_start3A_125 = arith.constant 0 : i32
        %dma_start3A_126 = arith.constant 0 : i32
        %dma_start3A_127 = tpu.memref_slice %arg2[%scan3A_13, %dma_start3A_125, %dma_start3A_126] : memref<1x10000x128xf32, #tpu.memory_space<hbm>> -> memref<1x10000x128xf32, #tpu.memory_space<hbm>>
        %dma_start3A_128 = tpu.memref_squeeze %dma_start3A_127 : memref<1x10000x128xf32, #tpu.memory_space<hbm>> -> memref<10000x128xf32, #tpu.memory_space<hbm>>
        %dma_start3A_129 = arith.constant 0 : i32
        %dma_start3A_130 = arith.constant 0 : i32
        %dma_start3A_131 = tpu.memref_slice %dma_start3A_128[%dma_start3A_129, %dma_start3A_130] : memref<10000x128xf32, #tpu.memory_space<hbm>> -> memref<10000x128xf32, #tpu.memory_space<hbm>>
        tpu.enqueue_indirect_dma source(%dma_start3A_131 : memref<10000x128xf32, #tpu.memory_space<hbm>>) target(%arg12 : memref<96x128xf32, #tpu.memory_space<vmem>>) offsets(%dma_start3A_124 : memref<96xi32, #tpu.memory_space<vmem>>) semaphore(%arg14 : memref<!tpu.dma_semaphore, #tpu.memory_space<semaphore_mem>>)
      } else {
      }
    }
    %while3A_79 = arith.constant 1 : i32
    scf.for %while3A_83 = %while3A_77 to %while3A_73 step %while3A_79  : i32 {
      %mul3A_84 = arith.constant 2 : i32
      %mul3A_85 = arith.muli %while3A_83, %mul3A_84 : i32
      %add3A_86 = arith.constant 0 : i32
      %add3A_87 = arith.addi %mul3A_85, %add3A_86 : i32
      %dma_wait3A = arith.constant 0 : i32
      %dma_wait3A_88 = tpu.memref_slice %arg9[%add3A_87, %dma_wait3A] : memref<88x96xi32, #tpu.memory_space<vmem>> -> memref<1x96xi32, #tpu.memory_space<vmem>>
      %dma_wait3A_89 = tpu.memref_squeeze %dma_wait3A_88 : memref<1x96xi32, #tpu.memory_space<vmem>> -> memref<96xi32, #tpu.memory_space<vmem>>
      %dma_wait3A_90 = arith.constant 0 : i32
      %dma_wait3A_91 = arith.constant 0 : i32
      %dma_wait3A_92 = tpu.memref_slice %arg2[%scan3A_13, %dma_wait3A_90, %dma_wait3A_91] : memref<1x10000x128xf32, #tpu.memory_space<hbm>> -> memref<1x10000x128xf32, #tpu.memory_space<hbm>>
      %dma_wait3A_93 = tpu.memref_squeeze %dma_wait3A_92 : memref<1x10000x128xf32, #tpu.memory_space<hbm>> -> memref<10000x128xf32, #tpu.memory_space<hbm>>
      %dma_wait3A_94 = arith.constant 0 : i32
      %dma_wait3A_95 = arith.constant 0 : i32
      %dma_wait3A_96 = tpu.memref_slice %dma_wait3A_93[%dma_wait3A_94, %dma_wait3A_95] : memref<10000x128xf32, #tpu.memory_space<hbm>> -> memref<10000x128xf32, #tpu.memory_space<hbm>>
      tpu.wait_indirect_dma semaphore(%arg13 : memref<!tpu.dma_semaphore, #tpu.memory_space<semaphore_mem>>) src(%dma_wait3A_96 : memref<10000x128xf32, #tpu.memory_space<hbm>>) dst(%arg11 : memref<96x128xf32, #tpu.memory_space<vmem>>)
      "tpu.region"() ({
        %run_scoped3A = tpu.sem_alloc : memref<!tpu.dma_semaphore, #tpu.memory_space<semaphore_mem>>
        %dma_start3A_122 = arith.constant 0 : i32
        %dma_start3A_123 = tpu.memref_slice %arg10[%add3A_87, %dma_start3A_122] : memref<88x96xi32, #tpu.memory_space<vmem>> -> memref<1x96xi32, #tpu.memory_space<vmem>>
        %dma_start3A_124 = tpu.memref_squeeze %dma_start3A_123 : memref<1x96xi32, #tpu.memory_space<vmem>> -> memref<96xi32, #tpu.memory_space<vmem>>
        %dma_start3A_125 = arith.constant 0 : i32
        %dma_start3A_126 = arith.constant 0 : i32
        %dma_start3A_127 = tpu.memref_slice %arg8[%dma_start3A_125, %dma_start3A_126] : memref<10112x128xf32, #tpu.memory_space<vmem_shared>> -> memref<10112x128xf32, #tpu.memory_space<vmem_shared>>
        tpu.enqueue_indirect_dma source(%arg11 : memref<96x128xf32, #tpu.memory_space<vmem>>) target(%dma_start3A_127 : memref<10112x128xf32, #tpu.memory_space<vmem_shared>>) offsets(%dma_start3A_124 : memref<96xi32, #tpu.memory_space<vmem>>) semaphore(%run_scoped3A : memref<!tpu.dma_semaphore, #tpu.memory_space<semaphore_mem>>) {add = true}
        %dma_wait3A_128 = arith.constant 0 : i32
        %dma_wait3A_129 = tpu.memref_slice %arg10[%add3A_87, %dma_wait3A_128] : memref<88x96xi32, #tpu.memory_space<vmem>> -> memref<1x96xi32, #tpu.memory_space<vmem>>
        %dma_wait3A_130 = tpu.memref_squeeze %dma_wait3A_129 : memref<1x96xi32, #tpu.memory_space<vmem>> -> memref<96xi32, #tpu.memory_space<vmem>>
        %dma_wait3A_131 = arith.constant 0 : i32
        %dma_wait3A_132 = arith.constant 0 : i32
        %dma_wait3A_133 = tpu.memref_slice %arg8[%dma_wait3A_131, %dma_wait3A_132] : memref<10112x128xf32, #tpu.memory_space<vmem_shared>> -> memref<10112x128xf32, #tpu.memory_space<vmem_shared>>
        tpu.wait_indirect_dma semaphore(%run_scoped3A : memref<!tpu.dma_semaphore, #tpu.memory_space<semaphore_mem>>) src(%arg11 : memref<96x128xf32, #tpu.memory_space<vmem>>) dst(%dma_wait3A_133 : memref<10112x128xf32, #tpu.memory_space<vmem_shared>>)
        tpu.yield
      }) : () -> ()
      %add3A_97 = arith.constant 2 : i32
      %add3A_98 = arith.addi %add3A_87, %add3A_97 : i32
      %lt3A = arith.cmpi slt, %add3A_98, %select_n3A_10 : i32
      %convert_element_type3A_99 = arith.extui %lt3A : i1 to i32
      %cond3A_100 = arith.constant 0 : i32
      %cond3A_101 = arith.cmpi ne, %convert_element_type3A_99, %cond3A_100 : i32
      scf.if %cond3A_101 {
        %dma_start3A_122 = arith.constant 0 : i32
        %dma_start3A_123 = tpu.memref_slice %arg9[%add3A_98, %dma_start3A_122] : memref<88x96xi32, #tpu.memory_space<vmem>> -> memref<1x96xi32, #tpu.memory_space<vmem>>
        %dma_start3A_124 = tpu.memref_squeeze %dma_start3A_123 : memref<1x96xi32, #tpu.memory_space<vmem>> -> memref<96xi32, #tpu.memory_space<vmem>>
        %dma_start3A_125 = arith.constant 0 : i32
        %dma_start3A_126 = arith.constant 0 : i32
        %dma_start3A_127 = tpu.memref_slice %arg2[%scan3A_13, %dma_start3A_125, %dma_start3A_126] : memref<1x10000x128xf32, #tpu.memory_space<hbm>> -> memref<1x10000x128xf32, #tpu.memory_space<hbm>>
        %dma_start3A_128 = tpu.memref_squeeze %dma_start3A_127 : memref<1x10000x128xf32, #tpu.memory_space<hbm>> -> memref<10000x128xf32, #tpu.memory_space<hbm>>
        %dma_start3A_129 = arith.constant 0 : i32
        %dma_start3A_130 = arith.constant 0 : i32
        %dma_start3A_131 = tpu.memref_slice %dma_start3A_128[%dma_start3A_129, %dma_start3A_130] : memref<10000x128xf32, #tpu.memory_space<hbm>> -> memref<10000x128xf32, #tpu.memory_space<hbm>>
        tpu.enqueue_indirect_dma source(%dma_start3A_131 : memref<10000x128xf32, #tpu.memory_space<hbm>>) target(%arg11 : memref<96x128xf32, #tpu.memory_space<vmem>>) offsets(%dma_start3A_124 : memref<96xi32, #tpu.memory_space<vmem>>) semaphore(%arg13 : memref<!tpu.dma_semaphore, #tpu.memory_space<semaphore_mem>>)
      } else {
      }
      %mul3A_102 = arith.constant 2 : i32
      %mul3A_103 = arith.muli %while3A_83, %mul3A_102 : i32
      %add3A_104 = arith.constant 1 : i32
      %add3A_105 = arith.addi %mul3A_103, %add3A_104 : i32
      %dma_wait3A_106 = arith.constant 0 : i32
      %dma_wait3A_107 = tpu.memref_slice %arg9[%add3A_105, %dma_wait3A_106] : memref<88x96xi32, #tpu.memory_space<vmem>> -> memref<1x96xi32, #tpu.memory_space<vmem>>
      %dma_wait3A_108 = tpu.memref_squeeze %dma_wait3A_107 : memref<1x96xi32, #tpu.memory_space<vmem>> -> memref<96xi32, #tpu.memory_space<vmem>>
      %dma_wait3A_109 = arith.constant 0 : i32
      %dma_wait3A_110 = arith.constant 0 : i32
      %dma_wait3A_111 = tpu.memref_slice %arg2[%scan3A_13, %dma_wait3A_109, %dma_wait3A_110] : memref<1x10000x128xf32, #tpu.memory_space<hbm>> -> memref<1x10000x128xf32, #tpu.memory_space<hbm>>
      %dma_wait3A_112 = tpu.memref_squeeze %dma_wait3A_111 : memref<1x10000x128xf32, #tpu.memory_space<hbm>> -> memref<10000x128xf32, #tpu.memory_space<hbm>>
      %dma_wait3A_113 = arith.constant 0 : i32
      %dma_wait3A_114 = arith.constant 0 : i32
      %dma_wait3A_115 = tpu.memref_slice %dma_wait3A_112[%dma_wait3A_113, %dma_wait3A_114] : memref<10000x128xf32, #tpu.memory_space<hbm>> -> memref<10000x128xf32, #tpu.memory_space<hbm>>
      tpu.wait_indirect_dma semaphore(%arg14 : memref<!tpu.dma_semaphore, #tpu.memory_space<semaphore_mem>>) src(%dma_wait3A_115 : memref<10000x128xf32, #tpu.memory_space<hbm>>) dst(%arg12 : memref<96x128xf32, #tpu.memory_space<vmem>>)
      "tpu.region"() ({
        %run_scoped3A = tpu.sem_alloc : memref<!tpu.dma_semaphore, #tpu.memory_space<semaphore_mem>>
        %dma_start3A_122 = arith.constant 0 : i32
        %dma_start3A_123 = tpu.memref_slice %arg10[%add3A_105, %dma_start3A_122] : memref<88x96xi32, #tpu.memory_space<vmem>> -> memref<1x96xi32, #tpu.memory_space<vmem>>
        %dma_start3A_124 = tpu.memref_squeeze %dma_start3A_123 : memref<1x96xi32, #tpu.memory_space<vmem>> -> memref<96xi32, #tpu.memory_space<vmem>>
        %dma_start3A_125 = arith.constant 0 : i32
        %dma_start3A_126 = arith.constant 0 : i32
        %dma_start3A_127 = tpu.memref_slice %arg8[%dma_start3A_125, %dma_start3A_126] : memref<10112x128xf32, #tpu.memory_space<vmem_shared>> -> memref<10112x128xf32, #tpu.memory_space<vmem_shared>>
        tpu.enqueue_indirect_dma source(%arg12 : memref<96x128xf32, #tpu.memory_space<vmem>>) target(%dma_start3A_127 : memref<10112x128xf32, #tpu.memory_space<vmem_shared>>) offsets(%dma_start3A_124 : memref<96xi32, #tpu.memory_space<vmem>>) semaphore(%run_scoped3A : memref<!tpu.dma_semaphore, #tpu.memory_space<semaphore_mem>>) {add = true}
        %dma_wait3A_128 = arith.constant 0 : i32
        %dma_wait3A_129 = tpu.memref_slice %arg10[%add3A_105, %dma_wait3A_128] : memref<88x96xi32, #tpu.memory_space<vmem>> -> memref<1x96xi32, #tpu.memory_space<vmem>>
        %dma_wait3A_130 = tpu.memref_squeeze %dma_wait3A_129 : memref<1x96xi32, #tpu.memory_space<vmem>> -> memref<96xi32, #tpu.memory_space<vmem>>
        %dma_wait3A_131 = arith.constant 0 : i32
        %dma_wait3A_132 = arith.constant 0 : i32
        %dma_wait3A_133 = tpu.memref_slice %arg8[%dma_wait3A_131, %dma_wait3A_132] : memref<10112x128xf32, #tpu.memory_space<vmem_shared>> -> memref<10112x128xf32, #tpu.memory_space<vmem_shared>>
        tpu.wait_indirect_dma semaphore(%run_scoped3A : memref<!tpu.dma_semaphore, #tpu.memory_space<semaphore_mem>>) src(%arg12 : memref<96x128xf32, #tpu.memory_space<vmem>>) dst(%dma_wait3A_133 : memref<10112x128xf32, #tpu.memory_space<vmem_shared>>)
        tpu.yield
      }) : () -> ()
      %add3A_116 = arith.constant 2 : i32
      %add3A_117 = arith.addi %add3A_105, %add3A_116 : i32
      %lt3A_118 = arith.cmpi slt, %add3A_117, %select_n3A_10 : i32
      %convert_element_type3A_119 = arith.extui %lt3A_118 : i1 to i32
      %cond3A_120 = arith.constant 0 : i32
      %cond3A_121 = arith.cmpi ne, %convert_element_type3A_119, %cond3A_120 : i32
      scf.if %cond3A_121 {
        %dma_start3A_122 = arith.constant 0 : i32
        %dma_start3A_123 = tpu.memref_slice %arg9[%add3A_117, %dma_start3A_122] : memref<88x96xi32, #tpu.memory_space<vmem>> -> memref<1x96xi32, #tpu.memory_space<vmem>>
        %dma_start3A_124 = tpu.memref_squeeze %dma_start3A_123 : memref<1x96xi32, #tpu.memory_space<vmem>> -> memref<96xi32, #tpu.memory_space<vmem>>
        %dma_start3A_125 = arith.constant 0 : i32
        %dma_start3A_126 = arith.constant 0 : i32
        %dma_start3A_127 = tpu.memref_slice %arg2[%scan3A_13, %dma_start3A_125, %dma_start3A_126] : memref<1x10000x128xf32, #tpu.memory_space<hbm>> -> memref<1x10000x128xf32, #tpu.memory_space<hbm>>
        %dma_start3A_128 = tpu.memref_squeeze %dma_start3A_127 : memref<1x10000x128xf32, #tpu.memory_space<hbm>> -> memref<10000x128xf32, #tpu.memory_space<hbm>>
        %dma_start3A_129 = arith.constant 0 : i32
        %dma_start3A_130 = arith.constant 0 : i32
        %dma_start3A_131 = tpu.memref_slice %dma_start3A_128[%dma_start3A_129, %dma_start3A_130] : memref<10000x128xf32, #tpu.memory_space<hbm>> -> memref<10000x128xf32, #tpu.memory_space<hbm>>
        tpu.enqueue_indirect_dma source(%dma_start3A_131 : memref<10000x128xf32, #tpu.memory_space<hbm>>) target(%arg12 : memref<96x128xf32, #tpu.memory_space<vmem>>) offsets(%dma_start3A_124 : memref<96xi32, #tpu.memory_space<vmem>>) semaphore(%arg14 : memref<!tpu.dma_semaphore, #tpu.memory_space<semaphore_mem>>)
      } else {
      }
    }
    %barrier3A_80 = arith.constant 0 : index
    tpu.barrier barrier_id(%barrier3A_80)
    "tpu.region"() ({
      %run_scoped3A = tpu.sem_alloc : memref<!tpu.dma_semaphore, #tpu.memory_space<semaphore_mem>>
      %dma_start3A_83 = arith.constant 0 : i32
      %dma_start3A_84 = tpu.memref_slice %arg7[%arg0, %scan3A_13, %mul3A_11, %dma_start3A_83] : memref<2x1x10112x128xf32, #tpu.memory_space<hbm>> -> memref<1x1x632x128xf32, #tpu.memory_space<hbm>>
      %dma_start3A_85 = tpu.memref_squeeze %dma_start3A_84 : memref<1x1x632x128xf32, #tpu.memory_space<hbm>> -> memref<632x128xf32, #tpu.memory_space<hbm>>
      %dma_start3A_86 = arith.constant 0 : i32
      %dma_start3A_87 = tpu.memref_slice %arg8[%mul3A_11, %dma_start3A_86] : memref<10112x128xf32, #tpu.memory_space<vmem_shared>> -> memref<632x128xf32, #tpu.memory_space<vmem_shared>>
      tpu.enqueue_dma source(%dma_start3A_87 : memref<632x128xf32, #tpu.memory_space<vmem_shared>>) target(%dma_start3A_85 : memref<632x128xf32, #tpu.memory_space<hbm>>) target_semaphore(%run_scoped3A : memref<!tpu.dma_semaphore, #tpu.memory_space<semaphore_mem>>)
      %dma_wait3A = arith.constant 0 : i32
      %dma_wait3A_88 = tpu.memref_slice %arg7[%arg0, %scan3A_13, %mul3A_11, %dma_wait3A] : memref<2x1x10112x128xf32, #tpu.memory_space<hbm>> -> memref<1x1x632x128xf32, #tpu.memory_space<hbm>>
      %dma_wait3A_89 = tpu.memref_squeeze %dma_wait3A_88 : memref<1x1x632x128xf32, #tpu.memory_space<hbm>> -> memref<632x128xf32, #tpu.memory_space<hbm>>
      %dma_wait3A_90 = arith.constant 0 : i32
      %dma_wait3A_91 = tpu.memref_slice %arg8[%mul3A_11, %dma_wait3A_90] : memref<10112x128xf32, #tpu.memory_space<vmem_shared>> -> memref<632x128xf32, #tpu.memory_space<vmem_shared>>
      tpu.wait_dma2 semaphore(%run_scoped3A : memref<!tpu.dma_semaphore, #tpu.memory_space<semaphore_mem>>) src(%dma_wait3A_91 : memref<632x128xf32, #tpu.memory_space<vmem_shared>>) dst(%dma_wait3A_89 : memref<632x128xf32, #tpu.memory_space<hbm>>)
      tpu.yield
    }) : () -> ()
    %barrier3A_81 = arith.constant 0 : index
    tpu.barrier barrier_id(%barrier3A_81)
    %scan3A_82 = arith.constant 1 : i32
    return
  }
}

#map = affine_map<(d0, d1) -> (0, 0, 0)>
#map1 = affine_map<(d0, d1) -> (0, 0, 0, 0)>
module attributes {stable_mosaic.version = 14 : i64} {
  func.func @k(%arg0: i32, %arg1: i32, %arg2: memref<10x10112x128xf32, #tpu.memory_space<hbm>>, %arg3: memref<16x88x96xi32, #tpu.memory_space<hbm>>, %arg4: memref<16x88x96xi32, #tpu.memory_space<hbm>>, %arg5: memref<16x18x96xi32, #tpu.memory_space<hbm>>, %arg6: memref<16x18x96xi32, #tpu.memory_space<hbm>>, %arg7: memref<2x10x10112x128xf32, #tpu.memory_space<hbm>>, %arg8: memref<10112x128xf32, #tpu.memory_space<vmem_shared>>, %arg9: memref<88x96xi32, #tpu.memory_space<vmem>>, %arg10: memref<88x96xi32, #tpu.memory_space<vmem>>, %arg11: memref<96x128xf32, #tpu.memory_space<vmem>>, %arg12: memref<96x128xf32, #tpu.memory_space<vmem>>, %arg13: memref<!tpu.dma_semaphore, #tpu.memory_space<semaphore_mem>>, %arg14: memref<!tpu.dma_semaphore, #tpu.memory_space<semaphore_mem>>) attributes {dimension_semantics = [#tpu.dimension_semantics<core_parallel>, #tpu.dimension_semantics<subcore_parallel>], iteration_bounds = array<i64: 2, 16>, scalar_prefetch = 0 : i64, scratch_operands = 7 : i64, tpu.core_type = #tpu.core_type<sc_vector_subcore>, window_params = [{transform_indices = #map}, {transform_indices = #map}, {transform_indices = #map}, {transform_indices = #map}, {transform_indices = #map}, {transform_indices = #map1}]} {
    %eq3A = arith.constant 0 : i32
    %eq3A_0 = arith.cmpi eq, %arg0, %eq3A : i32
    %convert_element_type3A = arith.extui %eq3A_0 : i1 to i32
    %cond3A = arith.constant 0 : i32
    %cond3A_1 = arith.cmpi ne, %convert_element_type3A, %cond3A : i32
    scf.if %cond3A_1 {
      "tpu.region"() ({
        %run_scoped3A = tpu.sem_alloc : memref<!tpu.dma_semaphore, #tpu.memory_space<semaphore_mem>>
        %dma_start3A = arith.constant 0 : i32
        %dma_start3A_18 = arith.constant 0 : i32
        %dma_start3A_19 = tpu.memref_slice %arg3[%arg1, %dma_start3A, %dma_start3A_18] : memref<16x88x96xi32, #tpu.memory_space<hbm>> -> memref<1x88x96xi32, #tpu.memory_space<hbm>>
        %dma_start3A_20 = tpu.memref_squeeze %dma_start3A_19 : memref<1x88x96xi32, #tpu.memory_space<hbm>> -> memref<88x96xi32, #tpu.memory_space<hbm>>
        %dma_start3A_21 = arith.constant 0 : i32
        %dma_start3A_22 = arith.constant 0 : i32
        %dma_start3A_23 = tpu.memref_slice %arg3[%arg1, %dma_start3A_21, %dma_start3A_22] : memref<16x88x96xi32, #tpu.memory_space<hbm>> -> memref<1x88x96xi32, #tpu.memory_space<hbm>>
        %dma_start3A_24 = tpu.memref_squeeze %dma_start3A_23 : memref<1x88x96xi32, #tpu.memory_space<hbm>> -> memref<88x96xi32, #tpu.memory_space<hbm>>
        tpu.enqueue_dma source(%dma_start3A_24 : memref<88x96xi32, #tpu.memory_space<hbm>>) target(%arg9 : memref<88x96xi32, #tpu.memory_space<vmem>>) target_semaphore(%run_scoped3A : memref<!tpu.dma_semaphore, #tpu.memory_space<semaphore_mem>>)
        %dma_wait3A = arith.constant 0 : i32
        %dma_wait3A_25 = arith.constant 0 : i32
        %dma_wait3A_26 = tpu.memref_slice %arg3[%arg1, %dma_wait3A, %dma_wait3A_25] : memref<16x88x96xi32, #tpu.memory_space<hbm>> -> memref<1x88x96xi32, #tpu.memory_space<hbm>>
        %dma_wait3A_27 = tpu.memref_squeeze %dma_wait3A_26 : memref<1x88x96xi32, #tpu.memory_space<hbm>> -> memref<88x96xi32, #tpu.memory_space<hbm>>
        %dma_wait3A_28 = arith.constant 0 : i32
        %dma_wait3A_29 = arith.constant 0 : i32
        %dma_wait3A_30 = tpu.memref_slice %arg3[%arg1, %dma_wait3A_28, %dma_wait3A_29] : memref<16x88x96xi32, #tpu.memory_space<hbm>> -> memref<1x88x96xi32, #tpu.memory_space<hbm>>
        %dma_wait3A_31 = tpu.memref_squeeze %dma_wait3A_30 : memref<1x88x96xi32, #tpu.memory_space<hbm>> -> memref<88x96xi32, #tpu.memory_space<hbm>>
        tpu.wait_dma2 semaphore(%run_scoped3A : memref<!tpu.dma_semaphore, #tpu.memory_space<semaphore_mem>>) src(%dma_wait3A_31 : memref<88x96xi32, #tpu.memory_space<hbm>>) dst(%arg9 : memref<88x96xi32, #tpu.memory_space<vmem>>)
        tpu.yield
      }) : () -> ()
      "tpu.region"() ({
        %run_scoped3A = tpu.sem_alloc : memref<!tpu.dma_semaphore, #tpu.memory_space<semaphore_mem>>
        %dma_start3A = arith.constant 0 : i32
        %dma_start3A_18 = arith.constant 0 : i32
        %dma_start3A_19 = tpu.memref_slice %arg4[%arg1, %dma_start3A, %dma_start3A_18] : memref<16x88x96xi32, #tpu.memory_space<hbm>> -> memref<1x88x96xi32, #tpu.memory_space<hbm>>
        %dma_start3A_20 = tpu.memref_squeeze %dma_start3A_19 : memref<1x88x96xi32, #tpu.memory_space<hbm>> -> memref<88x96xi32, #tpu.memory_space<hbm>>
        %dma_start3A_21 = arith.constant 0 : i32
        %dma_start3A_22 = arith.constant 0 : i32
        %dma_start3A_23 = tpu.memref_slice %arg4[%arg1, %dma_start3A_21, %dma_start3A_22] : memref<16x88x96xi32, #tpu.memory_space<hbm>> -> memref<1x88x96xi32, #tpu.memory_space<hbm>>
        %dma_start3A_24 = tpu.memref_squeeze %dma_start3A_23 : memref<1x88x96xi32, #tpu.memory_space<hbm>> -> memref<88x96xi32, #tpu.memory_space<hbm>>
        tpu.enqueue_dma source(%dma_start3A_24 : memref<88x96xi32, #tpu.memory_space<hbm>>) target(%arg10 : memref<88x96xi32, #tpu.memory_space<vmem>>) target_semaphore(%run_scoped3A : memref<!tpu.dma_semaphore, #tpu.memory_space<semaphore_mem>>)
        %dma_wait3A = arith.constant 0 : i32
        %dma_wait3A_25 = arith.constant 0 : i32
        %dma_wait3A_26 = tpu.memref_slice %arg4[%arg1, %dma_wait3A, %dma_wait3A_25] : memref<16x88x96xi32, #tpu.memory_space<hbm>> -> memref<1x88x96xi32, #tpu.memory_space<hbm>>
        %dma_wait3A_27 = tpu.memref_squeeze %dma_wait3A_26 : memref<1x88x96xi32, #tpu.memory_space<hbm>> -> memref<88x96xi32, #tpu.memory_space<hbm>>
        %dma_wait3A_28 = arith.constant 0 : i32
        %dma_wait3A_29 = arith.constant 0 : i32
        %dma_wait3A_30 = tpu.memref_slice %arg4[%arg1, %dma_wait3A_28, %dma_wait3A_29] : memref<16x88x96xi32, #tpu.memory_space<hbm>> -> memref<1x88x96xi32, #tpu.memory_space<hbm>>
        %dma_wait3A_31 = tpu.memref_squeeze %dma_wait3A_30 : memref<1x88x96xi32, #tpu.memory_space<hbm>> -> memref<88x96xi32, #tpu.memory_space<hbm>>
        tpu.wait_dma2 semaphore(%run_scoped3A : memref<!tpu.dma_semaphore, #tpu.memory_space<semaphore_mem>>) src(%dma_wait3A_31 : memref<88x96xi32, #tpu.memory_space<hbm>>) dst(%arg10 : memref<88x96xi32, #tpu.memory_space<vmem>>)
        tpu.yield
      }) : () -> ()
    } else {
    }
    %eq3A_2 = arith.constant 1 : i32
    %eq3A_3 = arith.cmpi eq, %arg0, %eq3A_2 : i32
    %convert_element_type3A_4 = arith.extui %eq3A_3 : i1 to i32
    %cond3A_5 = arith.constant 0 : i32
    %cond3A_6 = arith.cmpi ne, %convert_element_type3A_4, %cond3A_5 : i32
    scf.if %cond3A_6 {
      "tpu.region"() ({
        %run_scoped3A = tpu.sem_alloc : memref<!tpu.dma_semaphore, #tpu.memory_space<semaphore_mem>>
        %dma_start3A = arith.constant 0 : i32
        %dma_start3A_18 = arith.constant 0 : i32
        %dma_start3A_19 = tpu.memref_slice %arg9[%dma_start3A, %dma_start3A_18] : memref<88x96xi32, #tpu.memory_space<vmem>> -> memref<18x96xi32, #tpu.memory_space<vmem>>
        %dma_start3A_20 = arith.constant 0 : i32
        %dma_start3A_21 = arith.constant 0 : i32
        %dma_start3A_22 = tpu.memref_slice %arg5[%arg1, %dma_start3A_20, %dma_start3A_21] : memref<16x18x96xi32, #tpu.memory_space<hbm>> -> memref<1x18x96xi32, #tpu.memory_space<hbm>>
        %dma_start3A_23 = tpu.memref_squeeze %dma_start3A_22 : memref<1x18x96xi32, #tpu.memory_space<hbm>> -> memref<18x96xi32, #tpu.memory_space<hbm>>
        %dma_start3A_24 = arith.constant 0 : i32
        %dma_start3A_25 = arith.constant 0 : i32
        %dma_start3A_26 = tpu.memref_slice %arg9[%dma_start3A_24, %dma_start3A_25] : memref<88x96xi32, #tpu.memory_space<vmem>> -> memref<18x96xi32, #tpu.memory_space<vmem>>
        %dma_start3A_27 = arith.constant 0 : i32
        %dma_start3A_28 = arith.constant 0 : i32
        %dma_start3A_29 = tpu.memref_slice %arg5[%arg1, %dma_start3A_27, %dma_start3A_28] : memref<16x18x96xi32, #tpu.memory_space<hbm>> -> memref<1x18x96xi32, #tpu.memory_space<hbm>>
        %dma_start3A_30 = tpu.memref_squeeze %dma_start3A_29 : memref<1x18x96xi32, #tpu.memory_space<hbm>> -> memref<18x96xi32, #tpu.memory_space<hbm>>
        tpu.enqueue_dma source(%dma_start3A_30 : memref<18x96xi32, #tpu.memory_space<hbm>>) target(%dma_start3A_26 : memref<18x96xi32, #tpu.memory_space<vmem>>) target_semaphore(%run_scoped3A : memref<!tpu.dma_semaphore, #tpu.memory_space<semaphore_mem>>)
        %dma_wait3A = arith.constant 0 : i32
        %dma_wait3A_31 = arith.constant 0 : i32
        %dma_wait3A_32 = tpu.memref_slice %arg9[%dma_wait3A, %dma_wait3A_31] : memref<88x96xi32, #tpu.memory_space<vmem>> -> memref<18x96xi32, #tpu.memory_space<vmem>>
        %dma_wait3A_33 = arith.constant 0 : i32
        %dma_wait3A_34 = arith.constant 0 : i32
        %dma_wait3A_35 = tpu.memref_slice %arg5[%arg1, %dma_wait3A_33, %dma_wait3A_34] : memref<16x18x96xi32, #tpu.memory_space<hbm>> -> memref<1x18x96xi32, #tpu.memory_space<hbm>>
        %dma_wait3A_36 = tpu.memref_squeeze %dma_wait3A_35 : memref<1x18x96xi32, #tpu.memory_space<hbm>> -> memref<18x96xi32, #tpu.memory_space<hbm>>
        %dma_wait3A_37 = arith.constant 0 : i32
        %dma_wait3A_38 = arith.constant 0 : i32
        %dma_wait3A_39 = tpu.memref_slice %arg9[%dma_wait3A_37, %dma_wait3A_38] : memref<88x96xi32, #tpu.memory_space<vmem>> -> memref<18x96xi32, #tpu.memory_space<vmem>>
        %dma_wait3A_40 = arith.constant 0 : i32
        %dma_wait3A_41 = arith.constant 0 : i32
        %dma_wait3A_42 = tpu.memref_slice %arg5[%arg1, %dma_wait3A_40, %dma_wait3A_41] : memref<16x18x96xi32, #tpu.memory_space<hbm>> -> memref<1x18x96xi32, #tpu.memory_space<hbm>>
        %dma_wait3A_43 = tpu.memref_squeeze %dma_wait3A_42 : memref<1x18x96xi32, #tpu.memory_space<hbm>> -> memref<18x96xi32, #tpu.memory_space<hbm>>
        tpu.wait_dma2 semaphore(%run_scoped3A : memref<!tpu.dma_semaphore, #tpu.memory_space<semaphore_mem>>) src(%dma_wait3A_43 : memref<18x96xi32, #tpu.memory_space<hbm>>) dst(%dma_wait3A_39 : memref<18x96xi32, #tpu.memory_space<vmem>>)
        tpu.yield
      }) : () -> ()
      "tpu.region"() ({
        %run_scoped3A = tpu.sem_alloc : memref<!tpu.dma_semaphore, #tpu.memory_space<semaphore_mem>>
        %dma_start3A = arith.constant 0 : i32
        %dma_start3A_18 = arith.constant 0 : i32
        %dma_start3A_19 = tpu.memref_slice %arg10[%dma_start3A, %dma_start3A_18] : memref<88x96xi32, #tpu.memory_space<vmem>> -> memref<18x96xi32, #tpu.memory_space<vmem>>
        %dma_start3A_20 = arith.constant 0 : i32
        %dma_start3A_21 = arith.constant 0 : i32
        %dma_start3A_22 = tpu.memref_slice %arg6[%arg1, %dma_start3A_20, %dma_start3A_21] : memref<16x18x96xi32, #tpu.memory_space<hbm>> -> memref<1x18x96xi32, #tpu.memory_space<hbm>>
        %dma_start3A_23 = tpu.memref_squeeze %dma_start3A_22 : memref<1x18x96xi32, #tpu.memory_space<hbm>> -> memref<18x96xi32, #tpu.memory_space<hbm>>
        %dma_start3A_24 = arith.constant 0 : i32
        %dma_start3A_25 = arith.constant 0 : i32
        %dma_start3A_26 = tpu.memref_slice %arg10[%dma_start3A_24, %dma_start3A_25] : memref<88x96xi32, #tpu.memory_space<vmem>> -> memref<18x96xi32, #tpu.memory_space<vmem>>
        %dma_start3A_27 = arith.constant 0 : i32
        %dma_start3A_28 = arith.constant 0 : i32
        %dma_start3A_29 = tpu.memref_slice %arg6[%arg1, %dma_start3A_27, %dma_start3A_28] : memref<16x18x96xi32, #tpu.memory_space<hbm>> -> memref<1x18x96xi32, #tpu.memory_space<hbm>>
        %dma_start3A_30 = tpu.memref_squeeze %dma_start3A_29 : memref<1x18x96xi32, #tpu.memory_space<hbm>> -> memref<18x96xi32, #tpu.memory_space<hbm>>
        tpu.enqueue_dma source(%dma_start3A_30 : memref<18x96xi32, #tpu.memory_space<hbm>>) target(%dma_start3A_26 : memref<18x96xi32, #tpu.memory_space<vmem>>) target_semaphore(%run_scoped3A : memref<!tpu.dma_semaphore, #tpu.memory_space<semaphore_mem>>)
        %dma_wait3A = arith.constant 0 : i32
        %dma_wait3A_31 = arith.constant 0 : i32
        %dma_wait3A_32 = tpu.memref_slice %arg10[%dma_wait3A, %dma_wait3A_31] : memref<88x96xi32, #tpu.memory_space<vmem>> -> memref<18x96xi32, #tpu.memory_space<vmem>>
        %dma_wait3A_33 = arith.constant 0 : i32
        %dma_wait3A_34 = arith.constant 0 : i32
        %dma_wait3A_35 = tpu.memref_slice %arg6[%arg1, %dma_wait3A_33, %dma_wait3A_34] : memref<16x18x96xi32, #tpu.memory_space<hbm>> -> memref<1x18x96xi32, #tpu.memory_space<hbm>>
        %dma_wait3A_36 = tpu.memref_squeeze %dma_wait3A_35 : memref<1x18x96xi32, #tpu.memory_space<hbm>> -> memref<18x96xi32, #tpu.memory_space<hbm>>
        %dma_wait3A_37 = arith.constant 0 : i32
        %dma_wait3A_38 = arith.constant 0 : i32
        %dma_wait3A_39 = tpu.memref_slice %arg10[%dma_wait3A_37, %dma_wait3A_38] : memref<88x96xi32, #tpu.memory_space<vmem>> -> memref<18x96xi32, #tpu.memory_space<vmem>>
        %dma_wait3A_40 = arith.constant 0 : i32
        %dma_wait3A_41 = arith.constant 0 : i32
        %dma_wait3A_42 = tpu.memref_slice %arg6[%arg1, %dma_wait3A_40, %dma_wait3A_41] : memref<16x18x96xi32, #tpu.memory_space<hbm>> -> memref<1x18x96xi32, #tpu.memory_space<hbm>>
        %dma_wait3A_43 = tpu.memref_squeeze %dma_wait3A_42 : memref<1x18x96xi32, #tpu.memory_space<hbm>> -> memref<18x96xi32, #tpu.memory_space<hbm>>
        tpu.wait_dma2 semaphore(%run_scoped3A : memref<!tpu.dma_semaphore, #tpu.memory_space<semaphore_mem>>) src(%dma_wait3A_43 : memref<18x96xi32, #tpu.memory_space<hbm>>) dst(%dma_wait3A_39 : memref<18x96xi32, #tpu.memory_space<vmem>>)
        tpu.yield
      }) : () -> ()
    } else {
    }
    %eq3A_7 = arith.constant 0 : i32
    %eq3A_8 = arith.cmpi eq, %arg0, %eq3A_7 : i32
    %select_n3A = arith.constant 18 : i32
    %select_n3A_9 = arith.constant 88 : i32
    %select_n3A_10 = arith.select %eq3A_8, %select_n3A_9, %select_n3A : i32
    %mul3A = arith.constant 632 : i32
    %mul3A_11 = arith.muli %arg1, %mul3A : i32
    %broadcast_in_dim3A = arith.constant 0.000000e+00 : f32
    %broadcast_in_dim3A_12 = vector.broadcast %broadcast_in_dim3A : f32 to vector<16xf32>
    %scan3A = arith.constant 0 : i32
    %scan3A_13 = arith.constant 0 : i32
    %scan3A_14 = arith.constant 10 : i32
    %scan3A_15 = arith.addi %scan3A_13, %scan3A_14 : i32
    %scan3A_16 = arith.constant 1 : i32
    scf.for %scan3A_18 = %scan3A_13 to %scan3A_15 step %scan3A_16  : i32 {
      %scan3A_19 = arith.constant 0 : i32
      %scan3A_20 = arith.constant 0 : i32
      %scan3A_21 = arith.constant 96 : i32
      %scan3A_22 = arith.addi %scan3A_20, %scan3A_21 : i32
      %scan3A_23 = arith.constant 1 : i32
      scf.for %scan3A_87 = %scan3A_20 to %scan3A_22 step %scan3A_23  : i32 {
        %swap3A = arith.index_cast %scan3A_87 : i32 to index
        %swap3A_88 = arith.constant 0 : index
        %swap3A_89 = tpu.vector_load %arg11[%swap3A, %swap3A_88] {strides = array<i32>} : memref<96x128xf32, #tpu.memory_space<vmem>>, vector<1x16xf32>,
        %swap3A_90 = vector.shape_cast %swap3A_89 : vector<1x16xf32> to vector<16xf32>
        %swap3A_91 = vector.shape_cast %broadcast_in_dim3A_12 : vector<16xf32> to vector<1x16xf32>
        tpu.vector_store %arg11[%swap3A, %swap3A_88], %swap3A_91 {strides = array<i32>} : memref<96x128xf32, #tpu.memory_space<vmem>>, vector<1x16xf32>,
        %swap3A_92 = arith.index_cast %scan3A_87 : i32 to index
        %swap3A_93 = arith.constant 16 : index
        %swap3A_94 = tpu.vector_load %arg11[%swap3A_92, %swap3A_93] {strides = array<i32>} : memref<96x128xf32, #tpu.memory_space<vmem>>, vector<1x16xf32>,
        %swap3A_95 = vector.shape_cast %swap3A_94 : vector<1x16xf32> to vector<16xf32>
        %swap3A_96 = vector.shape_cast %broadcast_in_dim3A_12 : vector<16xf32> to vector<1x16xf32>
        tpu.vector_store %arg11[%swap3A_92, %swap3A_93], %swap3A_96 {strides = array<i32>} : memref<96x128xf32, #tpu.memory_space<vmem>>, vector<1x16xf32>,
        %swap3A_97 = arith.index_cast %scan3A_87 : i32 to index
        %swap3A_98 = arith.constant 32 : index
        %swap3A_99 = tpu.vector_load %arg11[%swap3A_97, %swap3A_98] {strides = array<i32>} : memref<96x128xf32, #tpu.memory_space<vmem>>, vector<1x16xf32>,
        %swap3A_100 = vector.shape_cast %swap3A_99 : vector<1x16xf32> to vector<16xf32>
        %swap3A_101 = vector.shape_cast %broadcast_in_dim3A_12 : vector<16xf32> to vector<1x16xf32>
        tpu.vector_store %arg11[%swap3A_97, %swap3A_98], %swap3A_101 {strides = array<i32>} : memref<96x128xf32, #tpu.memory_space<vmem>>, vector<1x16xf32>,
        %swap3A_102 = arith.index_cast %scan3A_87 : i32 to index
        %swap3A_103 = arith.constant 48 : index
        %swap3A_104 = tpu.vector_load %arg11[%swap3A_102, %swap3A_103] {strides = array<i32>} : memref<96x128xf32, #tpu.memory_space<vmem>>, vector<1x16xf32>,
        %swap3A_105 = vector.shape_cast %swap3A_104 : vector<1x16xf32> to vector<16xf32>
        %swap3A_106 = vector.shape_cast %broadcast_in_dim3A_12 : vector<16xf32> to vector<1x16xf32>
        tpu.vector_store %arg11[%swap3A_102, %swap3A_103], %swap3A_106 {strides = array<i32>} : memref<96x128xf32, #tpu.memory_space<vmem>>, vector<1x16xf32>,
        %swap3A_107 = arith.index_cast %scan3A_87 : i32 to index
        %swap3A_108 = arith.constant 64 : index
        %swap3A_109 = tpu.vector_load %arg11[%swap3A_107, %swap3A_108] {strides = array<i32>} : memref<96x128xf32, #tpu.memory_space<vmem>>, vector<1x16xf32>,
        %swap3A_110 = vector.shape_cast %swap3A_109 : vector<1x16xf32> to vector<16xf32>
        %swap3A_111 = vector.shape_cast %broadcast_in_dim3A_12 : vector<16xf32> to vector<1x16xf32>
        tpu.vector_store %arg11[%swap3A_107, %swap3A_108], %swap3A_111 {strides = array<i32>} : memref<96x128xf32, #tpu.memory_space<vmem>>, vector<1x16xf32>,
        %swap3A_112 = arith.index_cast %scan3A_87 : i32 to index
        %swap3A_113 = arith.constant 80 : index
        %swap3A_114 = tpu.vector_load %arg11[%swap3A_112, %swap3A_113] {strides = array<i32>} : memref<96x128xf32, #tpu.memory_space<vmem>>, vector<1x16xf32>,
        %swap3A_115 = vector.shape_cast %swap3A_114 : vector<1x16xf32> to vector<16xf32>
        %swap3A_116 = vector.shape_cast %broadcast_in_dim3A_12 : vector<16xf32> to vector<1x16xf32>
        tpu.vector_store %arg11[%swap3A_112, %swap3A_113], %swap3A_116 {strides = array<i32>} : memref<96x128xf32, #tpu.memory_space<vmem>>, vector<1x16xf32>,
        %swap3A_117 = arith.index_cast %scan3A_87 : i32 to index
        %swap3A_118 = arith.constant 96 : index
        %swap3A_119 = tpu.vector_load %arg11[%swap3A_117, %swap3A_118] {strides = array<i32>} : memref<96x128xf32, #tpu.memory_space<vmem>>, vector<1x16xf32>,
        %swap3A_120 = vector.shape_cast %swap3A_119 : vector<1x16xf32> to vector<16xf32>
        %swap3A_121 = vector.shape_cast %broadcast_in_dim3A_12 : vector<16xf32> to vector<1x16xf32>
        tpu.vector_store %arg11[%swap3A_117, %swap3A_118], %swap3A_121 {strides = array<i32>} : memref<96x128xf32, #tpu.memory_space<vmem>>, vector<1x16xf32>,
        %swap3A_122 = arith.index_cast %scan3A_87 : i32 to index
        %swap3A_123 = arith.constant 112 : index
        %swap3A_124 = tpu.vector_load %arg11[%swap3A_122, %swap3A_123] {strides = array<i32>} : memref<96x128xf32, #tpu.memory_space<vmem>>, vector<1x16xf32>,
        %swap3A_125 = vector.shape_cast %swap3A_124 : vector<1x16xf32> to vector<16xf32>
        %swap3A_126 = vector.shape_cast %broadcast_in_dim3A_12 : vector<16xf32> to vector<1x16xf32>
        tpu.vector_store %arg11[%swap3A_122, %swap3A_123], %swap3A_126 {strides = array<i32>} : memref<96x128xf32, #tpu.memory_space<vmem>>, vector<1x16xf32>,
      }
      %scan3A_24 = arith.constant 96 : i32
      %add3A = arith.constant 0 : i32
      %add3A_25 = arith.addi %mul3A_11, %add3A : i32
      "tpu.region"() ({
        %run_scoped3A = tpu.sem_alloc : memref<!tpu.dma_semaphore, #tpu.memory_space<semaphore_mem>>
        %dma_start3A_87 = arith.constant 0 : i32
        %dma_start3A_88 = tpu.memref_slice %arg8[%add3A_25, %dma_start3A_87] : memref<10112x128xf32, #tpu.memory_space<vmem_shared>> -> memref<96x128xf32, #tpu.memory_space<vmem_shared>>
        %dma_start3A_89 = arith.constant 0 : i32
        %dma_start3A_90 = tpu.memref_slice %arg8[%add3A_25, %dma_start3A_89] : memref<10112x128xf32, #tpu.memory_space<vmem_shared>> -> memref<96x128xf32, #tpu.memory_space<vmem_shared>>
        tpu.enqueue_dma source(%arg11 : memref<96x128xf32, #tpu.memory_space<vmem>>) target(%dma_start3A_90 : memref<96x128xf32, #tpu.memory_space<vmem_shared>>) target_semaphore(%run_scoped3A : memref<!tpu.dma_semaphore, #tpu.memory_space<semaphore_mem>>)
        %dma_wait3A = arith.constant 0 : i32
        %dma_wait3A_91 = tpu.memref_slice %arg8[%add3A_25, %dma_wait3A] : memref<10112x128xf32, #tpu.memory_space<vmem_shared>> -> memref<96x128xf32, #tpu.memory_space<vmem_shared>>
        %dma_wait3A_92 = arith.constant 0 : i32
        %dma_wait3A_93 = tpu.memref_slice %arg8[%add3A_25, %dma_wait3A_92] : memref<10112x128xf32, #tpu.memory_space<vmem_shared>> -> memref<96x128xf32, #tpu.memory_space<vmem_shared>>
        tpu.wait_dma2 semaphore(%run_scoped3A : memref<!tpu.dma_semaphore, #tpu.memory_space<semaphore_mem>>) src(%arg11 : memref<96x128xf32, #tpu.memory_space<vmem>>) dst(%dma_wait3A_93 : memref<96x128xf32, #tpu.memory_space<vmem_shared>>)
        tpu.yield
      }) : () -> ()
      %add3A_26 = arith.constant 96 : i32
      %add3A_27 = arith.addi %mul3A_11, %add3A_26 : i32
      "tpu.region"() ({
        %run_scoped3A = tpu.sem_alloc : memref<!tpu.dma_semaphore, #tpu.memory_space<semaphore_mem>>
        %dma_start3A_87 = arith.constant 0 : i32
        %dma_start3A_88 = tpu.memref_slice %arg8[%add3A_27, %dma_start3A_87] : memref<10112x128xf32, #tpu.memory_space<vmem_shared>> -> memref<96x128xf32, #tpu.memory_space<vmem_shared>>
        %dma_start3A_89 = arith.constant 0 : i32
        %dma_start3A_90 = tpu.memref_slice %arg8[%add3A_27, %dma_start3A_89] : memref<10112x128xf32, #tpu.memory_space<vmem_shared>> -> memref<96x128xf32, #tpu.memory_space<vmem_shared>>
        tpu.enqueue_dma source(%arg11 : memref<96x128xf32, #tpu.memory_space<vmem>>) target(%dma_start3A_90 : memref<96x128xf32, #tpu.memory_space<vmem_shared>>) target_semaphore(%run_scoped3A : memref<!tpu.dma_semaphore, #tpu.memory_space<semaphore_mem>>)
        %dma_wait3A = arith.constant 0 : i32
        %dma_wait3A_91 = tpu.memref_slice %arg8[%add3A_27, %dma_wait3A] : memref<10112x128xf32, #tpu.memory_space<vmem_shared>> -> memref<96x128xf32, #tpu.memory_space<vmem_shared>>
        %dma_wait3A_92 = arith.constant 0 : i32
        %dma_wait3A_93 = tpu.memref_slice %arg8[%add3A_27, %dma_wait3A_92] : memref<10112x128xf32, #tpu.memory_space<vmem_shared>> -> memref<96x128xf32, #tpu.memory_space<vmem_shared>>
        tpu.wait_dma2 semaphore(%run_scoped3A : memref<!tpu.dma_semaphore, #tpu.memory_space<semaphore_mem>>) src(%arg11 : memref<96x128xf32, #tpu.memory_space<vmem>>) dst(%dma_wait3A_93 : memref<96x128xf32, #tpu.memory_space<vmem_shared>>)
        tpu.yield
      }) : () -> ()
      %add3A_28 = arith.constant 192 : i32
      %add3A_29 = arith.addi %mul3A_11, %add3A_28 : i32
      "tpu.region"() ({
        %run_scoped3A = tpu.sem_alloc : memref<!tpu.dma_semaphore, #tpu.memory_space<semaphore_mem>>
        %dma_start3A_87 = arith.constant 0 : i32
        %dma_start3A_88 = tpu.memref_slice %arg8[%add3A_29, %dma_start3A_87] : memref<10112x128xf32, #tpu.memory_space<vmem_shared>> -> memref<96x128xf32, #tpu.memory_space<vmem_shared>>
        %dma_start3A_89 = arith.constant 0 : i32
        %dma_start3A_90 = tpu.memref_slice %arg8[%add3A_29, %dma_start3A_89] : memref<10112x128xf32, #tpu.memory_space<vmem_shared>> -> memref<96x128xf32, #tpu.memory_space<vmem_shared>>
        tpu.enqueue_dma source(%arg11 : memref<96x128xf32, #tpu.memory_space<vmem>>) target(%dma_start3A_90 : memref<96x128xf32, #tpu.memory_space<vmem_shared>>) target_semaphore(%run_scoped3A : memref<!tpu.dma_semaphore, #tpu.memory_space<semaphore_mem>>)
        %dma_wait3A = arith.constant 0 : i32
        %dma_wait3A_91 = tpu.memref_slice %arg8[%add3A_29, %dma_wait3A] : memref<10112x128xf32, #tpu.memory_space<vmem_shared>> -> memref<96x128xf32, #tpu.memory_space<vmem_shared>>
        %dma_wait3A_92 = arith.constant 0 : i32
        %dma_wait3A_93 = tpu.memref_slice %arg8[%add3A_29, %dma_wait3A_92] : memref<10112x128xf32, #tpu.memory_space<vmem_shared>> -> memref<96x128xf32, #tpu.memory_space<vmem_shared>>
        tpu.wait_dma2 semaphore(%run_scoped3A : memref<!tpu.dma_semaphore, #tpu.memory_space<semaphore_mem>>) src(%arg11 : memref<96x128xf32, #tpu.memory_space<vmem>>) dst(%dma_wait3A_93 : memref<96x128xf32, #tpu.memory_space<vmem_shared>>)
        tpu.yield
      }) : () -> ()
      %add3A_30 = arith.constant 288 : i32
      %add3A_31 = arith.addi %mul3A_11, %add3A_30 : i32
      "tpu.region"() ({
        %run_scoped3A = tpu.sem_alloc : memref<!tpu.dma_semaphore, #tpu.memory_space<semaphore_mem>>
        %dma_start3A_87 = arith.constant 0 : i32
        %dma_start3A_88 = tpu.memref_slice %arg8[%add3A_31, %dma_start3A_87] : memref<10112x128xf32, #tpu.memory_space<vmem_shared>> -> memref<96x128xf32, #tpu.memory_space<vmem_shared>>
        %dma_start3A_89 = arith.constant 0 : i32
        %dma_start3A_90 = tpu.memref_slice %arg8[%add3A_31, %dma_start3A_89] : memref<10112x128xf32, #tpu.memory_space<vmem_shared>> -> memref<96x128xf32, #tpu.memory_space<vmem_shared>>
        tpu.enqueue_dma source(%arg11 : memref<96x128xf32, #tpu.memory_space<vmem>>) target(%dma_start3A_90 : memref<96x128xf32, #tpu.memory_space<vmem_shared>>) target_semaphore(%run_scoped3A : memref<!tpu.dma_semaphore, #tpu.memory_space<semaphore_mem>>)
        %dma_wait3A = arith.constant 0 : i32
        %dma_wait3A_91 = tpu.memref_slice %arg8[%add3A_31, %dma_wait3A] : memref<10112x128xf32, #tpu.memory_space<vmem_shared>> -> memref<96x128xf32, #tpu.memory_space<vmem_shared>>
        %dma_wait3A_92 = arith.constant 0 : i32
        %dma_wait3A_93 = tpu.memref_slice %arg8[%add3A_31, %dma_wait3A_92] : memref<10112x128xf32, #tpu.memory_space<vmem_shared>> -> memref<96x128xf32, #tpu.memory_space<vmem_shared>>
        tpu.wait_dma2 semaphore(%run_scoped3A : memref<!tpu.dma_semaphore, #tpu.memory_space<semaphore_mem>>) src(%arg11 : memref<96x128xf32, #tpu.memory_space<vmem>>) dst(%dma_wait3A_93 : memref<96x128xf32, #tpu.memory_space<vmem_shared>>)
        tpu.yield
      }) : () -> ()
      %add3A_32 = arith.constant 384 : i32
      %add3A_33 = arith.addi %mul3A_11, %add3A_32 : i32
      "tpu.region"() ({
        %run_scoped3A = tpu.sem_alloc : memref<!tpu.dma_semaphore, #tpu.memory_space<semaphore_mem>>
        %dma_start3A_87 = arith.constant 0 : i32
        %dma_start3A_88 = tpu.memref_slice %arg8[%add3A_33, %dma_start3A_87] : memref<10112x128xf32, #tpu.memory_space<vmem_shared>> -> memref<96x128xf32, #tpu.memory_space<vmem_shared>>
        %dma_start3A_89 = arith.constant 0 : i32
        %dma_start3A_90 = tpu.memref_slice %arg8[%add3A_33, %dma_start3A_89] : memref<10112x128xf32, #tpu.memory_space<vmem_shared>> -> memref<96x128xf32, #tpu.memory_space<vmem_shared>>
        tpu.enqueue_dma source(%arg11 : memref<96x128xf32, #tpu.memory_space<vmem>>) target(%dma_start3A_90 : memref<96x128xf32, #tpu.memory_space<vmem_shared>>) target_semaphore(%run_scoped3A : memref<!tpu.dma_semaphore, #tpu.memory_space<semaphore_mem>>)
        %dma_wait3A = arith.constant 0 : i32
        %dma_wait3A_91 = tpu.memref_slice %arg8[%add3A_33, %dma_wait3A] : memref<10112x128xf32, #tpu.memory_space<vmem_shared>> -> memref<96x128xf32, #tpu.memory_space<vmem_shared>>
        %dma_wait3A_92 = arith.constant 0 : i32
        %dma_wait3A_93 = tpu.memref_slice %arg8[%add3A_33, %dma_wait3A_92] : memref<10112x128xf32, #tpu.memory_space<vmem_shared>> -> memref<96x128xf32, #tpu.memory_space<vmem_shared>>
        tpu.wait_dma2 semaphore(%run_scoped3A : memref<!tpu.dma_semaphore, #tpu.memory_space<semaphore_mem>>) src(%arg11 : memref<96x128xf32, #tpu.memory_space<vmem>>) dst(%dma_wait3A_93 : memref<96x128xf32, #tpu.memory_space<vmem_shared>>)
        tpu.yield
      }) : () -> ()
      %add3A_34 = arith.constant 480 : i32
      %add3A_35 = arith.addi %mul3A_11, %add3A_34 : i32
      "tpu.region"() ({
        %run_scoped3A = tpu.sem_alloc : memref<!tpu.dma_semaphore, #tpu.memory_space<semaphore_mem>>
        %dma_start3A_87 = arith.constant 0 : i32
        %dma_start3A_88 = tpu.memref_slice %arg8[%add3A_35, %dma_start3A_87] : memref<10112x128xf32, #tpu.memory_space<vmem_shared>> -> memref<96x128xf32, #tpu.memory_space<vmem_shared>>
        %dma_start3A_89 = arith.constant 0 : i32
        %dma_start3A_90 = tpu.memref_slice %arg8[%add3A_35, %dma_start3A_89] : memref<10112x128xf32, #tpu.memory_space<vmem_shared>> -> memref<96x128xf32, #tpu.memory_space<vmem_shared>>
        tpu.enqueue_dma source(%arg11 : memref<96x128xf32, #tpu.memory_space<vmem>>) target(%dma_start3A_90 : memref<96x128xf32, #tpu.memory_space<vmem_shared>>) target_semaphore(%run_scoped3A : memref<!tpu.dma_semaphore, #tpu.memory_space<semaphore_mem>>)
        %dma_wait3A = arith.constant 0 : i32
        %dma_wait3A_91 = tpu.memref_slice %arg8[%add3A_35, %dma_wait3A] : memref<10112x128xf32, #tpu.memory_space<vmem_shared>> -> memref<96x128xf32, #tpu.memory_space<vmem_shared>>
        %dma_wait3A_92 = arith.constant 0 : i32
        %dma_wait3A_93 = tpu.memref_slice %arg8[%add3A_35, %dma_wait3A_92] : memref<10112x128xf32, #tpu.memory_space<vmem_shared>> -> memref<96x128xf32, #tpu.memory_space<vmem_shared>>
        tpu.wait_dma2 semaphore(%run_scoped3A : memref<!tpu.dma_semaphore, #tpu.memory_space<semaphore_mem>>) src(%arg11 : memref<96x128xf32, #tpu.memory_space<vmem>>) dst(%dma_wait3A_93 : memref<96x128xf32, #tpu.memory_space<vmem_shared>>)
        tpu.yield
      }) : () -> ()
      %add3A_36 = arith.constant 576 : i32
      %add3A_37 = arith.addi %mul3A_11, %add3A_36 : i32
      "tpu.region"() ({
        %run_scoped3A = tpu.sem_alloc : memref<!tpu.dma_semaphore, #tpu.memory_space<semaphore_mem>>
        %dma_start3A_87 = arith.constant 0 : i32
        %dma_start3A_88 = arith.constant 0 : i32
        %dma_start3A_89 = tpu.memref_slice %arg11[%dma_start3A_87, %dma_start3A_88] : memref<96x128xf32, #tpu.memory_space<vmem>> -> memref<56x128xf32, #tpu.memory_space<vmem>>
        %dma_start3A_90 = arith.constant 0 : i32
        %dma_start3A_91 = tpu.memref_slice %arg8[%add3A_37, %dma_start3A_90] : memref<10112x128xf32, #tpu.memory_space<vmem_shared>> -> memref<56x128xf32, #tpu.memory_space<vmem_shared>>
        %dma_start3A_92 = arith.constant 0 : i32
        %dma_start3A_93 = tpu.memref_slice %arg8[%add3A_37, %dma_start3A_92] : memref<10112x128xf32, #tpu.memory_space<vmem_shared>> -> memref<56x128xf32, #tpu.memory_space<vmem_shared>>
        %dma_start3A_94 = arith.constant 0 : i32
        %dma_start3A_95 = arith.constant 0 : i32
        %dma_start3A_96 = tpu.memref_slice %arg11[%dma_start3A_94, %dma_start3A_95] : memref<96x128xf32, #tpu.memory_space<vmem>> -> memref<56x128xf32, #tpu.memory_space<vmem>>
        tpu.enqueue_dma source(%dma_start3A_96 : memref<56x128xf32, #tpu.memory_space<vmem>>) target(%dma_start3A_93 : memref<56x128xf32, #tpu.memory_space<vmem_shared>>) target_semaphore(%run_scoped3A : memref<!tpu.dma_semaphore, #tpu.memory_space<semaphore_mem>>)
        %dma_wait3A = arith.constant 0 : i32
        %dma_wait3A_97 = arith.constant 0 : i32
        %dma_wait3A_98 = tpu.memref_slice %arg11[%dma_wait3A, %dma_wait3A_97] : memref<96x128xf32, #tpu.memory_space<vmem>> -> memref<56x128xf32, #tpu.memory_space<vmem>>
        %dma_wait3A_99 = arith.constant 0 : i32
        %dma_wait3A_100 = tpu.memref_slice %arg8[%add3A_37, %dma_wait3A_99] : memref<10112x128xf32, #tpu.memory_space<vmem_shared>> -> memref<56x128xf32, #tpu.memory_space<vmem_shared>>
        %dma_wait3A_101 = arith.constant 0 : i32
        %dma_wait3A_102 = tpu.memref_slice %arg8[%add3A_37, %dma_wait3A_101] : memref<10112x128xf32, #tpu.memory_space<vmem_shared>> -> memref<56x128xf32, #tpu.memory_space<vmem_shared>>
        %dma_wait3A_103 = arith.constant 0 : i32
        %dma_wait3A_104 = arith.constant 0 : i32
        %dma_wait3A_105 = tpu.memref_slice %arg11[%dma_wait3A_103, %dma_wait3A_104] : memref<96x128xf32, #tpu.memory_space<vmem>> -> memref<56x128xf32, #tpu.memory_space<vmem>>
        tpu.wait_dma2 semaphore(%run_scoped3A : memref<!tpu.dma_semaphore, #tpu.memory_space<semaphore_mem>>) src(%dma_wait3A_105 : memref<56x128xf32, #tpu.memory_space<vmem>>) dst(%dma_wait3A_102 : memref<56x128xf32, #tpu.memory_space<vmem_shared>>)
        tpu.yield
      }) : () -> ()
      %barrier3A = arith.constant 0 : index
      tpu.barrier barrier_id(%barrier3A)
      %dma_start3A = arith.constant 0 : i32
      %dma_start3A_38 = arith.constant 0 : i32
      %dma_start3A_39 = tpu.memref_slice %arg9[%dma_start3A, %dma_start3A_38] : memref<88x96xi32, #tpu.memory_space<vmem>> -> memref<1x96xi32, #tpu.memory_space<vmem>>
      %dma_start3A_40 = tpu.memref_squeeze %dma_start3A_39 : memref<1x96xi32, #tpu.memory_space<vmem>> -> memref<96xi32, #tpu.memory_space<vmem>>
      %dma_start3A_41 = arith.constant 0 : i32
      %dma_start3A_42 = arith.constant 0 : i32
      %dma_start3A_43 = tpu.memref_slice %arg2[%scan3A_18, %dma_start3A_41, %dma_start3A_42] : memref<10x10112x128xf32, #tpu.memory_space<hbm>> -> memref<1x10112x128xf32, #tpu.memory_space<hbm>>
      %dma_start3A_44 = tpu.memref_squeeze %dma_start3A_43 : memref<1x10112x128xf32, #tpu.memory_space<hbm>> -> memref<10112x128xf32, #tpu.memory_space<hbm>>
      %dma_start3A_45 = arith.constant 0 : i32
      %dma_start3A_46 = arith.constant 0 : i32
      %dma_start3A_47 = tpu.memref_slice %dma_start3A_44[%dma_start3A_45, %dma_start3A_46] : memref<10112x128xf32, #tpu.memory_space<hbm>> -> memref<10112x128xf32, #tpu.memory_space<hbm>>
      tpu.enqueue_indirect_dma source(%dma_start3A_47 : memref<10112x128xf32, #tpu.memory_space<hbm>>) target(%arg11 : memref<96x128xf32, #tpu.memory_space<vmem>>) offsets(%dma_start3A_40 : memref<96xi32, #tpu.memory_space<vmem>>) semaphore(%arg13 : memref<!tpu.dma_semaphore, #tpu.memory_space<semaphore_mem>>)
      %dma_start3A_48 = arith.constant 1 : i32
      %dma_start3A_49 = arith.constant 0 : i32
      %dma_start3A_50 = tpu.memref_slice %arg9[%dma_start3A_48, %dma_start3A_49] : memref<88x96xi32, #tpu.memory_space<vmem>> -> memref<1x96xi32, #tpu.memory_space<vmem>>
      %dma_start3A_51 = tpu.memref_squeeze %dma_start3A_50 : memref<1x96xi32, #tpu.memory_space<vmem>> -> memref<96xi32, #tpu.memory_space<vmem>>
      %dma_start3A_52 = arith.constant 0 : i32
      %dma_start3A_53 = arith.constant 0 : i32
      %dma_start3A_54 = tpu.memref_slice %arg2[%scan3A_18, %dma_start3A_52, %dma_start3A_53] : memref<10x10112x128xf32, #tpu.memory_space<hbm>> -> memref<1x10112x128xf32, #tpu.memory_space<hbm>>
      %dma_start3A_55 = tpu.memref_squeeze %dma_start3A_54 : memref<1x10112x128xf32, #tpu.memory_space<hbm>> -> memref<10112x128xf32, #tpu.memory_space<hbm>>
      %dma_start3A_56 = arith.constant 0 : i32
      %dma_start3A_57 = arith.constant 0 : i32
      %dma_start3A_58 = tpu.memref_slice %dma_start3A_55[%dma_start3A_56, %dma_start3A_57] : memref<10112x128xf32, #tpu.memory_space<hbm>> -> memref<10112x128xf32, #tpu.memory_space<hbm>>
      tpu.enqueue_indirect_dma source(%dma_start3A_58 : memref<10112x128xf32, #tpu.memory_space<hbm>>) target(%arg12 : memref<96x128xf32, #tpu.memory_space<vmem>>) offsets(%dma_start3A_51 : memref<96xi32, #tpu.memory_space<vmem>>) semaphore(%arg14 : memref<!tpu.dma_semaphore, #tpu.memory_space<semaphore_mem>>)
      %jit3A = arith.constant 2 : i32
      %div3A = arith.divsi %select_n3A_10, %jit3A : i32
      %sign3A = arith.constant 0 : i32
      %sign3A_59 = arith.cmpi sgt, %select_n3A_10, %sign3A : i32
      %sign3A_60 = arith.extui %sign3A_59 : i1 to i32
      %sign3A_61 = arith.constant 0 : i32
      %sign3A_62 = arith.cmpi slt, %select_n3A_10, %sign3A_61 : i32
      %sign3A_63 = arith.extui %sign3A_62 : i1 to i32
      %sign3A_64 = arith.subi %sign3A_60, %sign3A_63 : i32
      %sign3A_65 = arith.constant 0 : i32
      %sign3A_66 = arith.cmpi sgt, %jit3A, %sign3A_65 : i32
      %sign3A_67 = arith.extui %sign3A_66 : i1 to i32
      %sign3A_68 = arith.constant 0 : i32
      %sign3A_69 = arith.cmpi slt, %jit3A, %sign3A_68 : i32
      %sign3A_70 = arith.extui %sign3A_69 : i1 to i32
      %sign3A_71 = arith.subi %sign3A_67, %sign3A_70 : i32
      %ne3A = arith.cmpi ne, %sign3A_64, %sign3A_71 : i32
      %rem3A = arith.remsi %select_n3A_10, %jit3A : i32
      %ne3A_72 = arith.constant 0 : i32
      %ne3A_73 = arith.cmpi ne, %rem3A, %ne3A_72 : i32
      %and3A = arith.andi %ne3A, %ne3A_73 : i1
      %sub3A = arith.constant 1 : i32
      %sub3A_74 = arith.subi %div3A, %sub3A : i32
      %select_n3A_75 = arith.select %and3A, %sub3A_74, %div3A : i32
      %while3A = arith.constant 0 : i32
      %while3A_76 = arith.constant 0 : i32
      %while3A_77 = arith.subi %select_n3A_75, %while3A_76 : i32
      %while3A_78 = arith.addi %while3A_76, %while3A_77 : i32
      %while3A_79 = arith.constant 1 : i32
      %while3A_80 = arith.divsi %while3A_77, %while3A_79 : i32
      %while3A_81 = arith.muli %while3A_80, %while3A_79 : i32
      %while3A_82 = arith.addi %while3A_76, %while3A_81 : i32
      %while3A_83 = arith.constant 1 : i32
      scf.for %while3A_87 = %while3A_76 to %while3A_82 step %while3A_83  : i32 {
        %mul3A_88 = arith.constant 2 : i32
        %mul3A_89 = arith.muli %while3A_87, %mul3A_88 : i32
        %add3A_90 = arith.constant 0 : i32
        %add3A_91 = arith.addi %mul3A_89, %add3A_90 : i32
        %dma_wait3A = arith.constant 0 : i32
        %dma_wait3A_92 = tpu.memref_slice %arg9[%add3A_91, %dma_wait3A] : memref<88x96xi32, #tpu.memory_space<vmem>> -> memref<1x96xi32, #tpu.memory_space<vmem>>
        %dma_wait3A_93 = tpu.memref_squeeze %dma_wait3A_92 : memref<1x96xi32, #tpu.memory_space<vmem>> -> memref<96xi32, #tpu.memory_space<vmem>>
        %dma_wait3A_94 = arith.constant 0 : i32
        %dma_wait3A_95 = arith.constant 0 : i32
        %dma_wait3A_96 = tpu.memref_slice %arg2[%scan3A_18, %dma_wait3A_94, %dma_wait3A_95] : memref<10x10112x128xf32, #tpu.memory_space<hbm>> -> memref<1x10112x128xf32, #tpu.memory_space<hbm>>
        %dma_wait3A_97 = tpu.memref_squeeze %dma_wait3A_96 : memref<1x10112x128xf32, #tpu.memory_space<hbm>> -> memref<10112x128xf32, #tpu.memory_space<hbm>>
        %dma_wait3A_98 = arith.constant 0 : i32
        %dma_wait3A_99 = arith.constant 0 : i32
        %dma_wait3A_100 = tpu.memref_slice %dma_wait3A_97[%dma_wait3A_98, %dma_wait3A_99] : memref<10112x128xf32, #tpu.memory_space<hbm>> -> memref<10112x128xf32, #tpu.memory_space<hbm>>
        tpu.wait_indirect_dma semaphore(%arg13 : memref<!tpu.dma_semaphore, #tpu.memory_space<semaphore_mem>>) src(%dma_wait3A_100 : memref<10112x128xf32, #tpu.memory_space<hbm>>) dst(%arg11 : memref<96x128xf32, #tpu.memory_space<vmem>>)
        "tpu.region"() ({
          %run_scoped3A = tpu.sem_alloc : memref<!tpu.dma_semaphore, #tpu.memory_space<semaphore_mem>>
          %dma_start3A_126 = arith.constant 0 : i32
          %dma_start3A_127 = tpu.memref_slice %arg10[%add3A_91, %dma_start3A_126] : memref<88x96xi32, #tpu.memory_space<vmem>> -> memref<1x96xi32, #tpu.memory_space<vmem>>
          %dma_start3A_128 = tpu.memref_squeeze %dma_start3A_127 : memref<1x96xi32, #tpu.memory_space<vmem>> -> memref<96xi32, #tpu.memory_space<vmem>>
          %dma_start3A_129 = arith.constant 0 : i32
          %dma_start3A_130 = arith.constant 0 : i32
          %dma_start3A_131 = tpu.memref_slice %arg8[%dma_start3A_129, %dma_start3A_130] : memref<10112x128xf32, #tpu.memory_space<vmem_shared>> -> memref<10112x128xf32, #tpu.memory_space<vmem_shared>>
          tpu.enqueue_indirect_dma source(%arg11 : memref<96x128xf32, #tpu.memory_space<vmem>>) target(%dma_start3A_131 : memref<10112x128xf32, #tpu.memory_space<vmem_shared>>) offsets(%dma_start3A_128 : memref<96xi32, #tpu.memory_space<vmem>>) semaphore(%run_scoped3A : memref<!tpu.dma_semaphore, #tpu.memory_space<semaphore_mem>>) {add = true}
          %dma_wait3A_132 = arith.constant 0 : i32
          %dma_wait3A_133 = tpu.memref_slice %arg10[%add3A_91, %dma_wait3A_132] : memref<88x96xi32, #tpu.memory_space<vmem>> -> memref<1x96xi32, #tpu.memory_space<vmem>>
          %dma_wait3A_134 = tpu.memref_squeeze %dma_wait3A_133 : memref<1x96xi32, #tpu.memory_space<vmem>> -> memref<96xi32, #tpu.memory_space<vmem>>
          %dma_wait3A_135 = arith.constant 0 : i32
          %dma_wait3A_136 = arith.constant 0 : i32
          %dma_wait3A_137 = tpu.memref_slice %arg8[%dma_wait3A_135, %dma_wait3A_136] : memref<10112x128xf32, #tpu.memory_space<vmem_shared>> -> memref<10112x128xf32, #tpu.memory_space<vmem_shared>>
          tpu.wait_indirect_dma semaphore(%run_scoped3A : memref<!tpu.dma_semaphore, #tpu.memory_space<semaphore_mem>>) src(%arg11 : memref<96x128xf32, #tpu.memory_space<vmem>>) dst(%dma_wait3A_137 : memref<10112x128xf32, #tpu.memory_space<vmem_shared>>)
          tpu.yield
        }) : () -> ()
        %add3A_101 = arith.constant 2 : i32
        %add3A_102 = arith.addi %add3A_91, %add3A_101 : i32
        %lt3A = arith.cmpi slt, %add3A_102, %select_n3A_10 : i32
        %convert_element_type3A_103 = arith.extui %lt3A : i1 to i32
        %cond3A_104 = arith.constant 0 : i32
        %cond3A_105 = arith.cmpi ne, %convert_element_type3A_103, %cond3A_104 : i32
        scf.if %cond3A_105 {
          %dma_start3A_126 = arith.constant 0 : i32
          %dma_start3A_127 = tpu.memref_slice %arg9[%add3A_102, %dma_start3A_126] : memref<88x96xi32, #tpu.memory_space<vmem>> -> memref<1x96xi32, #tpu.memory_space<vmem>>
          %dma_start3A_128 = tpu.memref_squeeze %dma_start3A_127 : memref<1x96xi32, #tpu.memory_space<vmem>> -> memref<96xi32, #tpu.memory_space<vmem>>
          %dma_start3A_129 = arith.constant 0 : i32
          %dma_start3A_130 = arith.constant 0 : i32
          %dma_start3A_131 = tpu.memref_slice %arg2[%scan3A_18, %dma_start3A_129, %dma_start3A_130] : memref<10x10112x128xf32, #tpu.memory_space<hbm>> -> memref<1x10112x128xf32, #tpu.memory_space<hbm>>
          %dma_start3A_132 = tpu.memref_squeeze %dma_start3A_131 : memref<1x10112x128xf32, #tpu.memory_space<hbm>> -> memref<10112x128xf32, #tpu.memory_space<hbm>>
          %dma_start3A_133 = arith.constant 0 : i32
          %dma_start3A_134 = arith.constant 0 : i32
          %dma_start3A_135 = tpu.memref_slice %dma_start3A_132[%dma_start3A_133, %dma_start3A_134] : memref<10112x128xf32, #tpu.memory_space<hbm>> -> memref<10112x128xf32, #tpu.memory_space<hbm>>
          tpu.enqueue_indirect_dma source(%dma_start3A_135 : memref<10112x128xf32, #tpu.memory_space<hbm>>) target(%arg11 : memref<96x128xf32, #tpu.memory_space<vmem>>) offsets(%dma_start3A_128 : memref<96xi32, #tpu.memory_space<vmem>>) semaphore(%arg13 : memref<!tpu.dma_semaphore, #tpu.memory_space<semaphore_mem>>)
        } else {
        }
        %mul3A_106 = arith.constant 2 : i32
        %mul3A_107 = arith.muli %while3A_87, %mul3A_106 : i32
        %add3A_108 = arith.constant 1 : i32
        %add3A_109 = arith.addi %mul3A_107, %add3A_108 : i32
        %dma_wait3A_110 = arith.constant 0 : i32
        %dma_wait3A_111 = tpu.memref_slice %arg9[%add3A_109, %dma_wait3A_110] : memref<88x96xi32, #tpu.memory_space<vmem>> -> memref<1x96xi32, #tpu.memory_space<vmem>>
        %dma_wait3A_112 = tpu.memref_squeeze %dma_wait3A_111 : memref<1x96xi32, #tpu.memory_space<vmem>> -> memref<96xi32, #tpu.memory_space<vmem>>
        %dma_wait3A_113 = arith.constant 0 : i32
        %dma_wait3A_114 = arith.constant 0 : i32
        %dma_wait3A_115 = tpu.memref_slice %arg2[%scan3A_18, %dma_wait3A_113, %dma_wait3A_114] : memref<10x10112x128xf32, #tpu.memory_space<hbm>> -> memref<1x10112x128xf32, #tpu.memory_space<hbm>>
        %dma_wait3A_116 = tpu.memref_squeeze %dma_wait3A_115 : memref<1x10112x128xf32, #tpu.memory_space<hbm>> -> memref<10112x128xf32, #tpu.memory_space<hbm>>
        %dma_wait3A_117 = arith.constant 0 : i32
        %dma_wait3A_118 = arith.constant 0 : i32
        %dma_wait3A_119 = tpu.memref_slice %dma_wait3A_116[%dma_wait3A_117, %dma_wait3A_118] : memref<10112x128xf32, #tpu.memory_space<hbm>> -> memref<10112x128xf32, #tpu.memory_space<hbm>>
        tpu.wait_indirect_dma semaphore(%arg14 : memref<!tpu.dma_semaphore, #tpu.memory_space<semaphore_mem>>) src(%dma_wait3A_119 : memref<10112x128xf32, #tpu.memory_space<hbm>>) dst(%arg12 : memref<96x128xf32, #tpu.memory_space<vmem>>)
        "tpu.region"() ({
          %run_scoped3A = tpu.sem_alloc : memref<!tpu.dma_semaphore, #tpu.memory_space<semaphore_mem>>
          %dma_start3A_126 = arith.constant 0 : i32
          %dma_start3A_127 = tpu.memref_slice %arg10[%add3A_109, %dma_start3A_126] : memref<88x96xi32, #tpu.memory_space<vmem>> -> memref<1x96xi32, #tpu.memory_space<vmem>>
          %dma_start3A_128 = tpu.memref_squeeze %dma_start3A_127 : memref<1x96xi32, #tpu.memory_space<vmem>> -> memref<96xi32, #tpu.memory_space<vmem>>
          %dma_start3A_129 = arith.constant 0 : i32
          %dma_start3A_130 = arith.constant 0 : i32
          %dma_start3A_131 = tpu.memref_slice %arg8[%dma_start3A_129, %dma_start3A_130] : memref<10112x128xf32, #tpu.memory_space<vmem_shared>> -> memref<10112x128xf32, #tpu.memory_space<vmem_shared>>
          tpu.enqueue_indirect_dma source(%arg12 : memref<96x128xf32, #tpu.memory_space<vmem>>) target(%dma_start3A_131 : memref<10112x128xf32, #tpu.memory_space<vmem_shared>>) offsets(%dma_start3A_128 : memref<96xi32, #tpu.memory_space<vmem>>) semaphore(%run_scoped3A : memref<!tpu.dma_semaphore, #tpu.memory_space<semaphore_mem>>) {add = true}
          %dma_wait3A_132 = arith.constant 0 : i32
          %dma_wait3A_133 = tpu.memref_slice %arg10[%add3A_109, %dma_wait3A_132] : memref<88x96xi32, #tpu.memory_space<vmem>> -> memref<1x96xi32, #tpu.memory_space<vmem>>
          %dma_wait3A_134 = tpu.memref_squeeze %dma_wait3A_133 : memref<1x96xi32, #tpu.memory_space<vmem>> -> memref<96xi32, #tpu.memory_space<vmem>>
          %dma_wait3A_135 = arith.constant 0 : i32
          %dma_wait3A_136 = arith.constant 0 : i32
          %dma_wait3A_137 = tpu.memref_slice %arg8[%dma_wait3A_135, %dma_wait3A_136] : memref<10112x128xf32, #tpu.memory_space<vmem_shared>> -> memref<10112x128xf32, #tpu.memory_space<vmem_shared>>
          tpu.wait_indirect_dma semaphore(%run_scoped3A : memref<!tpu.dma_semaphore, #tpu.memory_space<semaphore_mem>>) src(%arg12 : memref<96x128xf32, #tpu.memory_space<vmem>>) dst(%dma_wait3A_137 : memref<10112x128xf32, #tpu.memory_space<vmem_shared>>)
          tpu.yield
        }) : () -> ()
        %add3A_120 = arith.constant 2 : i32
        %add3A_121 = arith.addi %add3A_109, %add3A_120 : i32
        %lt3A_122 = arith.cmpi slt, %add3A_121, %select_n3A_10 : i32
        %convert_element_type3A_123 = arith.extui %lt3A_122 : i1 to i32
        %cond3A_124 = arith.constant 0 : i32
        %cond3A_125 = arith.cmpi ne, %convert_element_type3A_123, %cond3A_124 : i32
        scf.if %cond3A_125 {
          %dma_start3A_126 = arith.constant 0 : i32
          %dma_start3A_127 = tpu.memref_slice %arg9[%add3A_121, %dma_start3A_126] : memref<88x96xi32, #tpu.memory_space<vmem>> -> memref<1x96xi32, #tpu.memory_space<vmem>>
          %dma_start3A_128 = tpu.memref_squeeze %dma_start3A_127 : memref<1x96xi32, #tpu.memory_space<vmem>> -> memref<96xi32, #tpu.memory_space<vmem>>
          %dma_start3A_129 = arith.constant 0 : i32
          %dma_start3A_130 = arith.constant 0 : i32
          %dma_start3A_131 = tpu.memref_slice %arg2[%scan3A_18, %dma_start3A_129, %dma_start3A_130] : memref<10x10112x128xf32, #tpu.memory_space<hbm>> -> memref<1x10112x128xf32, #tpu.memory_space<hbm>>
          %dma_start3A_132 = tpu.memref_squeeze %dma_start3A_131 : memref<1x10112x128xf32, #tpu.memory_space<hbm>> -> memref<10112x128xf32, #tpu.memory_space<hbm>>
          %dma_start3A_133 = arith.constant 0 : i32
          %dma_start3A_134 = arith.constant 0 : i32
          %dma_start3A_135 = tpu.memref_slice %dma_start3A_132[%dma_start3A_133, %dma_start3A_134] : memref<10112x128xf32, #tpu.memory_space<hbm>> -> memref<10112x128xf32, #tpu.memory_space<hbm>>
          tpu.enqueue_indirect_dma source(%dma_start3A_135 : memref<10112x128xf32, #tpu.memory_space<hbm>>) target(%arg12 : memref<96x128xf32, #tpu.memory_space<vmem>>) offsets(%dma_start3A_128 : memref<96xi32, #tpu.memory_space<vmem>>) semaphore(%arg14 : memref<!tpu.dma_semaphore, #tpu.memory_space<semaphore_mem>>)
        } else {
        }
      }
      %while3A_84 = arith.constant 1 : i32
      scf.for %while3A_87 = %while3A_82 to %while3A_78 step %while3A_84  : i32 {
        %mul3A_88 = arith.constant 2 : i32
        %mul3A_89 = arith.muli %while3A_87, %mul3A_88 : i32
        %add3A_90 = arith.constant 0 : i32
        %add3A_91 = arith.addi %mul3A_89, %add3A_90 : i32
        %dma_wait3A = arith.constant 0 : i32
        %dma_wait3A_92 = tpu.memref_slice %arg9[%add3A_91, %dma_wait3A] : memref<88x96xi32, #tpu.memory_space<vmem>> -> memref<1x96xi32, #tpu.memory_space<vmem>>
        %dma_wait3A_93 = tpu.memref_squeeze %dma_wait3A_92 : memref<1x96xi32, #tpu.memory_space<vmem>> -> memref<96xi32, #tpu.memory_space<vmem>>
        %dma_wait3A_94 = arith.constant 0 : i32
        %dma_wait3A_95 = arith.constant 0 : i32
        %dma_wait3A_96 = tpu.memref_slice %arg2[%scan3A_18, %dma_wait3A_94, %dma_wait3A_95] : memref<10x10112x128xf32, #tpu.memory_space<hbm>> -> memref<1x10112x128xf32, #tpu.memory_space<hbm>>
        %dma_wait3A_97 = tpu.memref_squeeze %dma_wait3A_96 : memref<1x10112x128xf32, #tpu.memory_space<hbm>> -> memref<10112x128xf32, #tpu.memory_space<hbm>>
        %dma_wait3A_98 = arith.constant 0 : i32
        %dma_wait3A_99 = arith.constant 0 : i32
        %dma_wait3A_100 = tpu.memref_slice %dma_wait3A_97[%dma_wait3A_98, %dma_wait3A_99] : memref<10112x128xf32, #tpu.memory_space<hbm>> -> memref<10112x128xf32, #tpu.memory_space<hbm>>
        tpu.wait_indirect_dma semaphore(%arg13 : memref<!tpu.dma_semaphore, #tpu.memory_space<semaphore_mem>>) src(%dma_wait3A_100 : memref<10112x128xf32, #tpu.memory_space<hbm>>) dst(%arg11 : memref<96x128xf32, #tpu.memory_space<vmem>>)
        "tpu.region"() ({
          %run_scoped3A = tpu.sem_alloc : memref<!tpu.dma_semaphore, #tpu.memory_space<semaphore_mem>>
          %dma_start3A_126 = arith.constant 0 : i32
          %dma_start3A_127 = tpu.memref_slice %arg10[%add3A_91, %dma_start3A_126] : memref<88x96xi32, #tpu.memory_space<vmem>> -> memref<1x96xi32, #tpu.memory_space<vmem>>
          %dma_start3A_128 = tpu.memref_squeeze %dma_start3A_127 : memref<1x96xi32, #tpu.memory_space<vmem>> -> memref<96xi32, #tpu.memory_space<vmem>>
          %dma_start3A_129 = arith.constant 0 : i32
          %dma_start3A_130 = arith.constant 0 : i32
          %dma_start3A_131 = tpu.memref_slice %arg8[%dma_start3A_129, %dma_start3A_130] : memref<10112x128xf32, #tpu.memory_space<vmem_shared>> -> memref<10112x128xf32, #tpu.memory_space<vmem_shared>>
          tpu.enqueue_indirect_dma source(%arg11 : memref<96x128xf32, #tpu.memory_space<vmem>>) target(%dma_start3A_131 : memref<10112x128xf32, #tpu.memory_space<vmem_shared>>) offsets(%dma_start3A_128 : memref<96xi32, #tpu.memory_space<vmem>>) semaphore(%run_scoped3A : memref<!tpu.dma_semaphore, #tpu.memory_space<semaphore_mem>>) {add = true}
          %dma_wait3A_132 = arith.constant 0 : i32
          %dma_wait3A_133 = tpu.memref_slice %arg10[%add3A_91, %dma_wait3A_132] : memref<88x96xi32, #tpu.memory_space<vmem>> -> memref<1x96xi32, #tpu.memory_space<vmem>>
          %dma_wait3A_134 = tpu.memref_squeeze %dma_wait3A_133 : memref<1x96xi32, #tpu.memory_space<vmem>> -> memref<96xi32, #tpu.memory_space<vmem>>
          %dma_wait3A_135 = arith.constant 0 : i32
          %dma_wait3A_136 = arith.constant 0 : i32
          %dma_wait3A_137 = tpu.memref_slice %arg8[%dma_wait3A_135, %dma_wait3A_136] : memref<10112x128xf32, #tpu.memory_space<vmem_shared>> -> memref<10112x128xf32, #tpu.memory_space<vmem_shared>>
          tpu.wait_indirect_dma semaphore(%run_scoped3A : memref<!tpu.dma_semaphore, #tpu.memory_space<semaphore_mem>>) src(%arg11 : memref<96x128xf32, #tpu.memory_space<vmem>>) dst(%dma_wait3A_137 : memref<10112x128xf32, #tpu.memory_space<vmem_shared>>)
          tpu.yield
        }) : () -> ()
        %add3A_101 = arith.constant 2 : i32
        %add3A_102 = arith.addi %add3A_91, %add3A_101 : i32
        %lt3A = arith.cmpi slt, %add3A_102, %select_n3A_10 : i32
        %convert_element_type3A_103 = arith.extui %lt3A : i1 to i32
        %cond3A_104 = arith.constant 0 : i32
        %cond3A_105 = arith.cmpi ne, %convert_element_type3A_103, %cond3A_104 : i32
        scf.if %cond3A_105 {
          %dma_start3A_126 = arith.constant 0 : i32
          %dma_start3A_127 = tpu.memref_slice %arg9[%add3A_102, %dma_start3A_126] : memref<88x96xi32, #tpu.memory_space<vmem>> -> memref<1x96xi32, #tpu.memory_space<vmem>>
          %dma_start3A_128 = tpu.memref_squeeze %dma_start3A_127 : memref<1x96xi32, #tpu.memory_space<vmem>> -> memref<96xi32, #tpu.memory_space<vmem>>
          %dma_start3A_129 = arith.constant 0 : i32
          %dma_start3A_130 = arith.constant 0 : i32
          %dma_start3A_131 = tpu.memref_slice %arg2[%scan3A_18, %dma_start3A_129, %dma_start3A_130] : memref<10x10112x128xf32, #tpu.memory_space<hbm>> -> memref<1x10112x128xf32, #tpu.memory_space<hbm>>
          %dma_start3A_132 = tpu.memref_squeeze %dma_start3A_131 : memref<1x10112x128xf32, #tpu.memory_space<hbm>> -> memref<10112x128xf32, #tpu.memory_space<hbm>>
          %dma_start3A_133 = arith.constant 0 : i32
          %dma_start3A_134 = arith.constant 0 : i32
          %dma_start3A_135 = tpu.memref_slice %dma_start3A_132[%dma_start3A_133, %dma_start3A_134] : memref<10112x128xf32, #tpu.memory_space<hbm>> -> memref<10112x128xf32, #tpu.memory_space<hbm>>
          tpu.enqueue_indirect_dma source(%dma_start3A_135 : memref<10112x128xf32, #tpu.memory_space<hbm>>) target(%arg11 : memref<96x128xf32, #tpu.memory_space<vmem>>) offsets(%dma_start3A_128 : memref<96xi32, #tpu.memory_space<vmem>>) semaphore(%arg13 : memref<!tpu.dma_semaphore, #tpu.memory_space<semaphore_mem>>)
        } else {
        }
        %mul3A_106 = arith.constant 2 : i32
        %mul3A_107 = arith.muli %while3A_87, %mul3A_106 : i32
        %add3A_108 = arith.constant 1 : i32
        %add3A_109 = arith.addi %mul3A_107, %add3A_108 : i32
        %dma_wait3A_110 = arith.constant 0 : i32
        %dma_wait3A_111 = tpu.memref_slice %arg9[%add3A_109, %dma_wait3A_110] : memref<88x96xi32, #tpu.memory_space<vmem>> -> memref<1x96xi32, #tpu.memory_space<vmem>>
        %dma_wait3A_112 = tpu.memref_squeeze %dma_wait3A_111 : memref<1x96xi32, #tpu.memory_space<vmem>> -> memref<96xi32, #tpu.memory_space<vmem>>
        %dma_wait3A_113 = arith.constant 0 : i32
        %dma_wait3A_114 = arith.constant 0 : i32
        %dma_wait3A_115 = tpu.memref_slice %arg2[%scan3A_18, %dma_wait3A_113, %dma_wait3A_114] : memref<10x10112x128xf32, #tpu.memory_space<hbm>> -> memref<1x10112x128xf32, #tpu.memory_space<hbm>>
        %dma_wait3A_116 = tpu.memref_squeeze %dma_wait3A_115 : memref<1x10112x128xf32, #tpu.memory_space<hbm>> -> memref<10112x128xf32, #tpu.memory_space<hbm>>
        %dma_wait3A_117 = arith.constant 0 : i32
        %dma_wait3A_118 = arith.constant 0 : i32
        %dma_wait3A_119 = tpu.memref_slice %dma_wait3A_116[%dma_wait3A_117, %dma_wait3A_118] : memref<10112x128xf32, #tpu.memory_space<hbm>> -> memref<10112x128xf32, #tpu.memory_space<hbm>>
        tpu.wait_indirect_dma semaphore(%arg14 : memref<!tpu.dma_semaphore, #tpu.memory_space<semaphore_mem>>) src(%dma_wait3A_119 : memref<10112x128xf32, #tpu.memory_space<hbm>>) dst(%arg12 : memref<96x128xf32, #tpu.memory_space<vmem>>)
        "tpu.region"() ({
          %run_scoped3A = tpu.sem_alloc : memref<!tpu.dma_semaphore, #tpu.memory_space<semaphore_mem>>
          %dma_start3A_126 = arith.constant 0 : i32
          %dma_start3A_127 = tpu.memref_slice %arg10[%add3A_109, %dma_start3A_126] : memref<88x96xi32, #tpu.memory_space<vmem>> -> memref<1x96xi32, #tpu.memory_space<vmem>>
          %dma_start3A_128 = tpu.memref_squeeze %dma_start3A_127 : memref<1x96xi32, #tpu.memory_space<vmem>> -> memref<96xi32, #tpu.memory_space<vmem>>
          %dma_start3A_129 = arith.constant 0 : i32
          %dma_start3A_130 = arith.constant 0 : i32
          %dma_start3A_131 = tpu.memref_slice %arg8[%dma_start3A_129, %dma_start3A_130] : memref<10112x128xf32, #tpu.memory_space<vmem_shared>> -> memref<10112x128xf32, #tpu.memory_space<vmem_shared>>
          tpu.enqueue_indirect_dma source(%arg12 : memref<96x128xf32, #tpu.memory_space<vmem>>) target(%dma_start3A_131 : memref<10112x128xf32, #tpu.memory_space<vmem_shared>>) offsets(%dma_start3A_128 : memref<96xi32, #tpu.memory_space<vmem>>) semaphore(%run_scoped3A : memref<!tpu.dma_semaphore, #tpu.memory_space<semaphore_mem>>) {add = true}
          %dma_wait3A_132 = arith.constant 0 : i32
          %dma_wait3A_133 = tpu.memref_slice %arg10[%add3A_109, %dma_wait3A_132] : memref<88x96xi32, #tpu.memory_space<vmem>> -> memref<1x96xi32, #tpu.memory_space<vmem>>
          %dma_wait3A_134 = tpu.memref_squeeze %dma_wait3A_133 : memref<1x96xi32, #tpu.memory_space<vmem>> -> memref<96xi32, #tpu.memory_space<vmem>>
          %dma_wait3A_135 = arith.constant 0 : i32
          %dma_wait3A_136 = arith.constant 0 : i32
          %dma_wait3A_137 = tpu.memref_slice %arg8[%dma_wait3A_135, %dma_wait3A_136] : memref<10112x128xf32, #tpu.memory_space<vmem_shared>> -> memref<10112x128xf32, #tpu.memory_space<vmem_shared>>
          tpu.wait_indirect_dma semaphore(%run_scoped3A : memref<!tpu.dma_semaphore, #tpu.memory_space<semaphore_mem>>) src(%arg12 : memref<96x128xf32, #tpu.memory_space<vmem>>) dst(%dma_wait3A_137 : memref<10112x128xf32, #tpu.memory_space<vmem_shared>>)
          tpu.yield
        }) : () -> ()
        %add3A_120 = arith.constant 2 : i32
        %add3A_121 = arith.addi %add3A_109, %add3A_120 : i32
        %lt3A_122 = arith.cmpi slt, %add3A_121, %select_n3A_10 : i32
        %convert_element_type3A_123 = arith.extui %lt3A_122 : i1 to i32
        %cond3A_124 = arith.constant 0 : i32
        %cond3A_125 = arith.cmpi ne, %convert_element_type3A_123, %cond3A_124 : i32
        scf.if %cond3A_125 {
          %dma_start3A_126 = arith.constant 0 : i32
          %dma_start3A_127 = tpu.memref_slice %arg9[%add3A_121, %dma_start3A_126] : memref<88x96xi32, #tpu.memory_space<vmem>> -> memref<1x96xi32, #tpu.memory_space<vmem>>
          %dma_start3A_128 = tpu.memref_squeeze %dma_start3A_127 : memref<1x96xi32, #tpu.memory_space<vmem>> -> memref<96xi32, #tpu.memory_space<vmem>>
          %dma_start3A_129 = arith.constant 0 : i32
          %dma_start3A_130 = arith.constant 0 : i32
          %dma_start3A_131 = tpu.memref_slice %arg2[%scan3A_18, %dma_start3A_129, %dma_start3A_130] : memref<10x10112x128xf32, #tpu.memory_space<hbm>> -> memref<1x10112x128xf32, #tpu.memory_space<hbm>>
          %dma_start3A_132 = tpu.memref_squeeze %dma_start3A_131 : memref<1x10112x128xf32, #tpu.memory_space<hbm>> -> memref<10112x128xf32, #tpu.memory_space<hbm>>
          %dma_start3A_133 = arith.constant 0 : i32
          %dma_start3A_134 = arith.constant 0 : i32
          %dma_start3A_135 = tpu.memref_slice %dma_start3A_132[%dma_start3A_133, %dma_start3A_134] : memref<10112x128xf32, #tpu.memory_space<hbm>> -> memref<10112x128xf32, #tpu.memory_space<hbm>>
          tpu.enqueue_indirect_dma source(%dma_start3A_135 : memref<10112x128xf32, #tpu.memory_space<hbm>>) target(%arg12 : memref<96x128xf32, #tpu.memory_space<vmem>>) offsets(%dma_start3A_128 : memref<96xi32, #tpu.memory_space<vmem>>) semaphore(%arg14 : memref<!tpu.dma_semaphore, #tpu.memory_space<semaphore_mem>>)
        } else {
        }
      }
      %barrier3A_85 = arith.constant 0 : index
      tpu.barrier barrier_id(%barrier3A_85)
      "tpu.region"() ({
        %run_scoped3A = tpu.sem_alloc : memref<!tpu.dma_semaphore, #tpu.memory_space<semaphore_mem>>
        %dma_start3A_87 = arith.constant 0 : i32
        %dma_start3A_88 = tpu.memref_slice %arg7[%arg0, %scan3A_18, %mul3A_11, %dma_start3A_87] : memref<2x10x10112x128xf32, #tpu.memory_space<hbm>> -> memref<1x1x632x128xf32, #tpu.memory_space<hbm>>
        %dma_start3A_89 = tpu.memref_squeeze %dma_start3A_88 : memref<1x1x632x128xf32, #tpu.memory_space<hbm>> -> memref<632x128xf32, #tpu.memory_space<hbm>>
        %dma_start3A_90 = arith.constant 0 : i32
        %dma_start3A_91 = tpu.memref_slice %arg8[%mul3A_11, %dma_start3A_90] : memref<10112x128xf32, #tpu.memory_space<vmem_shared>> -> memref<632x128xf32, #tpu.memory_space<vmem_shared>>
        tpu.enqueue_dma source(%dma_start3A_91 : memref<632x128xf32, #tpu.memory_space<vmem_shared>>) target(%dma_start3A_89 : memref<632x128xf32, #tpu.memory_space<hbm>>) target_semaphore(%run_scoped3A : memref<!tpu.dma_semaphore, #tpu.memory_space<semaphore_mem>>)
        %dma_wait3A = arith.constant 0 : i32
        %dma_wait3A_92 = tpu.memref_slice %arg7[%arg0, %scan3A_18, %mul3A_11, %dma_wait3A] : memref<2x10x10112x128xf32, #tpu.memory_space<hbm>> -> memref<1x1x632x128xf32, #tpu.memory_space<hbm>>
        %dma_wait3A_93 = tpu.memref_squeeze %dma_wait3A_92 : memref<1x1x632x128xf32, #tpu.memory_space<hbm>> -> memref<632x128xf32, #tpu.memory_space<hbm>>
        %dma_wait3A_94 = arith.constant 0 : i32
        %dma_wait3A_95 = tpu.memref_slice %arg8[%mul3A_11, %dma_wait3A_94] : memref<10112x128xf32, #tpu.memory_space<vmem_shared>> -> memref<632x128xf32, #tpu.memory_space<vmem_shared>>
        tpu.wait_dma2 semaphore(%run_scoped3A : memref<!tpu.dma_semaphore, #tpu.memory_space<semaphore_mem>>) src(%dma_wait3A_95 : memref<632x128xf32, #tpu.memory_space<vmem_shared>>) dst(%dma_wait3A_93 : memref<632x128xf32, #tpu.memory_space<hbm>>)
        tpu.yield
      }) : () -> ()
      %barrier3A_86 = arith.constant 0 : index
      tpu.barrier barrier_id(%barrier3A_86)
    }
    %scan3A_17 = arith.constant 10 : i32
    return
  }
}

module attributes {stable_mosaic.version = 14 : i64} {
  func.func @_mlp0_body(%arg0: i32, %arg1: memref<2x1x632x128xf32, #tpu.memory_space<vmem>>, %arg2: memref<128x1280xf32, #tpu.memory_space<vmem>>, %arg3: memref<1x1280xf32, #tpu.memory_space<vmem>>, %arg4: memref<1280x1280xf32, #tpu.memory_space<vmem>>, %arg5: memref<1x1280xf32, #tpu.memory_space<vmem>>, %arg6: memref<1280x1280xf32, #tpu.memory_space<vmem>>, %arg7: memref<1x1280xf32, #tpu.memory_space<vmem>>, %arg8: memref<10x632x128xf32, #tpu.memory_space<vmem>>) attributes {dimension_semantics = [#tpu.dimension_semantics<arbitrary>], iteration_bounds = array<i64: 16>, scalar_prefetch = 0 : i64, scratch_operands = 0 : i64, tpu.core_type = #tpu.core_type<tc>, window_params = [{transform_indices = @transform_0, window_bounds = array<i64: 2, 1, 632, 128>}, {pipeline_mode = #tpu.pipeline_mode<synchronous>, transform_indices = @transform_1, window_bounds = array<i64: 128, 1280>}, {pipeline_mode = #tpu.pipeline_mode<synchronous>, transform_indices = @transform_2, window_bounds = array<i64: 1, 1280>}, {pipeline_mode = #tpu.pipeline_mode<synchronous>, transform_indices = @transform_3, window_bounds = array<i64: 1280, 1280>}, {pipeline_mode = #tpu.pipeline_mode<synchronous>, transform_indices = @transform_4, window_bounds = array<i64: 1, 1280>}, {pipeline_mode = #tpu.pipeline_mode<synchronous>, transform_indices = @transform_5, window_bounds = array<i64: 1280, 1280>}, {pipeline_mode = #tpu.pipeline_mode<synchronous>, transform_indices = @transform_6, window_bounds = array<i64: 1, 1280>}, {transform_indices = @transform_7, window_bounds = array<i64: 10, 632, 128>}]} {
    %get3A = arith.constant 0 : index
    %get3A_0 = arith.constant 0 : index
    %get3A_1 = arith.constant 0 : index
    %get3A_2 = arith.constant 0 : index
    %get3A_3 = vector.load %arg1[%get3A, %get3A_0, %get3A_1, %get3A_2] : memref<2x1x632x128xf32, #tpu.memory_space<vmem>>, vector<1x1x632x128xf32>
    %get3A_4 = vector.shape_cast %get3A_3 : vector<1x1x632x128xf32> to vector<632x128xf32>
    %get3A_5 = arith.constant 1 : index
    %get3A_6 = arith.constant 0 : index
    %get3A_7 = arith.constant 0 : index
    %get3A_8 = arith.constant 0 : index
    %get3A_9 = vector.load %arg1[%get3A_5, %get3A_6, %get3A_7, %get3A_8] : memref<2x1x632x128xf32, #tpu.memory_space<vmem>>, vector<1x1x632x128xf32>
    %get3A_10 = vector.shape_cast %get3A_9 : vector<1x1x632x128xf32> to vector<632x128xf32>
    %add3A = arith.addf %get3A_4, %get3A_10 : vector<632x128xf32>
    %get3A_11 = arith.constant 0 : index
    %get3A_12 = arith.constant 0 : index
    %get3A_13 = vector.load %arg2[%get3A_11, %get3A_12] : memref<128x1280xf32, #tpu.memory_space<vmem>>, vector<128x1280xf32>
    %dot_general3A = arith.constant dense<0.000000e+00> : vector<632x1280xf32>
    %dot_general3A_14 = tpu.matmul %add3A, %get3A_13, %dot_general3A {dimension_numbers = #tpu.dot_dimension_numbers<[1], [0], [0], [1], [0, 0, 1, 1], [], []>, transpose_lhs_hint = false} : vector<632x128xf32>, vector<128x1280xf32>, vector<632x1280xf32> -> vector<632x1280xf32>
    %get3A_15 = arith.constant 0 : index
    %get3A_16 = arith.constant 0 : index
    %get3A_17 = vector.load %arg3[%get3A_15, %get3A_16] : memref<1x1280xf32, #tpu.memory_space<vmem>>, vector<1x1280xf32>
    %add3A_18 = vector.broadcast %get3A_17 : vector<1x1280xf32> to vector<632x1280xf32>
    %add3A_19 = arith.addf %dot_general3A_14, %add3A_18 : vector<632x1280xf32>
    %max3A = arith.constant 0.000000e+00 : f32
    %max3A_20 = vector.broadcast %max3A : f32 to vector<632x1280xf32>
    %max3A_21 = arith.maximumf %add3A_19, %max3A_20 : vector<632x1280xf32>
    %get3A_22 = arith.constant 0 : index
    %get3A_23 = arith.constant 0 : index
    %get3A_24 = vector.load %arg4[%get3A_22, %get3A_23] : memref<1280x1280xf32, #tpu.memory_space<vmem>>, vector<1280x1280xf32>
    %dot_general3A_25 = arith.constant dense<0.000000e+00> : vector<632x1280xf32>
    %dot_general3A_26 = tpu.matmul %max3A_21, %get3A_24, %dot_general3A_25 {dimension_numbers = #tpu.dot_dimension_numbers<[1], [0], [0], [1], [0, 0, 1, 1], [], []>, transpose_lhs_hint = false} : vector<632x1280xf32>, vector<1280x1280xf32>, vector<632x1280xf32> -> vector<632x1280xf32>
    %get3A_27 = arith.constant 0 : index
    %get3A_28 = arith.constant 0 : index
    %get3A_29 = vector.load %arg5[%get3A_27, %get3A_28] : memref<1x1280xf32, #tpu.memory_space<vmem>>, vector<1x1280xf32>
    %add3A_30 = vector.broadcast %get3A_29 : vector<1x1280xf32> to vector<632x1280xf32>
    %add3A_31 = arith.addf %dot_general3A_26, %add3A_30 : vector<632x1280xf32>
    %max3A_32 = arith.constant 0.000000e+00 : f32
    %max3A_33 = vector.broadcast %max3A_32 : f32 to vector<632x1280xf32>
    %max3A_34 = arith.maximumf %add3A_31, %max3A_33 : vector<632x1280xf32>
    %get3A_35 = arith.constant 0 : index
    %get3A_36 = arith.constant 0 : index
    %get3A_37 = vector.load %arg6[%get3A_35, %get3A_36] : memref<1280x1280xf32, #tpu.memory_space<vmem>>, vector<1280x1280xf32>
    %dot_general3A_38 = arith.constant dense<0.000000e+00> : vector<632x1280xf32>
    %dot_general3A_39 = tpu.matmul %max3A_34, %get3A_37, %dot_general3A_38 {dimension_numbers = #tpu.dot_dimension_numbers<[1], [0], [0], [1], [0, 0, 1, 1], [], []>, transpose_lhs_hint = false} : vector<632x1280xf32>, vector<1280x1280xf32>, vector<632x1280xf32> -> vector<632x1280xf32>
    %get3A_40 = arith.constant 0 : index
    %get3A_41 = arith.constant 0 : index
    %get3A_42 = vector.load %arg7[%get3A_40, %get3A_41] : memref<1x1280xf32, #tpu.memory_space<vmem>>, vector<1x1280xf32>
    %add3A_43 = vector.broadcast %get3A_42 : vector<1x1280xf32> to vector<632x1280xf32>
    %add3A_44 = arith.addf %dot_general3A_39, %add3A_43 : vector<632x1280xf32>
    %max3A_45 = arith.constant 0.000000e+00 : f32
    %max3A_46 = vector.broadcast %max3A_45 : f32 to vector<632x1280xf32>
    %max3A_47 = arith.maximumf %add3A_44, %max3A_46 : vector<632x1280xf32>
    %slice3A = vector.extract_strided_slice %max3A_47 {offsets = [0, 0], sizes = [632, 128], strides = [1, 1]} : vector<632x1280xf32> to vector<632x128xf32>
    %swap3A = arith.constant 0 : index
    %swap3A_48 = arith.constant 0 : index
    %swap3A_49 = arith.constant 0 : index
    %swap3A_50 = vector.load %arg8[%swap3A, %swap3A_48, %swap3A_49] : memref<10x632x128xf32, #tpu.memory_space<vmem>>, vector<1x632x128xf32>
    %swap3A_51 = vector.shape_cast %swap3A_50 : vector<1x632x128xf32> to vector<632x128xf32>
    %swap3A_52 = vector.shape_cast %slice3A : vector<632x128xf32> to vector<1x632x128xf32>
    tpu.vector_store %arg8[%swap3A, %swap3A_48, %swap3A_49], %swap3A_52 {strides = array<i32>} : memref<10x632x128xf32, #tpu.memory_space<vmem>>, vector<1x632x128xf32>,
    %slice3A_53 = vector.extract_strided_slice %max3A_47 {offsets = [0, 128], sizes = [632, 128], strides = [1, 1]} : vector<632x1280xf32> to vector<632x128xf32>
    %swap3A_54 = arith.constant 1 : index
    %swap3A_55 = arith.constant 0 : index
    %swap3A_56 = arith.constant 0 : index
    %swap3A_57 = vector.load %arg8[%swap3A_54, %swap3A_55, %swap3A_56] : memref<10x632x128xf32, #tpu.memory_space<vmem>>, vector<1x632x128xf32>
    %swap3A_58 = vector.shape_cast %swap3A_57 : vector<1x632x128xf32> to vector<632x128xf32>
    %swap3A_59 = vector.shape_cast %slice3A_53 : vector<632x128xf32> to vector<1x632x128xf32>
    tpu.vector_store %arg8[%swap3A_54, %swap3A_55, %swap3A_56], %swap3A_59 {strides = array<i32>} : memref<10x632x128xf32, #tpu.memory_space<vmem>>, vector<1x632x128xf32>,
    %slice3A_60 = vector.extract_strided_slice %max3A_47 {offsets = [0, 256], sizes = [632, 128], strides = [1, 1]} : vector<632x1280xf32> to vector<632x128xf32>
    %swap3A_61 = arith.constant 2 : index
    %swap3A_62 = arith.constant 0 : index
    %swap3A_63 = arith.constant 0 : index
    %swap3A_64 = vector.load %arg8[%swap3A_61, %swap3A_62, %swap3A_63] : memref<10x632x128xf32, #tpu.memory_space<vmem>>, vector<1x632x128xf32>
    %swap3A_65 = vector.shape_cast %swap3A_64 : vector<1x632x128xf32> to vector<632x128xf32>
    %swap3A_66 = vector.shape_cast %slice3A_60 : vector<632x128xf32> to vector<1x632x128xf32>
    tpu.vector_store %arg8[%swap3A_61, %swap3A_62, %swap3A_63], %swap3A_66 {strides = array<i32>} : memref<10x632x128xf32, #tpu.memory_space<vmem>>, vector<1x632x128xf32>,
    %slice3A_67 = vector.extract_strided_slice %max3A_47 {offsets = [0, 384], sizes = [632, 128], strides = [1, 1]} : vector<632x1280xf32> to vector<632x128xf32>
    %swap3A_68 = arith.constant 3 : index
    %swap3A_69 = arith.constant 0 : index
    %swap3A_70 = arith.constant 0 : index
    %swap3A_71 = vector.load %arg8[%swap3A_68, %swap3A_69, %swap3A_70] : memref<10x632x128xf32, #tpu.memory_space<vmem>>, vector<1x632x128xf32>
    %swap3A_72 = vector.shape_cast %swap3A_71 : vector<1x632x128xf32> to vector<632x128xf32>
    %swap3A_73 = vector.shape_cast %slice3A_67 : vector<632x128xf32> to vector<1x632x128xf32>
    tpu.vector_store %arg8[%swap3A_68, %swap3A_69, %swap3A_70], %swap3A_73 {strides = array<i32>} : memref<10x632x128xf32, #tpu.memory_space<vmem>>, vector<1x632x128xf32>,
    %slice3A_74 = vector.extract_strided_slice %max3A_47 {offsets = [0, 512], sizes = [632, 128], strides = [1, 1]} : vector<632x1280xf32> to vector<632x128xf32>
    %swap3A_75 = arith.constant 4 : index
    %swap3A_76 = arith.constant 0 : index
    %swap3A_77 = arith.constant 0 : index
    %swap3A_78 = vector.load %arg8[%swap3A_75, %swap3A_76, %swap3A_77] : memref<10x632x128xf32, #tpu.memory_space<vmem>>, vector<1x632x128xf32>
    %swap3A_79 = vector.shape_cast %swap3A_78 : vector<1x632x128xf32> to vector<632x128xf32>
    %swap3A_80 = vector.shape_cast %slice3A_74 : vector<632x128xf32> to vector<1x632x128xf32>
    tpu.vector_store %arg8[%swap3A_75, %swap3A_76, %swap3A_77], %swap3A_80 {strides = array<i32>} : memref<10x632x128xf32, #tpu.memory_space<vmem>>, vector<1x632x128xf32>,
    %slice3A_81 = vector.extract_strided_slice %max3A_47 {offsets = [0, 640], sizes = [632, 128], strides = [1, 1]} : vector<632x1280xf32> to vector<632x128xf32>
    %swap3A_82 = arith.constant 5 : index
    %swap3A_83 = arith.constant 0 : index
    %swap3A_84 = arith.constant 0 : index
    %swap3A_85 = vector.load %arg8[%swap3A_82, %swap3A_83, %swap3A_84] : memref<10x632x128xf32, #tpu.memory_space<vmem>>, vector<1x632x128xf32>
    %swap3A_86 = vector.shape_cast %swap3A_85 : vector<1x632x128xf32> to vector<632x128xf32>
    %swap3A_87 = vector.shape_cast %slice3A_81 : vector<632x128xf32> to vector<1x632x128xf32>
    tpu.vector_store %arg8[%swap3A_82, %swap3A_83, %swap3A_84], %swap3A_87 {strides = array<i32>} : memref<10x632x128xf32, #tpu.memory_space<vmem>>, vector<1x632x128xf32>,
    %slice3A_88 = vector.extract_strided_slice %max3A_47 {offsets = [0, 768], sizes = [632, 128], strides = [1, 1]} : vector<632x1280xf32> to vector<632x128xf32>
    %swap3A_89 = arith.constant 6 : index
    %swap3A_90 = arith.constant 0 : index
    %swap3A_91 = arith.constant 0 : index
    %swap3A_92 = vector.load %arg8[%swap3A_89, %swap3A_90, %swap3A_91] : memref<10x632x128xf32, #tpu.memory_space<vmem>>, vector<1x632x128xf32>
    %swap3A_93 = vector.shape_cast %swap3A_92 : vector<1x632x128xf32> to vector<632x128xf32>
    %swap3A_94 = vector.shape_cast %slice3A_88 : vector<632x128xf32> to vector<1x632x128xf32>
    tpu.vector_store %arg8[%swap3A_89, %swap3A_90, %swap3A_91], %swap3A_94 {strides = array<i32>} : memref<10x632x128xf32, #tpu.memory_space<vmem>>, vector<1x632x128xf32>,
    %slice3A_95 = vector.extract_strided_slice %max3A_47 {offsets = [0, 896], sizes = [632, 128], strides = [1, 1]} : vector<632x1280xf32> to vector<632x128xf32>
    %swap3A_96 = arith.constant 7 : index
    %swap3A_97 = arith.constant 0 : index
    %swap3A_98 = arith.constant 0 : index
    %swap3A_99 = vector.load %arg8[%swap3A_96, %swap3A_97, %swap3A_98] : memref<10x632x128xf32, #tpu.memory_space<vmem>>, vector<1x632x128xf32>
    %swap3A_100 = vector.shape_cast %swap3A_99 : vector<1x632x128xf32> to vector<632x128xf32>
    %swap3A_101 = vector.shape_cast %slice3A_95 : vector<632x128xf32> to vector<1x632x128xf32>
    tpu.vector_store %arg8[%swap3A_96, %swap3A_97, %swap3A_98], %swap3A_101 {strides = array<i32>} : memref<10x632x128xf32, #tpu.memory_space<vmem>>, vector<1x632x128xf32>,
    %slice3A_102 = vector.extract_strided_slice %max3A_47 {offsets = [0, 1024], sizes = [632, 128], strides = [1, 1]} : vector<632x1280xf32> to vector<632x128xf32>
    %swap3A_103 = arith.constant 8 : index
    %swap3A_104 = arith.constant 0 : index
    %swap3A_105 = arith.constant 0 : index
    %swap3A_106 = vector.load %arg8[%swap3A_103, %swap3A_104, %swap3A_105] : memref<10x632x128xf32, #tpu.memory_space<vmem>>, vector<1x632x128xf32>
    %swap3A_107 = vector.shape_cast %swap3A_106 : vector<1x632x128xf32> to vector<632x128xf32>
    %swap3A_108 = vector.shape_cast %slice3A_102 : vector<632x128xf32> to vector<1x632x128xf32>
    tpu.vector_store %arg8[%swap3A_103, %swap3A_104, %swap3A_105], %swap3A_108 {strides = array<i32>} : memref<10x632x128xf32, #tpu.memory_space<vmem>>, vector<1x632x128xf32>,
    %slice3A_109 = vector.extract_strided_slice %max3A_47 {offsets = [0, 1152], sizes = [632, 128], strides = [1, 1]} : vector<632x1280xf32> to vector<632x128xf32>
    %swap3A_110 = arith.constant 9 : index
    %swap3A_111 = arith.constant 0 : index
    %swap3A_112 = arith.constant 0 : index
    %swap3A_113 = vector.load %arg8[%swap3A_110, %swap3A_111, %swap3A_112] : memref<10x632x128xf32, #tpu.memory_space<vmem>>, vector<1x632x128xf32>
    %swap3A_114 = vector.shape_cast %swap3A_113 : vector<1x632x128xf32> to vector<632x128xf32>
    %swap3A_115 = vector.shape_cast %slice3A_109 : vector<632x128xf32> to vector<1x632x128xf32>
    tpu.vector_store %arg8[%swap3A_110, %swap3A_111, %swap3A_112], %swap3A_115 {strides = array<i32>} : memref<10x632x128xf32, #tpu.memory_space<vmem>>, vector<1x632x128xf32>,
    return
  }
  func.func @transform_0(%arg0: i32) -> (i32, i32, i32, i32) {
    %c0_i32 = arith.constant 0 : i32
    %c0_i32_0 = arith.constant 0 : i32
    %c0_i32_1 = arith.constant 0 : i32
    %c0_i32_2 = arith.constant 0 : i32
    return %c0_i32, %c0_i32_0, %arg0, %c0_i32_1 : i32, i32, i32, i32
  }
  func.func @transform_1(%arg0: i32) -> (i32, i32) {
    %c0_i32 = arith.constant 0 : i32
    %c0_i32_0 = arith.constant 0 : i32
    %c0_i32_1 = arith.constant 0 : i32
    return %c0_i32, %c0_i32_0 : i32, i32
  }
  func.func @transform_2(%arg0: i32) -> (i32, i32) {
    %c0_i32 = arith.constant 0 : i32
    %c0_i32_0 = arith.constant 0 : i32
    %c0_i32_1 = arith.constant 0 : i32
    return %c0_i32, %c0_i32_0 : i32, i32
  }
  func.func @transform_3(%arg0: i32) -> (i32, i32) {
    %c0_i32 = arith.constant 0 : i32
    %c0_i32_0 = arith.constant 0 : i32
    %c0_i32_1 = arith.constant 0 : i32
    return %c0_i32, %c0_i32_0 : i32, i32
  }
  func.func @transform_4(%arg0: i32) -> (i32, i32) {
    %c0_i32 = arith.constant 0 : i32
    %c0_i32_0 = arith.constant 0 : i32
    %c0_i32_1 = arith.constant 0 : i32
    return %c0_i32, %c0_i32_0 : i32, i32
  }
  func.func @transform_5(%arg0: i32) -> (i32, i32) {
    %c0_i32 = arith.constant 0 : i32
    %c0_i32_0 = arith.constant 0 : i32
    %c0_i32_1 = arith.constant 0 : i32
    return %c0_i32, %c0_i32_0 : i32, i32
  }
  func.func @transform_6(%arg0: i32) -> (i32, i32) {
    %c0_i32 = arith.constant 0 : i32
    %c0_i32_0 = arith.constant 0 : i32
    %c0_i32_1 = arith.constant 0 : i32
    return %c0_i32, %c0_i32_0 : i32, i32
  }
  func.func @transform_7(%arg0: i32) -> (i32, i32, i32) {
    %c0_i32 = arith.constant 0 : i32
    %c0_i32_0 = arith.constant 0 : i32
    %c0_i32_1 = arith.constant 0 : i32
    return %c0_i32, %arg0, %c0_i32_0 : i32, i32, i32
  }
}

module attributes {stable_mosaic.version = 14 : i64} {
  func.func @_mlp1_body(%arg0: i32, %arg1: memref<2x10x400x128xf32, #tpu.memory_space<vmem>>, %arg2: memref<1280x1280xf32, #tpu.memory_space<vmem>>, %arg3: memref<1x1280xf32, #tpu.memory_space<vmem>>, %arg4: memref<1280x1280xf32, #tpu.memory_space<vmem>>, %arg5: memref<1x1280xf32, #tpu.memory_space<vmem>>, %arg6: memref<1280x1280xf32, #tpu.memory_space<vmem>>, %arg7: memref<1x1280xf32, #tpu.memory_space<vmem>>, %arg8: memref<400x1280xf32, #tpu.memory_space<vmem>>) attributes {dimension_semantics = [#tpu.dimension_semantics<arbitrary>], iteration_bounds = array<i64: 25>, scalar_prefetch = 0 : i64, scratch_operands = 0 : i64, tpu.core_type = #tpu.core_type<tc>, window_params = [{transform_indices = @transform_0, window_bounds = array<i64: 2, 10, 400, 128>}, {pipeline_mode = #tpu.pipeline_mode<synchronous>, transform_indices = @transform_1, window_bounds = array<i64: 1280, 1280>}, {pipeline_mode = #tpu.pipeline_mode<synchronous>, transform_indices = @transform_2, window_bounds = array<i64: 1, 1280>}, {pipeline_mode = #tpu.pipeline_mode<synchronous>, transform_indices = @transform_3, window_bounds = array<i64: 1280, 1280>}, {pipeline_mode = #tpu.pipeline_mode<synchronous>, transform_indices = @transform_4, window_bounds = array<i64: 1, 1280>}, {pipeline_mode = #tpu.pipeline_mode<synchronous>, transform_indices = @transform_5, window_bounds = array<i64: 1280, 1280>}, {pipeline_mode = #tpu.pipeline_mode<synchronous>, transform_indices = @transform_6, window_bounds = array<i64: 1, 1280>}, {transform_indices = @transform_7, window_bounds = array<i64: 400, 1280>}]} {
    %get3A = arith.constant 0 : index
    %get3A_0 = arith.constant 0 : index
    %get3A_1 = arith.constant 0 : index
    %get3A_2 = arith.constant 0 : index
    %get3A_3 = vector.load %arg1[%get3A, %get3A_0, %get3A_1, %get3A_2] : memref<2x10x400x128xf32, #tpu.memory_space<vmem>>, vector<1x1x400x128xf32>
    %get3A_4 = vector.shape_cast %get3A_3 : vector<1x1x400x128xf32> to vector<400x128xf32>
    %get3A_5 = arith.constant 1 : index
    %get3A_6 = arith.constant 0 : index
    %get3A_7 = arith.constant 0 : index
    %get3A_8 = arith.constant 0 : index
    %get3A_9 = vector.load %arg1[%get3A_5, %get3A_6, %get3A_7, %get3A_8] : memref<2x10x400x128xf32, #tpu.memory_space<vmem>>, vector<1x1x400x128xf32>
    %get3A_10 = vector.shape_cast %get3A_9 : vector<1x1x400x128xf32> to vector<400x128xf32>
    %add3A = arith.addf %get3A_4, %get3A_10 : vector<400x128xf32>
    %get3A_11 = arith.constant 0 : index
    %get3A_12 = arith.constant 1 : index
    %get3A_13 = arith.constant 0 : index
    %get3A_14 = arith.constant 0 : index
    %get3A_15 = vector.load %arg1[%get3A_11, %get3A_12, %get3A_13, %get3A_14] : memref<2x10x400x128xf32, #tpu.memory_space<vmem>>, vector<1x1x400x128xf32>
    %get3A_16 = vector.shape_cast %get3A_15 : vector<1x1x400x128xf32> to vector<400x128xf32>
    %get3A_17 = arith.constant 1 : index
    %get3A_18 = arith.constant 1 : index
    %get3A_19 = arith.constant 0 : index
    %get3A_20 = arith.constant 0 : index
    %get3A_21 = vector.load %arg1[%get3A_17, %get3A_18, %get3A_19, %get3A_20] : memref<2x10x400x128xf32, #tpu.memory_space<vmem>>, vector<1x1x400x128xf32>
    %get3A_22 = vector.shape_cast %get3A_21 : vector<1x1x400x128xf32> to vector<400x128xf32>
    %add3A_23 = arith.addf %get3A_16, %get3A_22 : vector<400x128xf32>
    %get3A_24 = arith.constant 0 : index
    %get3A_25 = arith.constant 2 : index
    %get3A_26 = arith.constant 0 : index
    %get3A_27 = arith.constant 0 : index
    %get3A_28 = vector.load %arg1[%get3A_24, %get3A_25, %get3A_26, %get3A_27] : memref<2x10x400x128xf32, #tpu.memory_space<vmem>>, vector<1x1x400x128xf32>
    %get3A_29 = vector.shape_cast %get3A_28 : vector<1x1x400x128xf32> to vector<400x128xf32>
    %get3A_30 = arith.constant 1 : index
    %get3A_31 = arith.constant 2 : index
    %get3A_32 = arith.constant 0 : index
    %get3A_33 = arith.constant 0 : index
    %get3A_34 = vector.load %arg1[%get3A_30, %get3A_31, %get3A_32, %get3A_33] : memref<2x10x400x128xf32, #tpu.memory_space<vmem>>, vector<1x1x400x128xf32>
    %get3A_35 = vector.shape_cast %get3A_34 : vector<1x1x400x128xf32> to vector<400x128xf32>
    %add3A_36 = arith.addf %get3A_29, %get3A_35 : vector<400x128xf32>
    %get3A_37 = arith.constant 0 : index
    %get3A_38 = arith.constant 3 : index
    %get3A_39 = arith.constant 0 : index
    %get3A_40 = arith.constant 0 : index
    %get3A_41 = vector.load %arg1[%get3A_37, %get3A_38, %get3A_39, %get3A_40] : memref<2x10x400x128xf32, #tpu.memory_space<vmem>>, vector<1x1x400x128xf32>
    %get3A_42 = vector.shape_cast %get3A_41 : vector<1x1x400x128xf32> to vector<400x128xf32>
    %get3A_43 = arith.constant 1 : index
    %get3A_44 = arith.constant 3 : index
    %get3A_45 = arith.constant 0 : index
    %get3A_46 = arith.constant 0 : index
    %get3A_47 = vector.load %arg1[%get3A_43, %get3A_44, %get3A_45, %get3A_46] : memref<2x10x400x128xf32, #tpu.memory_space<vmem>>, vector<1x1x400x128xf32>
    %get3A_48 = vector.shape_cast %get3A_47 : vector<1x1x400x128xf32> to vector<400x128xf32>
    %add3A_49 = arith.addf %get3A_42, %get3A_48 : vector<400x128xf32>
    %get3A_50 = arith.constant 0 : index
    %get3A_51 = arith.constant 4 : index
    %get3A_52 = arith.constant 0 : index
    %get3A_53 = arith.constant 0 : index
    %get3A_54 = vector.load %arg1[%get3A_50, %get3A_51, %get3A_52, %get3A_53] : memref<2x10x400x128xf32, #tpu.memory_space<vmem>>, vector<1x1x400x128xf32>
    %get3A_55 = vector.shape_cast %get3A_54 : vector<1x1x400x128xf32> to vector<400x128xf32>
    %get3A_56 = arith.constant 1 : index
    %get3A_57 = arith.constant 4 : index
    %get3A_58 = arith.constant 0 : index
    %get3A_59 = arith.constant 0 : index
    %get3A_60 = vector.load %arg1[%get3A_56, %get3A_57, %get3A_58, %get3A_59] : memref<2x10x400x128xf32, #tpu.memory_space<vmem>>, vector<1x1x400x128xf32>
    %get3A_61 = vector.shape_cast %get3A_60 : vector<1x1x400x128xf32> to vector<400x128xf32>
    %add3A_62 = arith.addf %get3A_55, %get3A_61 : vector<400x128xf32>
    %get3A_63 = arith.constant 0 : index
    %get3A_64 = arith.constant 5 : index
    %get3A_65 = arith.constant 0 : index
    %get3A_66 = arith.constant 0 : index
    %get3A_67 = vector.load %arg1[%get3A_63, %get3A_64, %get3A_65, %get3A_66] : memref<2x10x400x128xf32, #tpu.memory_space<vmem>>, vector<1x1x400x128xf32>
    %get3A_68 = vector.shape_cast %get3A_67 : vector<1x1x400x128xf32> to vector<400x128xf32>
    %get3A_69 = arith.constant 1 : index
    %get3A_70 = arith.constant 5 : index
    %get3A_71 = arith.constant 0 : index
    %get3A_72 = arith.constant 0 : index
    %get3A_73 = vector.load %arg1[%get3A_69, %get3A_70, %get3A_71, %get3A_72] : memref<2x10x400x128xf32, #tpu.memory_space<vmem>>, vector<1x1x400x128xf32>
    %get3A_74 = vector.shape_cast %get3A_73 : vector<1x1x400x128xf32> to vector<400x128xf32>
    %add3A_75 = arith.addf %get3A_68, %get3A_74 : vector<400x128xf32>
    %get3A_76 = arith.constant 0 : index
    %get3A_77 = arith.constant 6 : index
    %get3A_78 = arith.constant 0 : index
    %get3A_79 = arith.constant 0 : index
    %get3A_80 = vector.load %arg1[%get3A_76, %get3A_77, %get3A_78, %get3A_79] : memref<2x10x400x128xf32, #tpu.memory_space<vmem>>, vector<1x1x400x128xf32>
    %get3A_81 = vector.shape_cast %get3A_80 : vector<1x1x400x128xf32> to vector<400x128xf32>
    %get3A_82 = arith.constant 1 : index
    %get3A_83 = arith.constant 6 : index
    %get3A_84 = arith.constant 0 : index
    %get3A_85 = arith.constant 0 : index
    %get3A_86 = vector.load %arg1[%get3A_82, %get3A_83, %get3A_84, %get3A_85] : memref<2x10x400x128xf32, #tpu.memory_space<vmem>>, vector<1x1x400x128xf32>
    %get3A_87 = vector.shape_cast %get3A_86 : vector<1x1x400x128xf32> to vector<400x128xf32>
    %add3A_88 = arith.addf %get3A_81, %get3A_87 : vector<400x128xf32>
    %get3A_89 = arith.constant 0 : index
    %get3A_90 = arith.constant 7 : index
    %get3A_91 = arith.constant 0 : index
    %get3A_92 = arith.constant 0 : index
    %get3A_93 = vector.load %arg1[%get3A_89, %get3A_90, %get3A_91, %get3A_92] : memref<2x10x400x128xf32, #tpu.memory_space<vmem>>, vector<1x1x400x128xf32>
    %get3A_94 = vector.shape_cast %get3A_93 : vector<1x1x400x128xf32> to vector<400x128xf32>
    %get3A_95 = arith.constant 1 : index
    %get3A_96 = arith.constant 7 : index
    %get3A_97 = arith.constant 0 : index
    %get3A_98 = arith.constant 0 : index
    %get3A_99 = vector.load %arg1[%get3A_95, %get3A_96, %get3A_97, %get3A_98] : memref<2x10x400x128xf32, #tpu.memory_space<vmem>>, vector<1x1x400x128xf32>
    %get3A_100 = vector.shape_cast %get3A_99 : vector<1x1x400x128xf32> to vector<400x128xf32>
    %add3A_101 = arith.addf %get3A_94, %get3A_100 : vector<400x128xf32>
    %get3A_102 = arith.constant 0 : index
    %get3A_103 = arith.constant 8 : index
    %get3A_104 = arith.constant 0 : index
    %get3A_105 = arith.constant 0 : index
    %get3A_106 = vector.load %arg1[%get3A_102, %get3A_103, %get3A_104, %get3A_105] : memref<2x10x400x128xf32, #tpu.memory_space<vmem>>, vector<1x1x400x128xf32>
    %get3A_107 = vector.shape_cast %get3A_106 : vector<1x1x400x128xf32> to vector<400x128xf32>
    %get3A_108 = arith.constant 1 : index
    %get3A_109 = arith.constant 8 : index
    %get3A_110 = arith.constant 0 : index
    %get3A_111 = arith.constant 0 : index
    %get3A_112 = vector.load %arg1[%get3A_108, %get3A_109, %get3A_110, %get3A_111] : memref<2x10x400x128xf32, #tpu.memory_space<vmem>>, vector<1x1x400x128xf32>
    %get3A_113 = vector.shape_cast %get3A_112 : vector<1x1x400x128xf32> to vector<400x128xf32>
    %add3A_114 = arith.addf %get3A_107, %get3A_113 : vector<400x128xf32>
    %get3A_115 = arith.constant 0 : index
    %get3A_116 = arith.constant 9 : index
    %get3A_117 = arith.constant 0 : index
    %get3A_118 = arith.constant 0 : index
    %get3A_119 = vector.load %arg1[%get3A_115, %get3A_116, %get3A_117, %get3A_118] : memref<2x10x400x128xf32, #tpu.memory_space<vmem>>, vector<1x1x400x128xf32>
    %get3A_120 = vector.shape_cast %get3A_119 : vector<1x1x400x128xf32> to vector<400x128xf32>
    %get3A_121 = arith.constant 1 : index
    %get3A_122 = arith.constant 9 : index
    %get3A_123 = arith.constant 0 : index
    %get3A_124 = arith.constant 0 : index
    %get3A_125 = vector.load %arg1[%get3A_121, %get3A_122, %get3A_123, %get3A_124] : memref<2x10x400x128xf32, #tpu.memory_space<vmem>>, vector<1x1x400x128xf32>
    %get3A_126 = vector.shape_cast %get3A_125 : vector<1x1x400x128xf32> to vector<400x128xf32>
    %add3A_127 = arith.addf %get3A_120, %get3A_126 : vector<400x128xf32>
    %concatenate3A = tpu.concatenate %add3A, %add3A_23, %add3A_36, %add3A_49, %add3A_62, %add3A_75, %add3A_88, %add3A_101, %add3A_114, %add3A_127 in 1 : vector<400x128xf32>, vector<400x128xf32>, vector<400x128xf32>, vector<400x128xf32>, vector<400x128xf32>, vector<400x128xf32>, vector<400x128xf32>, vector<400x128xf32>, vector<400x128xf32>, vector<400x128xf32> -> vector<400x1280xf32>
    %get3A_128 = arith.constant 0 : index
    %get3A_129 = arith.constant 0 : index
    %get3A_130 = vector.load %arg2[%get3A_128, %get3A_129] : memref<1280x1280xf32, #tpu.memory_space<vmem>>, vector<1280x1280xf32>
    %dot_general3A = arith.constant dense<0.000000e+00> : vector<400x1280xf32>
    %dot_general3A_131 = tpu.matmul %concatenate3A, %get3A_130, %dot_general3A {dimension_numbers = #tpu.dot_dimension_numbers<[1], [0], [0], [1], [0, 0, 1, 1], [], []>, transpose_lhs_hint = false} : vector<400x1280xf32>, vector<1280x1280xf32>, vector<400x1280xf32> -> vector<400x1280xf32>
    %get3A_132 = arith.constant 0 : index
    %get3A_133 = arith.constant 0 : index
    %get3A_134 = vector.load %arg3[%get3A_132, %get3A_133] : memref<1x1280xf32, #tpu.memory_space<vmem>>, vector<1x1280xf32>
    %add3A_135 = vector.broadcast %get3A_134 : vector<1x1280xf32> to vector<400x1280xf32>
    %add3A_136 = arith.addf %dot_general3A_131, %add3A_135 : vector<400x1280xf32>
    %max3A = arith.constant 0.000000e+00 : f32
    %max3A_137 = vector.broadcast %max3A : f32 to vector<400x1280xf32>
    %max3A_138 = arith.maximumf %add3A_136, %max3A_137 : vector<400x1280xf32>
    %get3A_139 = arith.constant 0 : index
    %get3A_140 = arith.constant 0 : index
    %get3A_141 = vector.load %arg4[%get3A_139, %get3A_140] : memref<1280x1280xf32, #tpu.memory_space<vmem>>, vector<1280x1280xf32>
    %dot_general3A_142 = arith.constant dense<0.000000e+00> : vector<400x1280xf32>
    %dot_general3A_143 = tpu.matmul %max3A_138, %get3A_141, %dot_general3A_142 {dimension_numbers = #tpu.dot_dimension_numbers<[1], [0], [0], [1], [0, 0, 1, 1], [], []>, transpose_lhs_hint = false} : vector<400x1280xf32>, vector<1280x1280xf32>, vector<400x1280xf32> -> vector<400x1280xf32>
    %get3A_144 = arith.constant 0 : index
    %get3A_145 = arith.constant 0 : index
    %get3A_146 = vector.load %arg5[%get3A_144, %get3A_145] : memref<1x1280xf32, #tpu.memory_space<vmem>>, vector<1x1280xf32>
    %add3A_147 = vector.broadcast %get3A_146 : vector<1x1280xf32> to vector<400x1280xf32>
    %add3A_148 = arith.addf %dot_general3A_143, %add3A_147 : vector<400x1280xf32>
    %max3A_149 = arith.constant 0.000000e+00 : f32
    %max3A_150 = vector.broadcast %max3A_149 : f32 to vector<400x1280xf32>
    %max3A_151 = arith.maximumf %add3A_148, %max3A_150 : vector<400x1280xf32>
    %get3A_152 = arith.constant 0 : index
    %get3A_153 = arith.constant 0 : index
    %get3A_154 = vector.load %arg6[%get3A_152, %get3A_153] : memref<1280x1280xf32, #tpu.memory_space<vmem>>, vector<1280x1280xf32>
    %dot_general3A_155 = arith.constant dense<0.000000e+00> : vector<400x1280xf32>
    %dot_general3A_156 = tpu.matmul %max3A_151, %get3A_154, %dot_general3A_155 {dimension_numbers = #tpu.dot_dimension_numbers<[1], [0], [0], [1], [0, 0, 1, 1], [], []>, transpose_lhs_hint = false} : vector<400x1280xf32>, vector<1280x1280xf32>, vector<400x1280xf32> -> vector<400x1280xf32>
    %get3A_157 = arith.constant 0 : index
    %get3A_158 = arith.constant 0 : index
    %get3A_159 = vector.load %arg7[%get3A_157, %get3A_158] : memref<1x1280xf32, #tpu.memory_space<vmem>>, vector<1x1280xf32>
    %add3A_160 = vector.broadcast %get3A_159 : vector<1x1280xf32> to vector<400x1280xf32>
    %add3A_161 = arith.addf %dot_general3A_156, %add3A_160 : vector<400x1280xf32>
    %reduce_max3A = arith.constant dense<0xFF800000> : vector<400xf32>
    %reduce_max3A_162 = vector.multi_reduction <maximumf>, %add3A_161, %reduce_max3A [1] : vector<400x1280xf32> to vector<400xf32>
    %broadcast_in_dim3A = vector.shape_cast %reduce_max3A_162 : vector<400xf32> to vector<400x1xf32>
    %sub3A = vector.broadcast %broadcast_in_dim3A : vector<400x1xf32> to vector<400x1280xf32>
    %sub3A_163 = arith.subf %add3A_161, %sub3A : vector<400x1280xf32>
    %exp3A = math.exp %sub3A_163 : vector<400x1280xf32>
    %reduce_sum3A = arith.constant dense<0.000000e+00> : vector<400xf32>
    %reduce_sum3A_164 = vector.multi_reduction <add>, %exp3A, %reduce_sum3A [1] : vector<400x1280xf32> to vector<400xf32>
    %broadcast_in_dim3A_165 = vector.shape_cast %reduce_sum3A_164 : vector<400xf32> to vector<400x1xf32>
    %sub3A_166 = vector.broadcast %broadcast_in_dim3A : vector<400x1xf32> to vector<400x1280xf32>
    %sub3A_167 = arith.subf %add3A_161, %sub3A_166 : vector<400x1280xf32>
    %log3A = math.log %broadcast_in_dim3A_165 : vector<400x1xf32>
    %sub3A_168 = vector.broadcast %log3A : vector<400x1xf32> to vector<400x1280xf32>
    %sub3A_169 = arith.subf %sub3A_167, %sub3A_168 : vector<400x1280xf32>
    %swap3A = arith.constant 0 : index
    %swap3A_170 = arith.constant 0 : index
    %swap3A_171 = vector.load %arg8[%swap3A, %swap3A_170] : memref<400x1280xf32, #tpu.memory_space<vmem>>, vector<400x1280xf32>
    tpu.vector_store %arg8[%swap3A, %swap3A_170], %sub3A_169 {strides = array<i32>} : memref<400x1280xf32, #tpu.memory_space<vmem>>, vector<400x1280xf32>,
    return
  }
  func.func @transform_0(%arg0: i32) -> (i32, i32, i32, i32) {
    %c0_i32 = arith.constant 0 : i32
    %c0_i32_0 = arith.constant 0 : i32
    %c0_i32_1 = arith.constant 0 : i32
    %c0_i32_2 = arith.constant 0 : i32
    return %c0_i32, %c0_i32_0, %arg0, %c0_i32_1 : i32, i32, i32, i32
  }
  func.func @transform_1(%arg0: i32) -> (i32, i32) {
    %c0_i32 = arith.constant 0 : i32
    %c0_i32_0 = arith.constant 0 : i32
    %c0_i32_1 = arith.constant 0 : i32
    return %c0_i32, %c0_i32_0 : i32, i32
  }
  func.func @transform_2(%arg0: i32) -> (i32, i32) {
    %c0_i32 = arith.constant 0 : i32
    %c0_i32_0 = arith.constant 0 : i32
    %c0_i32_1 = arith.constant 0 : i32
    return %c0_i32, %c0_i32_0 : i32, i32
  }
  func.func @transform_3(%arg0: i32) -> (i32, i32) {
    %c0_i32 = arith.constant 0 : i32
    %c0_i32_0 = arith.constant 0 : i32
    %c0_i32_1 = arith.constant 0 : i32
    return %c0_i32, %c0_i32_0 : i32, i32
  }
  func.func @transform_4(%arg0: i32) -> (i32, i32) {
    %c0_i32 = arith.constant 0 : i32
    %c0_i32_0 = arith.constant 0 : i32
    %c0_i32_1 = arith.constant 0 : i32
    return %c0_i32, %c0_i32_0 : i32, i32
  }
  func.func @transform_5(%arg0: i32) -> (i32, i32) {
    %c0_i32 = arith.constant 0 : i32
    %c0_i32_0 = arith.constant 0 : i32
    %c0_i32_1 = arith.constant 0 : i32
    return %c0_i32, %c0_i32_0 : i32, i32
  }
  func.func @transform_6(%arg0: i32) -> (i32, i32) {
    %c0_i32 = arith.constant 0 : i32
    %c0_i32_0 = arith.constant 0 : i32
    %c0_i32_1 = arith.constant 0 : i32
    return %c0_i32, %c0_i32_0 : i32, i32
  }
  func.func @transform_7(%arg0: i32) -> (i32, i32) {
    %c0_i32 = arith.constant 0 : i32
    %c0_i32_0 = arith.constant 0 : i32
    return %arg0, %c0_i32 : i32, i32
  }
}

</mosaic_0001>

<sc_bundles>
// kernel: kernel.6.cloned.1.call-start
scs
__scs_entry_jumppad:
0x0: {  	(pc) =	sbr.rel $0x88, $3  }
0x1: {  	(tag) =	ssettag $0x0;
	lr =	simm.s32 $0x1  }
0x2: {  	[smem:$0x3F93] =	sst lr;
	_ =	strace $0xD0000000  }
0x3: {  	_ = 	snop  }
0x4: {  	_ = 	snop  }
0x5: {  	_ = 	snop  }
0x6: {  	_ = 	snop  }
0x7: {  	_ = 	snop  }
__scs_overlays_trampoline_lowered:
0x8: {  	[smem:$0x3FA2] =	sst s0  }
0x9: {  	[smem:$0x3FA3] =	sst s1  }
0xa: {  	[smem:$0x3FA4] =	sst s2  }
0xb: {  	[smem:$0x3FA5] =	sst s3  }
0xc: {  	[smem:$0x3FA6] =	sst s4  }
0xd: {  	[smem:$0x3FA7] =	sst s5  }
0xe: {  	[smem:$0x3FA8] =	sst s6  }
0xf: {  	[smem:$0x3FA9] =	sst s7  }
0x10: {  	[smem:$0x3FAA] =	sst s8  }
0x11: {  	[smem:$0x3FAB] =	sst s9;
	s0 =	simm.s32 @!p0 $0x0  }
0x12: {  	s1 =	sld [smem:$0x3F91];
	s0 =	simm.s32 @p0 $0x1  }
0x13: {  	[smem:$0x3FAC] =	sst s0;
	s0 =	simm.s32 @!p1 $0x0  }
0x14: {  	s2 =	sld [smem:$0x3F90];
	s0 =	simm.s32 @p1 $0x1  }
0x15: {  	[smem:$0x3FAD] =	sst s0;
	s0 =	simm.s32 @!p2 $0x0  }
0x16: {  	s3 =	sld [smem:$0x3FDB];
	s0 =	simm.s32 @p2 $0x1  }
0x17: {  	s4 =	simm.s32 $0x1BF5;
	[smem:$0x3FAF] =	sst s0  }
0x18: {  	s0 =	sld [smem:$0x3F92];
	_ =	swait.ge [sflag:s4], $0x0  }
0x19: {  	s7 =	sld [smem:$0x3F93]  }
0x1a: {  	s8 =	sadd.s32 $0xFFFFE003, lr  }
0x1b: {  	s9 =	sadd.s32 $0xFFFFFEF7, lr;
	s5 =	simm.s32 $0xFFFFFFFF;
	p2 =	slt.u32 s8, $0xFFFFF086  }
0x1c: {  	p1 =	slt.u32 s9, $0xF7A;
	s5 =	simm.s32 @!p2 $0x0  }
0x1d: {  	s5 =	simm.s32 @p1 $0x1;
	p0 =	seq.s32 s7, s2  }
0x1e: {  	s7 =	smul.u32 @!p0 $0xF7A, s2;
	p2 =	seq.s32 @!p0 s5, $0x0  }
0x1f: {  	s9 =	smul.u32 $0xF7A, s1;
	s8 =	simm.s32 @!p0 $0x1BF5;
	p2 =	por !p2, p0  }
0x20: {  	[sflag:s8] =	ssyncset.s32 @!p0 $0xFFFFF086;
	s6 =	sadd.s32 @!p0 s3, s7;
	s7 =	simm.s32 @!p0 $0x108  }
0x21: {  	s3 =	sadd.s32 s3, s9;
	s6 =	sadd.s32 @!p0 $0x88, s6;
	s7 =	simm.s32 @p2 $0x1082  }
0x22: {  	[simem:s7], [sflag:s8] =	dma.local @!p0 [hbm:s6], $0xF7A  }
0x23: {  	s9 =	sor.u32 $0xD0000000, s2;
	s6 =	simm.s32 $0x108;
	_ =	swait.ge @!p0 [sflag:s8], $0x0  }
0x24: {  	s3 =	sadd.s32 $0x88, s3;
	s6 =	simm.s32 @!p1 $0x1082;
	[sflag:s4] =	ssyncset.s32 $0xFFFFF086  }
0x25: {  	[simem:s6], [sflag:s4] =	dma.local [hbm:s3], $0xF7A  }
0x26: {  	[smem:$0x3F93] =	sst s1;
	(tag) =	ssettag s2;
	_ =	strace s9  }
0x27: {  	s1 =	sld [smem:$0x3FA3]  }
0x28: {  	s2 =	sld [smem:$0x3FA4]  }
0x29: {  	s4 =	sld [smem:$0x3FA6]  }
0x2a: {  	p0 =	seq.s32 s5, $0x0;
	s5 =	sld [smem:$0x3FA7]  }
0x2b: {  	s6 =	sld [smem:$0x3FA8]  }
0x2c: {  	s7 =	sld [smem:$0x3FA9]  }
0x2d: {  	s3 =	simm.s32 $0x108;
	s8 =	sld [smem:$0x3FAA]  }
0x2e: {  	s3 =	simm.s32 @!p0 $0x1082;
	s9 =	sld [smem:$0x3FAB]  }
0x2f: {  	lr =	sadd.s32 s0, s3;
	s0 =	sld [smem:$0x3FA2]  }
0x30: {  	s3 =	sld [smem:$0x3FA5]  }
0x31: {  	[smem:$0x3FAE] =	sst s10  }
0x32: {  	s10 =	sld [smem:$0x3FAC];
	_ =	sdelay $0x3  }
0x33: {  	p0 =	seq.s32 s10, $0x1;
	s10 =	sld [smem:$0x3FAE];
	_ =	sdelay $0x3  }
0x34: {  	[smem:$0x3FAE] =	sst s10  }
0x35: {  	s10 =	sld [smem:$0x3FAD];
	_ =	sdelay $0x3  }
0x36: {  	p1 =	seq.s32 s10, $0x1;
	s10 =	sld [smem:$0x3FAE];
	_ =	sdelay $0x3  }
0x37: {  	[smem:$0x3FAE] =	sst s10  }
0x38: {  	s10 =	sld [smem:$0x3FAF]  }
0x39: {  	_ = 	snop;
	(pc) =	sbr.ind lr, $3  }
0x3a: {  	_ = 	snop  }
0x3b: {  	_ = 	snop  }
0x3c: {  	p2 =	seq.s32 s10, $0x1;
	s10 =	sld [smem:$0x3FAE]  }
0x3d: {  	_ =	shalt  }
0x3e: {  	_ =	shalt  }
0x3f: {  	_ =	shalt  }
0x40: {  	_ =	shalt  }
0x41: {  	_ =	shalt  }
0x42: {  	_ =	shalt  }
0x43: {  	_ =	shalt  }
0x44: {  	_ =	shalt  }
0x45: {  	_ =	shalt  }
0x46: {  	_ =	shalt  }
0x47: {  	_ =	shalt  }
0x48: {  	_ =	shalt  }
0x49: {  	_ =	shalt  }
0x4a: {  	_ =	shalt  }
0x4b: {  	_ =	shalt  }
0x4c: {  	_ =	shalt  }
0x4d: {  	_ =	shalt  }
0x4e: {  	_ =	shalt  }
0x4f: {  	_ =	shalt  }
0x50: {  	_ =	shalt  }
0x51: {  	_ =	shalt  }
0x52: {  	_ =	shalt  }
0x53: {  	_ =	shalt  }
0x54: {  	_ =	shalt  }
0x55: {  	_ =	shalt  }
0x56: {  	_ =	shalt  }
0x57: {  	_ =	shalt  }
0x58: {  	_ =	shalt  }
0x59: {  	_ =	shalt  }
0x5a: {  	_ =	shalt  }
0x5b: {  	_ =	shalt  }
0x5c: {  	_ =	shalt  }
0x5d: {  	_ =	shalt  }
0x5e: {  	_ =	shalt  }
0x5f: {  	_ =	shalt  }
0x60: {  	_ =	shalt  }
0x61: {  	_ =	shalt  }
0x62: {  	_ =	shalt  }
0x63: {  	_ =	shalt  }
0x64: {  	_ =	shalt  }
0x65: {  	_ =	shalt  }
0x66: {  	_ =	shalt  }
0x67: {  	_ =	shalt  }
0x68: {  	_ =	shalt  }
0x69: {  	_ =	shalt  }
0x6a: {  	_ =	shalt  }
0x6b: {  	_ =	shalt  }
0x6c: {  	_ =	shalt  }
0x6d: {  	_ =	shalt  }
0x6e: {  	_ =	shalt  }
0x6f: {  	_ =	shalt  }
0x70: {  	_ =	shalt  }
0x71: {  	_ =	shalt  }
0x72: {  	_ =	shalt  }
0x73: {  	_ =	shalt  }
0x74: {  	_ =	shalt  }
0x75: {  	_ =	shalt  }
0x76: {  	_ =	shalt  }
0x77: {  	_ =	shalt  }
0x78: {  	_ =	shalt  }
0x79: {  	_ =	shalt  }
0x7a: {  	_ =	shalt  }
0x7b: {  	_ =	shalt  }
0x7c: {  	_ =	shalt  }
0x7d: {  	_ =	shalt  }
0x7e: {  	_ =	shalt  }
0x7f: {  	_ =	shalt  }
0x80: {  	_ =	shalt  }
0x81: {  	_ =	shalt  }
0x82: {  	_ =	shalt  }
0x83: {  	_ =	shalt  }
0x84: {  	_ =	shalt  }
0x85: {  	_ =	shalt  }
0x86: {  	_ =	shalt  }
0x87: {  	_ =	shalt  }
.Lfunc_end0:
.L_simem_size_0:
called_computation_lowered:
.L_overlay_start_0:
0x88: {  	s2 =	sld [smem:$0x3FD9]  }
0x89: {  	s3 =	sld [smem:$0x3FFE];
	_ =	sdelay $0x1  }
0x8a: {  	s1 =	srdreg.scid  }
0x8b: {  	s0 =	sand.u32 $0x1, s1  }
0x8c: {  	s17 =	sshll.u32 s0, $0xA;
	s2 =	sadd.s32 s3, s2  }
0x8d: {  	s2 =	sadd.s32 s2, s17  }
0x8e: {  	[smem:$0x3FBA] =	sst s2  }
0x8f: {  	_ = 	snop  }
0x90: {  	s2 =	sld [smem:$0x3FC9]  }
0x91: {  	s18 =	sld [smem:$0x3FD0];
	(tm) =	ssettm $0x1  }
0x92: {  	s4 =	sld [smem:$0x3FFB];
	_ =	sdelay $0x3  }
0x93: {  	_ =	strace s4  }
0x94: {  	s4 =	sld [smem:$0x3FFC];
	_ =	sdelay $0x3  }
0x95: {  	_ =	strace s4  }
0x96: {  	s4 =	sld [smem:$0x3FFD];
	_ =	sdelay $0x3  }
0x97: {  	_ =	strace s4  }
0x98: {  	_ =	strace $0x8FFFFFFF  }
0x99: {  	s19 =	sld [smem:$0x3FDB];
	_ =	sdelay $0x1  }
0x9a: {  	s5 =	simm.s32 $_scs_section_size  }
0x9b: {  	s6 =	simm.s32 $_size__tile_overlayer_lowered;
	s7 =	simm.s32 $_tile_overlayer_lowered  }
0x9c: {  	s22 =	simm.s32 $0x1BFF;
	s21 =	sshll.u32 s7, $0x1;
	s4 =	sadd.s32 s5, s19  }
0x9d: {  	s8 =	simm.s32 $0x0;
	s20 =	sshll.u32 s6, $0x1;
	s6 =	sadd.s32 s21, s4  }
0x9e: {  	[timem:s8], [sflag:s22] =	dma.local [hbm:s6], s20  }
0x9f: {  	_ =	swait.ge [sflag:s22], s20  }
0xa0: {  	s5 =	ssub.s32 $0x0, s20;
	[sflag:s22] =	ssyncset.done $0x0  }
0xa1: {  	[sflag:s22] =	ssyncadd.s32 s5;
	_ =	sdelay $0x1  }
0xa2: {  	s23 =	simm.s32 $0x1B8B  }
0xa3: {  	_ =	swait.ge [sflag:s23], $0x1  }
0xa4: {  	[sflag:s23] =	ssyncset.done $0x0  }
0xa5: {  	s25 =	simm.s32 $0x1B8E;
	s24 =	sld [smem:$0x3FFE];
	[sflag:s23] =	ssyncadd.s32 $0xFFFFFFFF  }
0xa6: {  	s26 =	simm.s32 $execute0_lowered;
	[smem:$0x3FD2] =	sst s25  }
0xa7: {  	s6 =	sshll.u32 s26, $0x1;
	_ =	strace $0x80000046;
	[dreg:$0x1] =	wrdreg $0xFFFFFFFF  }
0xa8: {  	s28 =	simm.s32 $_size_execute0_lowered;
	s4 =	sadd.s32 s4, s6;
	[dreg:$0x0] =	wrdreg $0x0  }
0xa9: {  	s6 =	sshll.u32 s28, $0x1;
	[dreg:$0x2] =	wrdreg s4  }
0xaa: {  	[dreg:$0x3] =	wrdreg s6  }
0xab: {  	[dreg:$0x4] =	wrdreg $0xC0  }
0xac: {  	_ =	task [dreg:s8], $0x5FFFF  }
0xad: {  	[dreg:$0x1] =	wrdreg $0xFFFFFFFF  }
0xae: {  	[dreg:$0x0] =	wrdreg $0x60  }
0xaf: {  	[dreg:$0x2] =	wrdreg s2  }
0xb0: {  	[dreg:$0x3] =	wrdreg s24  }
0xb1: {  	[dreg:$0x4] =	wrdreg s18  }
0xb2: {  	[dreg:$0x5] =	wrdreg $0x0  }
0xb3: {  	[dreg:$0x6] =	wrdreg $0x9  }
0xb4: {  	_ =	task.clear_ibuf [dreg:s8], $0x7FFFF;
	_ =	strace $0x90000046  }
0xb5: {  	s29 =	simm.s32 $0x9;
	_ =	strace $0x80000048  }
0xb6: {  	_ =	swait.ge [sflag:s29], $0x1  }
0xb7: {  	[sflag:s29] =	ssyncadd.s32 $0xFFFFFFFF  }
0xb8: {  	_ =	strace $0x90000048  }
0xb9: {  	_ =	sfence  }
0xba: {  	s30 =	sld [smem:$0x0];
	_ =	sdelay $0x2  }
0xbb: {  	s31 =	sshll.u32 s1, $0xD;
	s1 =	sshrl.u32 s1, $0x2  }
0xbc: {  	s3 =	sand.u32 $0x4000, s31;
	s1 =	sadd.s32 s1, s30  }
0xbd: {  	s0 =	sor.u32 s3, s0;
	s1 =	sshll.u32 s1, $0x11  }
0xbe: {  	s0 =	sor.u32 s1, s0  }
0xbf: {  	s0 =	sadd.s32 $0x8F2B, s0  }
0xc0: {  	[sflag:s0] =	ssyncadd.remote.s32 $0x1  }
0xc1: {  	_ =	sfence.sel $0xFFFF  }
0xc2: {  	[dreg:$0x0] =	wrdreg $0xFFFFFFFF;
	(pc) =	sbr.abs _section_cstart, $3  }
0xc3: {  	[dreg:$0x1] =	wrdreg $0xFFFFFFFF  }
0xc4: {  	_ =	task.clear_ibuf [dreg:s8], $0x2FFFF;
	_ =	strace $0x9FFFFFFF  }
0xc5: {  	(tm) =	ssettm $0x7FFFFFFF  }
tec
execute0_lowered:
.L_overlay_start_1:
0x0: {  	(tag) =	ssettag $0x1  }
0x1: {  	s1 =	rddreg [dreg:$0x0]  }
0x2: {  	s0 =	rddreg [dreg:$0x1]  }
0x3: {  	s2 =	rddreg [dreg:$0x2]  }
0x4: {  	s3 =	rddreg [dreg:$0x3]  }
0x5: {  	s12 =	stileid.u32;
	s5 =	srdreg.scid;
	s4 =	simm.s32 $0x0  }
0x6: {  	s18 =	simm.s32 $0x19400;
	s19 =	simm.s32 $0x60;
	s6 =	smul.u32 $0x580, s12  }
0x7: {  	s22 =	simm.s32 $0x1C400;
	s23 =	simm.s32 $0x1;
	s7 =	smul.u32 $0x180, s12  }
0x8: {  	s24 =	simm.s32 $0x3;
	s25 =	simm.s32 $0x2;
	s10 =	smul.u32 $0x4F000, s12  }
0x9: {  	s5 =	sand.u32 $0x1, s5;
	[smem:$0x7FF] =	sst s4;
	s30 =	smul.u32 $0x13C00, s12  }
0xa: {  	s8 =	ssub.s32 $0x2, s5;
	_ =	strace $0x80000047;
	s13 =	smul.u32 $0x13C000, s5  }
0xb: {  	p0 =	sne.s32 s5, $0x0;
	s11 =	sadd.s32 s6, s0;
	s0 =	sadd.s32 s7, s0  }
0xc: {  	s9 =	sshrl.u32 s8, $0x1;
	s29 =	sshrl.u32 s10, $0x2;
	s28 =	sadd.s32 $0x1C00, s0  }
0xd: {  	s17 =	ssub.s32 s8, s9;
	s0 =	sadd.s32 $0x3400, s0;
	[dreg:$0x5] =	wrdreg s28  }
0xe: {  	s7 =	sadd.s32 s29, s3;
	s31 =	sadd.s32 $0x4C00, s11;
	[dreg:$0x6] =	wrdreg s0  }
0xf: {  	s9 =	sadd.s32 $0xA400, s11;
	[dreg:$0x7] =	wrdreg s31;
	s10 =	sadd.s32 $0x3000, s7  }
0x10: {  	s11 =	sadd.s32 $0x6000, s7;
	s12 =	sadd.s32 $0x9000, s7;
	s0 =	sadd.s32 s30, s13  }
0x11: {  	s13 =	sadd.s32 $0xC000, s7;
	s14 =	sadd.s32 $0xF000, s7;
	s0 =	sshrl.u32 s0, $0x3  }
0x12: {  	v0 =	vimm.f32 $0.0e+00;
	s15 =	sadd.s32 $0x12000, s7;
	s17 =	smax.u32 s17, $0x1;
	s16 =	sadd.s32 s2, s0  }
.LBB2_1:
0x13: {  	s0 =	simm.s32 @p0 $0x0;
	s2 =	simm.s32 @p0 $0x13C00;
	s5 =	rddreg [dreg:$0x5]  }
0x14: {  	[tilespmem:s2], [sflag:$0x3] =	stream.linear.gather @p0 [hbm4b:s5+s0], $0x900, $0x38;
	[tilespmem:$0x1F400] =	vst v63  }
0x15: {  	s2 =	simm.s32 @p0 $0x3  }
0x16: {  	_ =	swait.ge @p0 [sflag:s2], $0x900  }
0x17: {  	[sflag:s2] =	ssyncset.done @p0 $0x0  }
0x18: {  	s5 =	simm.s32 @p0 $0x16800;
	s6 =	rddreg [dreg:$0x6];
	[sflag:s2] =	ssyncadd.s32 @p0 $0xFFFFF700  }
0x19: {  	[tilespmem:s5], [sflag:$0x3] =	stream.linear.gather @p0 [hbm4b:s6+s0], $0x900, $0x38;
	[tilespmem:$0x1F400] =	vst v63  }
0x1a: {  	_ =	swait.ge @p0 [sflag:s2], $0x900  }
0x1b: {  	s0 =	simm.s32 @!p0 $0x0;
	[sflag:s2] =	ssyncset.done @p0 $0x0  }
0x1c: {  	s5 =	rddreg [dreg:$0x7];
	[sflag:s2] =	ssyncadd.s32 @p0 $0xFFFFF700;
	s2 =	simm.s32 @!p0 $0x13C00  }
0x1d: {  	[tilespmem:s2], [sflag:$0x3] =	stream.linear.gather @!p0 [hbm4b:s5+s0], $0x2C00, $0x38;
	[tilespmem:$0x1F400] =	vst v63  }
0x1e: {  	s2 =	simm.s32 @!p0 $0x3  }
0x1f: {  	_ =	swait.ge @!p0 [sflag:s2], $0x2C00  }
0x20: {  	[sflag:s2] =	ssyncset.done @!p0 $0x0  }
0x21: {  	s5 =	simm.s32 @!p0 $0x16800;
	[sflag:s2] =	ssyncadd.s32 @!p0 $0xFFFFD400  }
0x22: {  	[tilespmem:s5], [sflag:$0x3] =	stream.linear.gather @!p0 [hbm4b:s9+s0], $0x2C00, $0x38;
	[tilespmem:$0x1F400] =	vst v63  }
0x23: {  	s26 =	simm.s32 @!p0 $0x58;
	_ =	swait.ge @!p0 [sflag:s2], $0x2C00  }
0x24: {  	s26 =	simm.s32 @p0 $0x12;
	[sflag:s2] =	ssyncset.done @!p0 $0x0  }
0x25: {  	s0 =	simm.s32 $0x0;
	[sflag:s2] =	ssyncadd.s32 @!p0 $0xFFFFD400;
	s2 =	simm.s32 $0x200  }
.LBB2_2:
0x26: {  	p1 =	sne.s32 s2, $0xBE00;
	[tilespmem:s0+$0x19470] =	vst v0  }
0x27: {  	[tilespmem:s0+$0x19400] =	vst v0  }
0x28: {  	[tilespmem:s0+$0x19410] =	vst v0  }
.Ltmp0:
0x29: {  	[tilespmem:s0+$0x19420] =	vst v0;
	(pc) =	sbr.rel @p1 .LBB2_2-.Ltmp0, $4  }
0x2a: {  	[tilespmem:s0+$0x19430] =	vst v0  }
0x2b: {  	[tilespmem:s0+$0x19440] =	vst v0  }
0x2c: {  	[tilespmem:s0+$0x19450] =	vst v0  }
0x2d: {  	[tilespmem:s0+$0x19460] =	vst v0;
	s0 =	sshra.s32 s2, $0x2;
	s2 =	sadd.s32 $0x200, s2  }
0x2e: {  	[tilespmem:s0+$0x19470] =	vst v0  }
0x2f: {  	[tilespmem:s0+$0x19400] =	vst v0  }
0x30: {  	[tilespmem:s0+$0x19410] =	vst v0  }
0x31: {  	[tilespmem:s0+$0x19420] =	vst v0  }
0x32: {  	[tilespmem:s0+$0x19430] =	vst v0  }
0x33: {  	[tilespmem:s0+$0x19440] =	vst v0  }
0x34: {  	[tilespmem:s0+$0x19450] =	vst v0  }
0x35: {  	[tilespmem:s0+$0x19460] =	vst v0;
	s5 =	simm.s32 $0x3  }
0x36: {  	[spmem:s7] =	stream.linear.scatter [tilespmem:s18], [sflag:$0x3], $0x3000, $0x38;
	[tilespmem:$0x1F400] =	vst v63  }
0x37: {  	_ =	swait.ge [sflag:s5], $0x3000  }
0x38: {  	[sflag:s5] =	ssyncset.done $0x0  }
0x39: {  	[sflag:s5] =	ssyncadd.s32 $0xFFFFD000  }
0x3a: {  	[spmem:s10] =	stream.linear.scatter [tilespmem:s18], [sflag:$0x3], $0x3000, $0x38;
	[tilespmem:$0x1F400] =	vst v63  }
0x3b: {  	_ =	swait.ge [sflag:s5], $0x3000  }
0x3c: {  	[sflag:s5] =	ssyncset.done $0x0  }
0x3d: {  	[sflag:s5] =	ssyncadd.s32 $0xFFFFD000  }
0x3e: {  	[spmem:s11] =	stream.linear.scatter [tilespmem:s18], [sflag:$0x3], $0x3000, $0x38;
	[tilespmem:$0x1F400] =	vst v63  }
0x3f: {  	_ =	swait.ge [sflag:s5], $0x3000  }
0x40: {  	[sflag:s5] =	ssyncset.done $0x0  }
0x41: {  	[sflag:s5] =	ssyncadd.s32 $0xFFFFD000  }
0x42: {  	[spmem:s12] =	stream.linear.scatter [tilespmem:s18], [sflag:$0x3], $0x3000, $0x38;
	[tilespmem:$0x1F400] =	vst v63  }
0x43: {  	_ =	swait.ge [sflag:s5], $0x3000  }
0x44: {  	[sflag:s5] =	ssyncset.done $0x0  }
0x45: {  	[sflag:s5] =	ssyncadd.s32 $0xFFFFD000  }
0x46: {  	[spmem:s13] =	stream.linear.scatter [tilespmem:s18], [sflag:$0x3], $0x3000, $0x38;
	[tilespmem:$0x1F400] =	vst v63  }
0x47: {  	_ =	swait.ge [sflag:s5], $0x3000  }
0x48: {  	[sflag:s5] =	ssyncset.done $0x0  }
0x49: {  	[sflag:s5] =	ssyncadd.s32 $0xFFFFD000  }
0x4a: {  	[spmem:s14] =	stream.linear.scatter [tilespmem:s18], [sflag:$0x3], $0x3000, $0x38;
	[tilespmem:$0x1F400] =	vst v63  }
0x4b: {  	_ =	swait.ge [sflag:s5], $0x3000  }
0x4c: {  	[sflag:s5] =	ssyncset.done $0x0  }
0x4d: {  	[sflag:s5] =	ssyncadd.s32 $0xFFFFD000  }
0x4e: {  	[spmem:s15] =	stream.linear.scatter [tilespmem:s18], [sflag:$0x3], $0x1C00, $0x38;
	[tilespmem:$0x1F400] =	vst v63  }
0x4f: {  	_ =	swait.ge [sflag:s5], $0x1C00  }
0x50: {  	[sflag:s5] =	ssyncset.done $0x0  }
0x51: {  	[sflag:s5] =	ssyncadd.s32 $0xFFFFE400  }
0x52: {  	s6 =	simm.s32 $0x13C00;
	[bflag:$0x0] =	sbarrier.arrive $0xFFFF  }
0x53: {  	[tilespmem:s18], [sflag:$0x1] =	stream.indirect.gather [hbm4b:s1+s19], $0x80, s6, s19, $0xb8;
	[tilespmem:$0x1F400] =	vst v63  }
0x54: {  	s8 =	simm.s32 $0x13C80  }
0x55: {  	[tilespmem:s22], [sflag:$0x2] =	stream.indirect.gather [hbm4b:s1+s19], $0x80, s8, s19, $0xb8;
	[tilespmem:$0x1F400] =	vst v63  }
0x56: {  	_ =	swait.ge [sflag:s23], $0x3000  }
0x57: {  	s20 =	simm.s32 $0x16800;
	[sflag:s23] =	ssyncset.done $0x0  }
0x58: {  	p1 =	sle.u32 s26, $0x2;
	s21 =	sshrl.u32 s26, $0x1;
	[sflag:s23] =	ssyncadd.s32 $0xFFFFD000  }
0x59: {  	[spmem:s3] =	stream.indirect.scatter.add.f32 [tilespmem:s18], [sflag:$0x3], $0x80, s20, s19, $0xb8;
	[tilespmem:$0x1F400] =	vst v63  }
0x5a: {  	s28 =	simm.s32 $0x13D80;
	s0 =	sadd.s32 $0xFFFFFFFF, s21;
	_ =	swait.ge [sflag:s24], $0x3000  }
0x5b: {  	s2 =	simm.s32 @!p1 $0x13D00;
	s0 =	sadd.s32 $0xFFFFFFFF, s0;
	[sflag:s24] =	ssyncset.done $0x0  }
0x5c: {  	s5 =	simm.s32 @!p1 $0x60;
	s20 =	simm.s32 @!p1 $0x19400;
	[sflag:s24] =	ssyncadd.s32 $0xFFFFD000  }
0x5d: {  	[tilespmem:s20], [sflag:$0x1] =	stream.indirect.gather @!p1 [hbm4b:s1+s5], $0x80, s2, s5, $0xb8;
	[tilespmem:$0x1F400] =	vst v63  }
0x5e: {  	s31 =	simm.s32 $0x16880;
	p1 =	sne.s32 s0, $0x0;
	_ =	swait.ge [sflag:s25], $0x3000  }
.Ltmp1:
0x5f: {  	s30 =	simm.s32 $0x16980;
	[sflag:s25] =	ssyncset.done $0x0;
	(pc) =	sbr.rel @!p1 .LBB2_5-.Ltmp1, $4  }
0x60: {  	p2 =	sle.u32 s26, $0x3;
	s29 =	simm.s32 $0x5;
	[sflag:s25] =	ssyncadd.s32 $0xFFFFD000  }
0x61: {  	[spmem:s3] =	stream.indirect.scatter.add.f32 [tilespmem:s22], [sflag:$0x3], $0x80, s31, s19, $0xb8;
	[tilespmem:$0x1F400] =	vst v63  }
0x62: {  	s21 =	simm.s32 @!p2 $0x60;
	s5 =	simm.s32 @!p2 $0x1C400;
	_ =	swait.ge [sflag:s24], $0x3000  }
0x63: {  	s20 =	simm.s32 $0x13D80;
	s2 =	simm.s32 $0x13D80;
	[sflag:s24] =	ssyncset.done $0x0  }
.LBB2_4:
0x64: {  	s2 =	smov.u32 s28;
	s31 =	smov.u32 s30  }
0x65: {  	s0 =	sadd.s32 $0xFFFFFFFF, s0;
	s28 =	sadd.s32 $0x100, s28;
	[sflag:s24] =	ssyncadd.s32 $0xFFFFD000  }
0x66: {  	[tilespmem:s5], [sflag:$0x2] =	stream.indirect.gather @!p2 [hbm4b:s1+s21], $0x80, s20, s21, $0xb8;
	[tilespmem:$0x1F400] =	vst v63  }
0x67: {  	p1 =	sne.s32 s0, $0x0;
	s20 =	smov.u32 s28;
	_ =	swait.ge [sflag:s23], $0x3000  }
0x68: {  	s5 =	sadd.s32 $0xFFFFFF80, s30;
	s21 =	smov.u32 s30;
	[sflag:s23] =	ssyncset.done $0x0  }
0x69: {  	s6 =	sadd.s32 $0xFFFFFFFF, s29;
	[sflag:s23] =	ssyncadd.s32 $0xFFFFD000  }
0x6a: {  	[spmem:s3] =	stream.indirect.scatter.add.f32 [tilespmem:s18], [sflag:$0x3], $0x80, s5, s19, $0xb8;
	[tilespmem:$0x1F400] =	vst v63  }
0x6b: {  	p2 =	sge.u32 s6, s26;
	_ =	swait.ge [sflag:s24], $0x3000  }
0x6c: {  	s6 =	simm.s32 @!p2 $0x60;
	s5 =	sadd.s32 @!p2 $0xFFFFFF80, s28;
	[sflag:s24] =	ssyncset.done $0x0  }
0x6d: {  	s8 =	simm.s32 @!p2 $0x19400;
	[sflag:s24] =	ssyncadd.s32 $0xFFFFD000  }
0x6e: {  	[tilespmem:s8], [sflag:$0x1] =	stream.indirect.gather @!p2 [hbm4b:s1+s6], $0x80, s5, s6, $0xb8;
	[tilespmem:$0x1F400] =	vst v63  }
0x6f: {  	_ =	swait.ge [sflag:s25], $0x3000  }
.Ltmp2:
0x70: {  	[sflag:s25] =	ssyncset.done $0x0;
	(pc) =	sbr.rel @p1 .LBB2_4-.Ltmp2, $4  }
0x71: {  	s30 =	sadd.s32 $0x100, s30;
	[sflag:s25] =	ssyncadd.s32 $0xFFFFD000  }
0x72: {  	[spmem:s3] =	stream.indirect.scatter.add.f32 [tilespmem:s22], [sflag:$0x3], $0x80, s21, s19, $0xb8;
	[tilespmem:$0x1F400] =	vst v63  }
0x73: {  	p2 =	sge.u32 s29, s26;
	s29 =	sadd.s32 $0x2, s29;
	_ =	swait.ge [sflag:s24], $0x3000  }
0x74: {  	s5 =	simm.s32 @!p2 $0x1C400;
	s21 =	simm.s32 @!p2 $0x60;
	[sflag:s24] =	ssyncset.done $0x0  }
.LBB2_5:
0x75: {  	[sflag:s24] =	ssyncadd.s32 $0xFFFFD000  }
0x76: {  	[tilespmem:s5], [sflag:$0x2] =	stream.indirect.gather @!p2 [hbm4b:s1+s21], $0x80, s20, s21, $0xb8;
	[tilespmem:$0x1F400] =	vst v63  }
0x77: {  	_ =	swait.ge [sflag:s23], $0x3000  }
0x78: {  	[sflag:s23] =	ssyncset.done $0x0  }
0x79: {  	s0 =	sadd.s32 $0x80, s31;
	s21 =	sadd.s32 $0xFFFFFFFF, s29;
	[sflag:s23] =	ssyncadd.s32 $0xFFFFD000  }
0x7a: {  	[spmem:s3] =	stream.indirect.scatter.add.f32 [tilespmem:s18], [sflag:$0x3], $0x80, s0, s19, $0xb8;
	[tilespmem:$0x1F400] =	vst v63  }
0x7b: {  	p1 =	sge.u32 s21, s26;
	_ =	swait.ge [sflag:s24], $0x3000  }
0x7c: {  	s5 =	simm.s32 @!p1 $0x19400;
	[sflag:s24] =	ssyncset.done $0x0  }
0x7d: {  	s0 =	sadd.s32 @!p1 $0x80, s2;
	s2 =	simm.s32 @!p1 $0x60;
	[sflag:s24] =	ssyncadd.s32 $0xFFFFD000  }
0x7e: {  	[tilespmem:s5], [sflag:$0x1] =	stream.indirect.gather @!p1 [hbm4b:s1+s2], $0x80, s0, s2, $0xb8;
	[tilespmem:$0x1F400] =	vst v63  }
0x7f: {  	_ =	swait.ge [sflag:s25], $0x3000  }
0x80: {  	[sflag:s25] =	ssyncset.done $0x0  }
0x81: {  	[sflag:s25] =	ssyncadd.s32 $0xFFFFD000  }
0x82: {  	[spmem:s3] =	stream.indirect.scatter.add.f32 [tilespmem:s22], [sflag:$0x3], $0x80, s30, s19, $0xb8;
	[tilespmem:$0x1F400] =	vst v63  }
0x83: {  	p1 =	sge.u32 s29, s26;
	_ =	swait.ge [sflag:s24], $0x3000  }
0x84: {  	s0 =	sadd.s32 $0x100, s28;
	s2 =	simm.s32 @!p1 $0x60;
	[sflag:s24] =	ssyncset.done $0x0  }
0x85: {  	s5 =	simm.s32 @!p1 $0x1C400;
	s30 =	stileid.u32;
	[sflag:s24] =	ssyncadd.s32 $0xFFFFD000  }
0x86: {  	[tilespmem:s5], [sflag:$0x2] =	stream.indirect.gather @!p1 [hbm4b:s1+s2], $0x80, s0, s2, $0xb8;
	[tilespmem:$0x1F400] =	vst v63  }
0x87: {  	s31 =	sshrl.u32 s7, $0x3;
	s4 =	sadd.s32 $0x1, s4;
	s0 =	sshll.u32 s30, $0x6  }
0x88: {  	p1 =	sne.s32 s4, s17;
	[bflag:$0x0] =	sbarrier.arrive $0xFFFF;
	s0 =	sor.u32 $0x1C03, s0  }
0x89: {  	[hbm:s16], [sflag:s0] =	dma.local [spmem:s31], $0x2780  }
.Ltmp3:
0x8a: {  	_ =	swait.ge [sflag:s24], $0x2780;
	(pc) =	sbr.rel @p1 .LBB2_1-.Ltmp3, $3  }
0x8b: {  	[sflag:s24] =	ssyncset.done $0x0  }
0x8c: {  	[sflag:s24] =	ssyncadd.s32 $0xFFFFD880  }
0x8d: {  	[bflag:$0x0] =	sbarrier.arrive $0xFFFF;
	_ =	sdelay $0x1  }
0x8e: {  	_ =	sfence.sel $0x180000  }
0x8f: {  	[bflag:$0x0] =	sbarrier.arrive $0xFFFF  }
0x90: {  	_ =	strace $0x90000047  }
0x91: {  	s0 =	stileid.u32;
	[bflag:$0x2] =	sbarrier.arrive $0xFFFF  }
0x92: {  	p0 =	sne.s32 s0, $0x0;
	s0 =	rddreg [dreg:$0x4]  }
0x93: {  	s0 =	sadd.s32 @!p0 $0x100000, s0  }
0x94: {  	[sflag:s0] =	ssyncadd.tile.s32 @!p0 $0x1;
	_ =	shalt  }
.Lfunc_end2:
_tile_overlayer_lowered:
.L_overlay_start_2:
0x95: {  	(tag) =	ssettag $0x2  }
0x96: {  	s0 =	rddreg [dreg:$0x0];
	s2 =	stileid.u32  }
0x97: {  	s1 =	rddreg [dreg:$0x1];
	p0 =	sne.s32 s2, $0x0  }
0x98: {  	s3 =	rddreg [dreg:$0x2];
	[bflag:$0x3] =	sbarrier.arrive $0xFFFF;
	s2 =	simm.s32 @!p0 $0x1C03  }
0x99: {  	[timem:s3], [sflag:s2] =	dma.local @!p0 [hbm:s0], s1  }
0x9a: {  	s0 =	simm.s32 @!p0 $0x3  }
0x9b: {  	_ =	swait.ge @!p0 [sflag:s0], s1  }
0x9c: {  	s1 =	ssub.s32 @!p0 $0x0, s1;
	[sflag:s0] =	ssyncset.done @!p0 $0x0  }
0x9d: {  	[sflag:s0] =	ssyncadd.s32 @!p0 s1  }
0x9e: {  	[bflag:$0x3] =	sbarrier.arrive $0xFFFF  }
0x9f: {  	_ =	shalt  }

// kernel: kernel.9.cloned.1.call-start
scs
__scs_entry_jumppad:
0x0: {  	(pc) =	sbr.rel $0x88, $3  }
0x1: {  	(tag) =	ssettag $0x0;
	lr =	simm.s32 $0x1  }
0x2: {  	[smem:$0x3F93] =	sst lr;
	_ =	strace $0xD0000000  }
0x3: {  	_ = 	snop  }
0x4: {  	_ = 	snop  }
0x5: {  	_ = 	snop  }
0x6: {  	_ = 	snop  }
0x7: {  	_ = 	snop  }
__scs_overlays_trampoline_lowered:
0x8: {  	[smem:$0x3FA2] =	sst s0  }
0x9: {  	[smem:$0x3FA3] =	sst s1  }
0xa: {  	[smem:$0x3FA4] =	sst s2  }
0xb: {  	[smem:$0x3FA5] =	sst s3  }
0xc: {  	[smem:$0x3FA6] =	sst s4  }
0xd: {  	[smem:$0x3FA7] =	sst s5  }
0xe: {  	[smem:$0x3FA8] =	sst s6  }
0xf: {  	[smem:$0x3FA9] =	sst s7  }
0x10: {  	[smem:$0x3FAA] =	sst s8  }
0x11: {  	[smem:$0x3FAB] =	sst s9;
	s0 =	simm.s32 @!p0 $0x0  }
0x12: {  	s1 =	sld [smem:$0x3F91];
	s0 =	simm.s32 @p0 $0x1  }
0x13: {  	[smem:$0x3FAC] =	sst s0;
	s0 =	simm.s32 @!p1 $0x0  }
0x14: {  	s2 =	sld [smem:$0x3F90];
	s0 =	simm.s32 @p1 $0x1  }
0x15: {  	[smem:$0x3FAD] =	sst s0;
	s0 =	simm.s32 @!p2 $0x0  }
0x16: {  	s3 =	sld [smem:$0x3FDB];
	s0 =	simm.s32 @p2 $0x1  }
0x17: {  	s4 =	simm.s32 $0x1BF5;
	[smem:$0x3FAF] =	sst s0  }
0x18: {  	s0 =	sld [smem:$0x3F92];
	_ =	swait.ge [sflag:s4], $0x0  }
0x19: {  	s7 =	sld [smem:$0x3F93]  }
0x1a: {  	s8 =	sadd.s32 $0xFFFFE003, lr  }
0x1b: {  	s9 =	sadd.s32 $0xFFFFFEF7, lr;
	s5 =	simm.s32 $0xFFFFFFFF;
	p2 =	slt.u32 s8, $0xFFFFF086  }
0x1c: {  	p1 =	slt.u32 s9, $0xF7A;
	s5 =	simm.s32 @!p2 $0x0  }
0x1d: {  	s5 =	simm.s32 @p1 $0x1;
	p0 =	seq.s32 s7, s2  }
0x1e: {  	s7 =	smul.u32 @!p0 $0xF7A, s2;
	p2 =	seq.s32 @!p0 s5, $0x0  }
0x1f: {  	s9 =	smul.u32 $0xF7A, s1;
	s8 =	simm.s32 @!p0 $0x1BF5;
	p2 =	por !p2, p0  }
0x20: {  	[sflag:s8] =	ssyncset.s32 @!p0 $0xFFFFF086;
	s6 =	sadd.s32 @!p0 s3, s7;
	s7 =	simm.s32 @!p0 $0x108  }
0x21: {  	s3 =	sadd.s32 s3, s9;
	s6 =	sadd.s32 @!p0 $0x88, s6;
	s7 =	simm.s32 @p2 $0x1082  }
0x22: {  	[simem:s7], [sflag:s8] =	dma.local @!p0 [hbm:s6], $0xF7A  }
0x23: {  	s9 =	sor.u32 $0xD0000000, s2;
	s6 =	simm.s32 $0x108;
	_ =	swait.ge @!p0 [sflag:s8], $0x0  }
0x24: {  	s3 =	sadd.s32 $0x88, s3;
	s6 =	simm.s32 @!p1 $0x1082;
	[sflag:s4] =	ssyncset.s32 $0xFFFFF086  }
0x25: {  	[simem:s6], [sflag:s4] =	dma.local [hbm:s3], $0xF7A  }
0x26: {  	[smem:$0x3F93] =	sst s1;
	(tag) =	ssettag s2;
	_ =	strace s9  }
0x27: {  	s1 =	sld [smem:$0x3FA3]  }
0x28: {  	s2 =	sld [smem:$0x3FA4]  }
0x29: {  	s4 =	sld [smem:$0x3FA6]  }
0x2a: {  	p0 =	seq.s32 s5, $0x0;
	s5 =	sld [smem:$0x3FA7]  }
0x2b: {  	s6 =	sld [smem:$0x3FA8]  }
0x2c: {  	s7 =	sld [smem:$0x3FA9]  }
0x2d: {  	s3 =	simm.s32 $0x108;
	s8 =	sld [smem:$0x3FAA]  }
0x2e: {  	s3 =	simm.s32 @!p0 $0x1082;
	s9 =	sld [smem:$0x3FAB]  }
0x2f: {  	lr =	sadd.s32 s0, s3;
	s0 =	sld [smem:$0x3FA2]  }
0x30: {  	s3 =	sld [smem:$0x3FA5]  }
0x31: {  	[smem:$0x3FAE] =	sst s10  }
0x32: {  	s10 =	sld [smem:$0x3FAC];
	_ =	sdelay $0x3  }
0x33: {  	p0 =	seq.s32 s10, $0x1;
	s10 =	sld [smem:$0x3FAE];
	_ =	sdelay $0x3  }
0x34: {  	[smem:$0x3FAE] =	sst s10  }
0x35: {  	s10 =	sld [smem:$0x3FAD];
	_ =	sdelay $0x3  }
0x36: {  	p1 =	seq.s32 s10, $0x1;
	s10 =	sld [smem:$0x3FAE];
	_ =	sdelay $0x3  }
0x37: {  	[smem:$0x3FAE] =	sst s10  }
0x38: {  	s10 =	sld [smem:$0x3FAF]  }
0x39: {  	_ = 	snop;
	(pc) =	sbr.ind lr, $3  }
0x3a: {  	_ = 	snop  }
0x3b: {  	_ = 	snop  }
0x3c: {  	p2 =	seq.s32 s10, $0x1;
	s10 =	sld [smem:$0x3FAE]  }
0x3d: {  	_ =	shalt  }
0x3e: {  	_ =	shalt  }
0x3f: {  	_ =	shalt  }
0x40: {  	_ =	shalt  }
0x41: {  	_ =	shalt  }
0x42: {  	_ =	shalt  }
0x43: {  	_ =	shalt  }
0x44: {  	_ =	shalt  }
0x45: {  	_ =	shalt  }
0x46: {  	_ =	shalt  }
0x47: {  	_ =	shalt  }
0x48: {  	_ =	shalt  }
0x49: {  	_ =	shalt  }
0x4a: {  	_ =	shalt  }
0x4b: {  	_ =	shalt  }
0x4c: {  	_ =	shalt  }
0x4d: {  	_ =	shalt  }
0x4e: {  	_ =	shalt  }
0x4f: {  	_ =	shalt  }
0x50: {  	_ =	shalt  }
0x51: {  	_ =	shalt  }
0x52: {  	_ =	shalt  }
0x53: {  	_ =	shalt  }
0x54: {  	_ =	shalt  }
0x55: {  	_ =	shalt  }
0x56: {  	_ =	shalt  }
0x57: {  	_ =	shalt  }
0x58: {  	_ =	shalt  }
0x59: {  	_ =	shalt  }
0x5a: {  	_ =	shalt  }
0x5b: {  	_ =	shalt  }
0x5c: {  	_ =	shalt  }
0x5d: {  	_ =	shalt  }
0x5e: {  	_ =	shalt  }
0x5f: {  	_ =	shalt  }
0x60: {  	_ =	shalt  }
0x61: {  	_ =	shalt  }
0x62: {  	_ =	shalt  }
0x63: {  	_ =	shalt  }
0x64: {  	_ =	shalt  }
0x65: {  	_ =	shalt  }
0x66: {  	_ =	shalt  }
0x67: {  	_ =	shalt  }
0x68: {  	_ =	shalt  }
0x69: {  	_ =	shalt  }
0x6a: {  	_ =	shalt  }
0x6b: {  	_ =	shalt  }
0x6c: {  	_ =	shalt  }
0x6d: {  	_ =	shalt  }
0x6e: {  	_ =	shalt  }
0x6f: {  	_ =	shalt  }
0x70: {  	_ =	shalt  }
0x71: {  	_ =	shalt  }
0x72: {  	_ =	shalt  }
0x73: {  	_ =	shalt  }
0x74: {  	_ =	shalt  }
0x75: {  	_ =	shalt  }
0x76: {  	_ =	shalt  }
0x77: {  	_ =	shalt  }
0x78: {  	_ =	shalt  }
0x79: {  	_ =	shalt  }
0x7a: {  	_ =	shalt  }
0x7b: {  	_ =	shalt  }
0x7c: {  	_ =	shalt  }
0x7d: {  	_ =	shalt  }
0x7e: {  	_ =	shalt  }
0x7f: {  	_ =	shalt  }
0x80: {  	_ =	shalt  }
0x81: {  	_ =	shalt  }
0x82: {  	_ =	shalt  }
0x83: {  	_ =	shalt  }
0x84: {  	_ =	shalt  }
0x85: {  	_ =	shalt  }
0x86: {  	_ =	shalt  }
0x87: {  	_ =	shalt  }
.Lfunc_end0:
.L_simem_size_0:
called_computation.1_lowered:
.L_overlay_start_0:
0x88: {  	s2 =	sld [smem:$0x3FD9]  }
0x89: {  	s3 =	sld [smem:$0x3FFE];
	_ =	sdelay $0x1  }
0x8a: {  	s1 =	srdreg.scid  }
0x8b: {  	s0 =	sand.u32 $0x1, s1  }
0x8c: {  	s16 =	sshll.u32 s0, $0xA;
	s2 =	sadd.s32 s3, s2  }
0x8d: {  	s2 =	sadd.s32 s2, s16  }
0x8e: {  	[smem:$0x3FBA] =	sst s2  }
0x8f: {  	_ = 	snop  }
0x90: {  	(tm) =	ssettm $0x1  }
0x91: {  	s17 =	sld [smem:$0x3FFB];
	_ =	sdelay $0x3  }
0x92: {  	_ =	strace s17  }
0x93: {  	s2 =	sld [smem:$0x3FFC];
	_ =	sdelay $0x3  }
0x94: {  	_ =	strace s2  }
0x95: {  	s2 =	sld [smem:$0x3FFD];
	_ =	sdelay $0x3  }
0x96: {  	_ =	strace s2  }
0x97: {  	_ =	strace $0x8FFFFFFF  }
0x98: {  	s18 =	sld [smem:$0x3FDB];
	_ =	sdelay $0x1  }
0x99: {  	s19 =	simm.s32 $_scs_section_size  }
0x9a: {  	s4 =	simm.s32 $_size__tile_overlayer_lowered;
	s5 =	simm.s32 $_tile_overlayer_lowered  }
0x9b: {  	s22 =	simm.s32 $0x1BFF;
	s21 =	sshll.u32 s5, $0x1;
	s2 =	sadd.s32 s19, s18  }
0x9c: {  	s6 =	simm.s32 $0x0;
	s20 =	sshll.u32 s4, $0x1;
	s4 =	sadd.s32 s21, s2  }
0x9d: {  	[timem:s6], [sflag:s22] =	dma.local [hbm:s4], s20  }
0x9e: {  	_ =	swait.ge [sflag:s22], s20  }
0x9f: {  	s3 =	ssub.s32 $0x0, s20;
	[sflag:s22] =	ssyncset.done $0x0  }
0xa0: {  	[sflag:s22] =	ssyncadd.s32 s3;
	_ =	sdelay $0x1  }
0xa1: {  	s23 =	simm.s32 $0x1B8B  }
0xa2: {  	_ =	swait.ge [sflag:s23], $0x1  }
0xa3: {  	[sflag:s23] =	ssyncset.done $0x0  }
0xa4: {  	s25 =	simm.s32 $0x1B8E;
	s24 =	sld [smem:$0x3FFE];
	[sflag:s23] =	ssyncadd.s32 $0xFFFFFFFF  }
0xa5: {  	s26 =	simm.s32 $execute0_lowered;
	[smem:$0x3FD2] =	sst s25  }
0xa6: {  	s4 =	sshll.u32 s26, $0x1;
	_ =	strace $0x80000049;
	[dreg:$0x1] =	wrdreg $0xFFFFFFFF  }
0xa7: {  	s28 =	simm.s32 $_size_execute0_lowered;
	s2 =	sadd.s32 s2, s4;
	[dreg:$0x0] =	wrdreg $0x0  }
0xa8: {  	s4 =	sshll.u32 s28, $0x1;
	[dreg:$0x2] =	wrdreg s2  }
0xa9: {  	[dreg:$0x3] =	wrdreg s4  }
0xaa: {  	[dreg:$0x4] =	wrdreg $0xC0  }
0xab: {  	_ =	task [dreg:s6], $0x5FFFF  }
0xac: {  	[dreg:$0x1] =	wrdreg $0xFFFFFFFF  }
0xad: {  	[dreg:$0x0] =	wrdreg $0x60  }
0xae: {  	[dreg:$0x2] =	wrdreg s24  }
0xaf: {  	[dreg:$0x3] =	wrdreg $0x0  }
0xb0: {  	[dreg:$0x4] =	wrdreg $0x9  }
0xb1: {  	_ =	task.clear_ibuf [dreg:s6], $0x5FFFF;
	_ =	strace $0x90000049  }
0xb2: {  	s29 =	simm.s32 $0x9;
	_ =	strace $0x8000004B  }
0xb3: {  	_ =	swait.ge [sflag:s29], $0x1  }
0xb4: {  	[sflag:s29] =	ssyncadd.s32 $0xFFFFFFFF  }
0xb5: {  	_ =	strace $0x9000004B  }
0xb6: {  	_ =	sfence  }
0xb7: {  	s30 =	sld [smem:$0x0];
	_ =	sdelay $0x2  }
0xb8: {  	s31 =	sshll.u32 s1, $0xD;
	s1 =	sshrl.u32 s1, $0x2  }
0xb9: {  	s3 =	sand.u32 $0x4000, s31;
	s1 =	sadd.s32 s1, s30  }
0xba: {  	s0 =	sor.u32 s3, s0;
	s1 =	sshll.u32 s1, $0x11  }
0xbb: {  	s0 =	sor.u32 s1, s0  }
0xbc: {  	s0 =	sadd.s32 $0x8F2B, s0  }
0xbd: {  	[sflag:s0] =	ssyncadd.remote.s32 $0x1  }
0xbe: {  	_ =	sfence.sel $0xFFFF  }
0xbf: {  	[dreg:$0x0] =	wrdreg $0xFFFFFFFF;
	(pc) =	sbr.abs _section_cstart, $3  }
0xc0: {  	[dreg:$0x1] =	wrdreg $0xFFFFFFFF  }
0xc1: {  	_ =	task.clear_ibuf [dreg:s6], $0x2FFFF;
	_ =	strace $0x9FFFFFFF  }
0xc2: {  	(tm) =	ssettm $0x7FFFFFFF  }
0xc3: {  	_ =	shalt  }
tec
execute0_lowered:
.L_overlay_start_1:
0x0: {  	(tag) =	ssettag $0x1  }
0x1: {  	s0 =	rddreg [dreg:$0x0]  }
0x2: {  	s2 =	rddreg [dreg:$0x1];
	s4 =	stileid.u32  }
0x3: {  	s18 =	simm.s32 $0x0;
	s3 =	srdreg.scid;
	s1 =	smul.u32 $0x580, s4  }
0x4: {  	s19 =	simm.s32 $0x19400;
	s20 =	simm.s32 $0x60;
	s5 =	smul.u32 $0x180, s4  }
0x5: {  	s23 =	simm.s32 $0x1C400;
	[smem:$0x7FF] =	sst s18;
	s9 =	smul.u32 $0x4F000, s4  }
0x6: {  	s3 =	sand.u32 $0x1, s3;
	s6 =	sadd.s32 $0xFC00, s0;
	s31 =	smul.u32 $0x13C00, s4  }
0x7: {  	_ =	strace $0x8000004A;
	[dreg:$0x4] =	wrdreg s6;
	s24 =	ssub.s32 $0x2, s3  }
0x8: {  	s30 =	smul.u32 $0xC58000, s3;
	p0 =	sne.s32 s3, $0x0;
	s1 =	sadd.s32 s1, s0  }
0x9: {  	s7 =	sadd.s32 s5, s0;
	s8 =	sshrl.u32 s24, $0x1;
	s0 =	sadd.s32 $0x19AC00, s0  }
0xa: {  	s29 =	sshrl.u32 s9, $0x2;
	[dreg:$0x5] =	wrdreg s0;
	s5 =	sadd.s32 $0x1C00, s7  }
0xb: {  	s25 =	ssub.s32 s24, s8;
	s26 =	sadd.s32 $0x3400, s7;
	[dreg:$0x6] =	wrdreg s5  }
0xc: {  	s28 =	sadd.s32 $0x4C00, s1;
	s1 =	sadd.s32 $0xA400, s1;
	[dreg:$0x7] =	wrdreg s26  }
0xd: {  	s10 =	sadd.s32 s29, s2;
	s17 =	sadd.s32 s30, s31;
	[dreg:$0x8] =	wrdreg s28  }
0xe: {  	s24 =	simm.s32 $0x1;
	[dreg:$0x9] =	wrdreg s1;
	s11 =	sadd.s32 $0x3000, s10  }
0xf: {  	s12 =	sadd.s32 $0x6000, s10;
	s13 =	sadd.s32 $0x9000, s10;
	s14 =	sadd.s32 $0xC000, s10  }
0x10: {  	s15 =	sadd.s32 $0xF000, s10;
	s16 =	sadd.s32 $0x12000, s10;
	s0 =	smax.u32 s25, $0x1  }
0x11: {  	v0 =	vimm.f32 $0.0e+00;
	s25 =	simm.s32 $0x3;
	s26 =	simm.s32 $0x2;
	[dreg:$0xa] =	wrdreg s0  }
.LBB2_1:
0x12: {  	s0 =	simm.s32 @p0 $0x0;
	s1 =	simm.s32 @p0 $0x13C00;
	s3 =	rddreg [dreg:$0x6]  }
0x13: {  	[tilespmem:s1], [sflag:$0x3] =	stream.linear.gather @p0 [hbm4b:s3+s0], $0x900, $0x38;
	[tilespmem:$0x1F400] =	vst v63  }
0x14: {  	[dreg:$0x3] =	wrdreg s18;
	s1 =	simm.s32 @p0 $0x3  }
0x15: {  	_ =	swait.ge @p0 [sflag:s1], $0x900  }
0x16: {  	[sflag:s1] =	ssyncset.done @p0 $0x0  }
0x17: {  	s3 =	simm.s32 @p0 $0x16800;
	s4 =	rddreg [dreg:$0x7];
	[sflag:s1] =	ssyncadd.s32 @p0 $0xFFFFF700  }
0x18: {  	[tilespmem:s3], [sflag:$0x3] =	stream.linear.gather @p0 [hbm4b:s4+s0], $0x900, $0x38;
	[tilespmem:$0x1F400] =	vst v63  }
0x19: {  	_ =	swait.ge @p0 [sflag:s1], $0x900  }
0x1a: {  	s0 =	simm.s32 @!p0 $0x0;
	[sflag:s1] =	ssyncset.done @p0 $0x0  }
0x1b: {  	s3 =	rddreg [dreg:$0x8];
	[sflag:s1] =	ssyncadd.s32 @p0 $0xFFFFF700;
	s1 =	simm.s32 @!p0 $0x13C00  }
0x1c: {  	[tilespmem:s1], [sflag:$0x3] =	stream.linear.gather @!p0 [hbm4b:s3+s0], $0x2C00, $0x38;
	[tilespmem:$0x1F400] =	vst v63  }
0x1d: {  	s1 =	simm.s32 @!p0 $0x3  }
0x1e: {  	_ =	swait.ge @!p0 [sflag:s1], $0x2C00  }
0x1f: {  	s28 =	simm.s32 @!p0 $0x58;
	[sflag:s1] =	ssyncset.done @!p0 $0x0  }
0x20: {  	s3 =	simm.s32 @!p0 $0x16800;
	s4 =	rddreg [dreg:$0x9];
	[sflag:s1] =	ssyncadd.s32 @!p0 $0xFFFFD400  }
0x21: {  	[tilespmem:s3], [sflag:$0x3] =	stream.linear.gather @!p0 [hbm4b:s4+s0], $0x2C00, $0x38;
	[tilespmem:$0x1F400] =	vst v63  }
0x22: {  	s28 =	simm.s32 @p0 $0x12;
	_ =	swait.ge @!p0 [sflag:s1], $0x2C00  }
0x23: {  	s31 =	sshrl.u32 s28, $0x1;
	[sflag:s1] =	ssyncset.done @!p0 $0x0  }
0x24: {  	s30 =	simm.s32 $0x0;
	s29 =	sadd.s32 $0xFFFFFFFF, s31;
	[sflag:s1] =	ssyncadd.s32 @!p0 $0xFFFFD400  }
.LBB2_2:
0x25: {  	s0 =	simm.s32 $0x0;
	s1 =	simm.s32 $0x200  }
.LBB2_3:
0x26: {  	p1 =	sne.s32 s1, $0xBE00;
	[tilespmem:s0+$0x19470] =	vst v0  }
0x27: {  	[tilespmem:s0+$0x19400] =	vst v0  }
0x28: {  	[tilespmem:s0+$0x19410] =	vst v0  }
.Ltmp0:
0x29: {  	[tilespmem:s0+$0x19420] =	vst v0;
	(pc) =	sbr.rel @p1 .LBB2_3-.Ltmp0, $4  }
0x2a: {  	[tilespmem:s0+$0x19430] =	vst v0  }
0x2b: {  	[tilespmem:s0+$0x19440] =	vst v0  }
0x2c: {  	[tilespmem:s0+$0x19450] =	vst v0  }
0x2d: {  	[tilespmem:s0+$0x19460] =	vst v0;
	s0 =	sshra.s32 s1, $0x2;
	s1 =	sadd.s32 $0x200, s1  }
0x2e: {  	[tilespmem:s0+$0x19470] =	vst v0  }
0x2f: {  	[tilespmem:s0+$0x19400] =	vst v0  }
0x30: {  	[tilespmem:s0+$0x19410] =	vst v0  }
0x31: {  	[tilespmem:s0+$0x19420] =	vst v0  }
0x32: {  	[tilespmem:s0+$0x19430] =	vst v0  }
0x33: {  	[tilespmem:s0+$0x19440] =	vst v0  }
0x34: {  	[tilespmem:s0+$0x19450] =	vst v0  }
0x35: {  	[tilespmem:s0+$0x19460] =	vst v0;
	s8 =	simm.s32 $0x3  }
0x36: {  	[spmem:s10] =	stream.linear.scatter [tilespmem:s19], [sflag:$0x3], $0x3000, $0x38;
	[tilespmem:$0x1F400] =	vst v63  }
0x37: {  	_ =	swait.ge [sflag:s8], $0x3000  }
0x38: {  	[sflag:s8] =	ssyncset.done $0x0  }
0x39: {  	[sflag:s8] =	ssyncadd.s32 $0xFFFFD000  }
0x3a: {  	[spmem:s11] =	stream.linear.scatter [tilespmem:s19], [sflag:$0x3], $0x3000, $0x38;
	[tilespmem:$0x1F400] =	vst v63  }
0x3b: {  	_ =	swait.ge [sflag:s8], $0x3000  }
0x3c: {  	[sflag:s8] =	ssyncset.done $0x0  }
0x3d: {  	[sflag:s8] =	ssyncadd.s32 $0xFFFFD000  }
0x3e: {  	[spmem:s12] =	stream.linear.scatter [tilespmem:s19], [sflag:$0x3], $0x3000, $0x38;
	[tilespmem:$0x1F400] =	vst v63  }
0x3f: {  	_ =	swait.ge [sflag:s8], $0x3000  }
0x40: {  	[sflag:s8] =	ssyncset.done $0x0  }
0x41: {  	[sflag:s8] =	ssyncadd.s32 $0xFFFFD000  }
0x42: {  	[spmem:s13] =	stream.linear.scatter [tilespmem:s19], [sflag:$0x3], $0x3000, $0x38;
	[tilespmem:$0x1F400] =	vst v63  }
0x43: {  	_ =	swait.ge [sflag:s8], $0x3000  }
0x44: {  	[sflag:s8] =	ssyncset.done $0x0  }
0x45: {  	[sflag:s8] =	ssyncadd.s32 $0xFFFFD000  }
0x46: {  	[spmem:s14] =	stream.linear.scatter [tilespmem:s19], [sflag:$0x3], $0x3000, $0x38;
	[tilespmem:$0x1F400] =	vst v63  }
0x47: {  	_ =	swait.ge [sflag:s8], $0x3000  }
0x48: {  	[sflag:s8] =	ssyncset.done $0x0  }
0x49: {  	[sflag:s8] =	ssyncadd.s32 $0xFFFFD000  }
0x4a: {  	[spmem:s15] =	stream.linear.scatter [tilespmem:s19], [sflag:$0x3], $0x3000, $0x38;
	[tilespmem:$0x1F400] =	vst v63  }
0x4b: {  	_ =	swait.ge [sflag:s8], $0x3000  }
0x4c: {  	[sflag:s8] =	ssyncset.done $0x0  }
0x4d: {  	[sflag:s8] =	ssyncadd.s32 $0xFFFFD000  }
0x4e: {  	[spmem:s16] =	stream.linear.scatter [tilespmem:s19], [sflag:$0x3], $0x1C00, $0x38;
	[tilespmem:$0x1F400] =	vst v63  }
0x4f: {  	_ =	swait.ge [sflag:s8], $0x1C00  }
0x50: {  	[sflag:s8] =	ssyncset.done $0x0  }
0x51: {  	s31 =	smul.u32 $0x13C000, s30;
	[sflag:s8] =	ssyncadd.s32 $0xFFFFE400  }
0x52: {  	[bflag:$0x0] =	sbarrier.arrive $0xFFFF  }
0x53: {  	s9 =	sshrl.u32 s31, $0x3;
	s1 =	rddreg [dreg:$0x4]  }
0x54: {  	s18 =	simm.s32 $0x13C00;
	s0 =	sadd.s32 s1, s9  }
0x55: {  	[tilespmem:s19], [sflag:$0x1] =	stream.indirect.gather [hbm4b:s0+s20], $0x80, s18, s20, $0xb8;
	[tilespmem:$0x1F400] =	vst v63  }
0x56: {  	s21 =	simm.s32 $0x13C80  }
0x57: {  	[tilespmem:s23], [sflag:$0x2] =	stream.indirect.gather [hbm4b:s0+s20], $0x80, s21, s20, $0xb8;
	[tilespmem:$0x1F400] =	vst v63  }
0x58: {  	_ =	swait.ge [sflag:s24], $0x3000  }
0x59: {  	[sflag:s24] =	ssyncset.done $0x0  }
0x5a: {  	s22 =	simm.s32 $0x16800;
	[sflag:s24] =	ssyncadd.s32 $0xFFFFD000  }
0x5b: {  	[spmem:s2] =	stream.indirect.scatter.add.f32 [tilespmem:s19], [sflag:$0x3], $0x80, s22, s20, $0xb8;
	[tilespmem:$0x1F400] =	vst v63  }
0x5c: {  	p1 =	sle.u32 s28, $0x2;
	p2 =	sle.u32 s28, $0x3;
	_ =	swait.ge [sflag:s25], $0x3000  }
0x5d: {  	s3 =	simm.s32 @!p1 $0x60;
	s6 =	simm.s32 @!p1 $0x19400;
	[sflag:s25] =	ssyncset.done $0x0  }
0x5e: {  	s1 =	simm.s32 @!p1 $0x13D00;
	s18 =	sadd.s32 $0xFFFFFFFF, s29;
	[sflag:s25] =	ssyncadd.s32 $0xFFFFD000  }
0x5f: {  	[tilespmem:s6], [sflag:$0x1] =	stream.indirect.gather @!p1 [hbm4b:s0+s3], $0x80, s1, s3, $0xb8;
	[tilespmem:$0x1F400] =	vst v63  }
0x60: {  	s7 =	simm.s32 $0x5;
	p1 =	sne.s32 s18, $0x0;
	_ =	swait.ge [sflag:s26], $0x3000  }
.Ltmp1:
0x61: {  	s8 =	simm.s32 $0x16980;
	[sflag:s26] =	ssyncset.done $0x0;
	(pc) =	sbr.rel @!p1 .LBB2_6-.Ltmp1, $4  }
0x62: {  	s9 =	simm.s32 $0x16880;
	s21 =	simm.s32 @!p2 $0x60;
	[sflag:s26] =	ssyncadd.s32 $0xFFFFD000  }
0x63: {  	[spmem:s2] =	stream.indirect.scatter.add.f32 [tilespmem:s23], [sflag:$0x3], $0x80, s9, s20, $0xb8;
	[tilespmem:$0x1F400] =	vst v63  }
0x64: {  	s22 =	simm.s32 @!p2 $0x1C400;
	s6 =	simm.s32 $0x13D80;
	_ =	swait.ge [sflag:s25], $0x3000  }
0x65: {  	s1 =	simm.s32 $0x13D80;
	s3 =	simm.s32 $0x13D80;
	[sflag:s25] =	ssyncset.done $0x0  }
.LBB2_5:
0x66: {  	s3 =	smov.u32 s6;
	s9 =	smov.u32 s8  }
0x67: {  	s18 =	sadd.s32 $0xFFFFFFFF, s18;
	s6 =	sadd.s32 $0x100, s6;
	[sflag:s25] =	ssyncadd.s32 $0xFFFFD000  }
0x68: {  	[tilespmem:s22], [sflag:$0x2] =	stream.indirect.gather @!p2 [hbm4b:s0+s21], $0x80, s1, s21, $0xb8;
	[tilespmem:$0x1F400] =	vst v63  }
0x69: {  	p1 =	sne.s32 s18, $0x0;
	s1 =	smov.u32 s6;
	_ =	swait.ge [sflag:s24], $0x3000  }
0x6a: {  	s21 =	sadd.s32 $0xFFFFFF80, s8;
	s22 =	smov.u32 s8;
	[sflag:s24] =	ssyncset.done $0x0  }
0x6b: {  	s4 =	sadd.s32 $0xFFFFFFFF, s7;
	[sflag:s24] =	ssyncadd.s32 $0xFFFFD000  }
0x6c: {  	[spmem:s2] =	stream.indirect.scatter.add.f32 [tilespmem:s19], [sflag:$0x3], $0x80, s21, s20, $0xb8;
	[tilespmem:$0x1F400] =	vst v63  }
0x6d: {  	p2 =	sge.u32 s4, s28;
	_ =	swait.ge [sflag:s25], $0x3000  }
0x6e: {  	s4 =	sadd.s32 @!p2 $0xFFFFFF80, s6;
	s21 =	simm.s32 @!p2 $0x60;
	[sflag:s25] =	ssyncset.done $0x0  }
0x6f: {  	s5 =	simm.s32 @!p2 $0x19400;
	[sflag:s25] =	ssyncadd.s32 $0xFFFFD000  }
0x70: {  	[tilespmem:s5], [sflag:$0x1] =	stream.indirect.gather @!p2 [hbm4b:s0+s21], $0x80, s4, s21, $0xb8;
	[tilespmem:$0x1F400] =	vst v63  }
0x71: {  	_ =	swait.ge [sflag:s26], $0x3000  }
.Ltmp2:
0x72: {  	[sflag:s26] =	ssyncset.done $0x0;
	(pc) =	sbr.rel @p1 .LBB2_5-.Ltmp2, $4  }
0x73: {  	s8 =	sadd.s32 $0x100, s8;
	[sflag:s26] =	ssyncadd.s32 $0xFFFFD000  }
0x74: {  	[spmem:s2] =	stream.indirect.scatter.add.f32 [tilespmem:s23], [sflag:$0x3], $0x80, s22, s20, $0xb8;
	[tilespmem:$0x1F400] =	vst v63  }
0x75: {  	p2 =	sge.u32 s7, s28;
	s7 =	sadd.s32 $0x2, s7;
	_ =	swait.ge [sflag:s25], $0x3000  }
0x76: {  	s21 =	simm.s32 @!p2 $0x60;
	s22 =	simm.s32 @!p2 $0x1C400;
	[sflag:s25] =	ssyncset.done $0x0  }
.LBB2_6:
0x77: {  	[sflag:s25] =	ssyncadd.s32 $0xFFFFD000  }
0x78: {  	[tilespmem:s22], [sflag:$0x2] =	stream.indirect.gather @!p2 [hbm4b:s0+s21], $0x80, s1, s21, $0xb8;
	[tilespmem:$0x1F400] =	vst v63  }
0x79: {  	_ =	swait.ge [sflag:s24], $0x3000  }
0x7a: {  	[sflag:s24] =	ssyncset.done $0x0  }
0x7b: {  	s5 =	sadd.s32 $0x80, s9;
	s9 =	sadd.s32 $0xFFFFFFFF, s7;
	[sflag:s24] =	ssyncadd.s32 $0xFFFFD000  }
0x7c: {  	[spmem:s2] =	stream.indirect.scatter.add.f32 [tilespmem:s19], [sflag:$0x3], $0x80, s5, s20, $0xb8;
	[tilespmem:$0x1F400] =	vst v63  }
0x7d: {  	p1 =	sge.u32 s9, s28;
	_ =	swait.ge [sflag:s25], $0x3000  }
0x7e: {  	s1 =	sadd.s32 @!p1 $0x80, s3;
	[sflag:s25] =	ssyncset.done $0x0  }
0x7f: {  	s3 =	simm.s32 @!p1 $0x60;
	s4 =	simm.s32 @!p1 $0x19400;
	[sflag:s25] =	ssyncadd.s32 $0xFFFFD000  }
0x80: {  	[tilespmem:s4], [sflag:$0x1] =	stream.indirect.gather @!p1 [hbm4b:s0+s3], $0x80, s1, s3, $0xb8;
	[tilespmem:$0x1F400] =	vst v63  }
0x81: {  	_ =	swait.ge [sflag:s26], $0x3000  }
0x82: {  	[sflag:s26] =	ssyncset.done $0x0  }
0x83: {  	[sflag:s26] =	ssyncadd.s32 $0xFFFFD000  }
0x84: {  	[spmem:s2] =	stream.indirect.scatter.add.f32 [tilespmem:s23], [sflag:$0x3], $0x80, s8, s20, $0xb8;
	[tilespmem:$0x1F400] =	vst v63  }
0x85: {  	s18 =	sadd.s32 s31, s17;
	s31 =	sshrl.u32 s10, $0x3;
	_ =	swait.ge [sflag:s25], $0x3000  }
0x86: {  	s1 =	sadd.s32 $0x100, s6;
	p1 =	sge.u32 s7, s28;
	[sflag:s25] =	ssyncset.done $0x0  }
0x87: {  	s3 =	simm.s32 @!p1 $0x60;
	s4 =	simm.s32 @!p1 $0x1C400;
	[sflag:s25] =	ssyncadd.s32 $0xFFFFD000  }
0x88: {  	[tilespmem:s4], [sflag:$0x2] =	stream.indirect.gather @!p1 [hbm4b:s0+s3], $0x80, s1, s3, $0xb8;
	[tilespmem:$0x1F400] =	vst v63  }
0x89: {  	s30 =	sadd.s32 $0x1, s30;
	s21 =	stileid.u32;
	[bflag:$0x0] =	sbarrier.arrive $0xFFFF  }
0x8a: {  	s0 =	sshrl.u32 s18, $0x3;
	s1 =	sshll.u32 s21, $0x6;
	s22 =	rddreg [dreg:$0x5]  }
0x8b: {  	p1 =	sne.s32 s30, $0xA;
	s1 =	sor.u32 $0x1C03, s1;
	s0 =	sadd.s32 s22, s0  }
0x8c: {  	[hbm:s0], [sflag:s1] =	dma.local [spmem:s31], $0x2780  }
.Ltmp3:
0x8d: {  	_ =	swait.ge [sflag:s25], $0x2780;
	(pc) =	sbr.rel @p1 .LBB2_2-.Ltmp3, $3  }
0x8e: {  	[sflag:s25] =	ssyncset.done $0x0  }
0x8f: {  	[sflag:s25] =	ssyncadd.s32 $0xFFFFD880  }
0x90: {  	[bflag:$0x0] =	sbarrier.arrive $0xFFFF;
	_ =	sdelay $0x1  }
0x91: {  	s18 =	rddreg [dreg:$0x3]  }
0x92: {  	s0 =	rddreg [dreg:$0xa];
	s18 =	sadd.s32 $0x1, s18  }
0x93: {  	p1 =	sne.s32 s18, s0  }
.Ltmp4:
0x94: {  	_ = 	snop;
	(pc) =	sbr.rel @p1 .LBB2_1-.Ltmp4, $1  }
0x95: {  	_ =	sdelay $0x3  }
0x96: {  	_ =	sfence.sel $0x180000  }
0x97: {  	[bflag:$0x0] =	sbarrier.arrive $0xFFFF  }
0x98: {  	_ =	strace $0x9000004A  }
0x99: {  	s0 =	stileid.u32;
	[bflag:$0x2] =	sbarrier.arrive $0xFFFF  }
0x9a: {  	p0 =	sne.s32 s0, $0x0;
	s0 =	rddreg [dreg:$0x2]  }
0x9b: {  	s0 =	sadd.s32 @!p0 $0x100000, s0  }
0x9c: {  	[sflag:s0] =	ssyncadd.tile.s32 @!p0 $0x1;
	_ =	shalt  }
.Lfunc_end2:
_tile_overlayer_lowered:
.L_overlay_start_2:
0x9d: {  	(tag) =	ssettag $0x2  }
0x9e: {  	s0 =	rddreg [dreg:$0x0];
	s2 =	stileid.u32  }
0x9f: {  	s1 =	rddreg [dreg:$0x1];
	p0 =	sne.s32 s2, $0x0  }
0xa0: {  	s3 =	rddreg [dreg:$0x2];
	[bflag:$0x3] =	sbarrier.arrive $0xFFFF;
	s2 =	simm.s32 @!p0 $0x1C03  }
0xa1: {  	[timem:s3], [sflag:s2] =	dma.local @!p0 [hbm:s0], s1  }
0xa2: {  	s0 =	simm.s32 @!p0 $0x3  }
0xa3: {  	_ =	swait.ge @!p0 [sflag:s0], s1  }
0xa4: {  	s1 =	ssub.s32 @!p0 $0x0, s1;
	[sflag:s0] =	ssyncset.done @!p0 $0x0  }
0xa5: {  	[sflag:s0] =	ssyncadd.s32 @!p0 s1  }
0xa6: {  	[bflag:$0x3] =	sbarrier.arrive $0xFFFF  }
0xa7: {  	_ =	shalt  }

</sc_bundles>
